<compile_context>
chip_gen: v7x
topology: tpu7x:2x2x1
jax: 0.10.2.dev20260603
libtpu: 0.0.44.dev20260713+nightly
codegen_flags: <defaults>
</compile_context>

<pallas_src>
import functools

import jax
import jax.numpy as jnp
from jax import lax
from jax.experimental import pallas as pl
from jax.experimental.pallas import tpu as pltpu
from jax.experimental.pallas import tpu_sc as plsc

N = 10000
NPAD = 10240
E = 320000
C = 128
NCH_PAD = 2560
EPAD = NCH_PAD * C
NCORES = 2
NT = 16
ROWS_T = NPAD // NT
RB = 512
NB = NPAD // RB
IB = 40
EPS = 1e-5


def _mesh():
    return plsc.VectorSubcoreMesh(core_axis_name="c", subcore_axis_name="s")


def _sc_agg_colsplit(D2):
    ncht = NCH_PAD // NT
    nslab = ncht // IB

    @functools.partial(
        pl.kernel,
        out_type=jax.ShapeDtypeStruct((NCORES * NPAD, D2), jnp.float32),
        mesh=_mesh(),
        scratch_types=[
            pltpu.VMEM((IB, C), jnp.int32),
            pltpu.VMEM((IB, C), jnp.int32),
            pltpu.VMEM((C, D2), jnp.float32),
            pltpu.VMEM((C, D2), jnp.float32),
            pltpu.VMEM_SHARED((NPAD, D2), jnp.float32),
            pltpu.SemaphoreType.DMA,
            pltpu.SemaphoreType.DMA,
            pltpu.SemaphoreType.DMA,
            pltpu.SemaphoreType.DMA,
        ],
    )
    def k(t0, t1, srcr, dstr, out, sidx, didx, gbuf0, gbuf1, acc,
          g0, g1, c0, c1):
        c = lax.axis_index("c")
        s = lax.axis_index("s")
        r0 = s * ROWS_T

        @pl.when(c == 0)
        def _():
            pltpu.sync_copy(t0.at[pl.ds(r0, ROWS_T)], acc.at[pl.ds(r0, ROWS_T)])

        @pl.when(c != 0)
        def _():
            pltpu.sync_copy(t1.at[pl.ds(r0, ROWS_T)], acc.at[pl.ds(r0, ROWS_T)])

        plsc.subcore_barrier()

        def gstart(j, buf, sem):
            @pl.when(c == 0)
            def _():
                pltpu.async_copy(t0.at[sidx.at[j]], buf, sem)

            @pl.when(c != 0)
            def _():
                pltpu.async_copy(t1.at[sidx.at[j]], buf, sem)

        def gwait(j, buf, sem):
            pltpu.make_async_copy(t0.at[sidx.at[j]], buf, sem).wait()

        def swait(j, buf, sem):
            pltpu.make_async_copy(buf, acc.at[didx.at[j]], sem).wait()

        def slab(bi, carry):
            base = s * ncht + bi * IB
            pltpu.sync_copy(srcr.at[pl.ds(base, IB)], sidx)
            pltpu.sync_copy(dstr.at[pl.ds(base, IB)], didx)
            gstart(0, gbuf0, g0)

            def step(j, buf, gsem, csem):
                gwait(j, buf, gsem)
                pltpu.async_copy(buf, acc.at[didx.at[j]], csem, add=True)

            def body(j, carry2):
                even = (j % 2) == 0

                @pl.when(even)
                def _():
                    step(j, gbuf0, g0, c0)

                    @pl.when(j + 2 < IB)
                    def _():
                        swait(j, gbuf0, c0)
                        gstart(j + 2, gbuf0, g0)

                @pl.when(jnp.logical_not(even))
                def _():
                    step(j, gbuf1, g1, c1)

                    @pl.when(j + 2 < IB)
                    def _():
                        swait(j, gbuf1, c1)
                        gstart(j + 2, gbuf1, g1)

                return carry2

            gstart(1, gbuf1, g1)
            lax.fori_loop(0, IB, body, carry)
            swait(IB - 2, gbuf0, c0)
            swait(IB - 1, gbuf1, c1)
            return carry

        lax.fori_loop(0, nslab, slab, 0)
        plsc.subcore_barrier()
        pltpu.sync_copy(acc.at[pl.ds(r0, ROWS_T)],
                        out.at[pl.ds(c * NPAD + r0, ROWS_T)])

    return k


def _sc_agg_edgesplit(D):
    ncht = NCH_PAD // (NCORES * NT)
    nslab = ncht // IB

    @functools.partial(
        pl.kernel,
        out_type=jax.ShapeDtypeStruct((NCORES * NPAD, D), jnp.float32),
        mesh=_mesh(),
        scratch_types=[
            pltpu.VMEM((IB, C), jnp.int32),
            pltpu.VMEM((IB, C), jnp.int32),
            pltpu.VMEM((C, D), jnp.float32),
            pltpu.VMEM((C, D), jnp.float32),
            pltpu.VMEM_SHARED((NPAD, D), jnp.float32),
            pltpu.SemaphoreType.DMA,
            pltpu.SemaphoreType.DMA,
        ],
    )
    def k(t, zrs, srcr, dstr, out, sidx, didx, gbuf0, gbuf1, acc, s0, s1):
        c = lax.axis_index("c")
        s = lax.axis_index("s")
        w = c * NT + s
        r0 = s * ROWS_T
        pltpu.sync_copy(zrs.at[pl.ds(r0, ROWS_T)], acc.at[pl.ds(r0, ROWS_T)])
        plsc.subcore_barrier()

        def slab(bi, carry):
            base = w * ncht + bi * IB
            pltpu.sync_copy(srcr.at[pl.ds(base, IB)], sidx)
            pltpu.sync_copy(dstr.at[pl.ds(base, IB)], didx)
            pltpu.async_copy(t.at[sidx.at[0]], gbuf0, s0)

            def body(j, carry2):
                even = (j % 2) == 0

                @pl.when(even)
                def _():
                    pltpu.make_async_copy(t.at[sidx.at[j]], gbuf0, s0).wait()

                    @pl.when(j + 1 < IB)
                    def _():
                        pltpu.async_copy(t.at[sidx.at[j + 1]], gbuf1, s1)

                    pltpu.sync_copy(gbuf0, acc.at[didx.at[j]], add=True)

                @pl.when(jnp.logical_not(even))
                def _():
                    pltpu.make_async_copy(t.at[sidx.at[j]], gbuf1, s1).wait()

                    @pl.when(j + 1 < IB)
                    def _():
                        pltpu.async_copy(t.at[sidx.at[j + 1]], gbuf0, s0)

                    pltpu.sync_copy(gbuf1, acc.at[didx.at[j]], add=True)

                return carry2

            return lax.fori_loop(0, IB, body, carry)

        lax.fori_loop(0, nslab, slab, 0)
        plsc.subcore_barrier()
        pltpu.sync_copy(acc.at[pl.ds(r0, ROWS_T)],
                        out.at[pl.ds(c * NPAD + r0, ROWS_T)])

    return k


def _sc_deg():
    ncht = NCH_PAD // (NCORES * NT)
    nslab = ncht // IB
    DW = 128

    @functools.partial(
        pl.kernel,
        out_type=jax.ShapeDtypeStruct((NCORES * NPAD, DW), jnp.float32),
        mesh=_mesh(),
        scratch_types=[
            pltpu.VMEM((IB, C), jnp.int32),
            pltpu.VMEM((C, DW), jnp.float32),
            pltpu.VMEM_SHARED((NPAD, DW), jnp.float32),
        ],
    )
    def k(dstr, zrs, ones, out, didx, obuf, acc):
        c = lax.axis_index("c")
        s = lax.axis_index("s")
        w = c * NT + s
        pltpu.sync_copy(ones, obuf)
        r0 = s * ROWS_T
        pltpu.sync_copy(zrs.at[pl.ds(r0, ROWS_T)], acc.at[pl.ds(r0, ROWS_T)])
        plsc.subcore_barrier()

        def slab(bi, carry):
            pltpu.sync_copy(dstr.at[pl.ds(w * ncht + bi * IB, IB)], didx)

            def body(j, carry2):
                pltpu.sync_copy(obuf, acc.at[didx.at[j]], add=True)
                return carry2

            return lax.fori_loop(0, IB, body, carry)

        lax.fori_loop(0, nslab, slab, 0)
        plsc.subcore_barrier()
        pltpu.sync_copy(acc.at[pl.ds(r0, ROWS_T)],
                        out.at[pl.ds(c * NPAD + r0, ROWS_T)])

    return k


def _dv_block(i, d0, d1):
    rows = i * RB + lax.broadcasted_iota(jnp.int32, (RB, 1), 0)
    d = 1.0 + d0[:, :1] + d1[:, :1]
    return rows < N, jnp.where(rows < N, lax.rsqrt(d), 0.0)


def _mm_scale(Din, Dout):
    D2 = Dout // 2

    def body(x_ref, w_ref, d0_ref, d1_ref, t0_ref, t1_ref):
        i = pl.program_id(0)
        _, dv = _dv_block(i, d0_ref[...], d1_ref[...])
        h = jnp.dot(x_ref[...], w_ref[...],
                    preferred_element_type=jnp.float32)
        hs = h * dv
        t0_ref[...] = hs[:, :D2]
        t1_ref[...] = hs[:, D2:]

    return pl.pallas_call(
        body,
        grid=(NB,),
        in_specs=[
            pl.BlockSpec((RB, Din), lambda i: (i, 0)),
            pl.BlockSpec((Din, Dout), lambda i: (0, 0)),
            pl.BlockSpec((RB, 128), lambda i: (i, 0)),
            pl.BlockSpec((RB, 128), lambda i: (i + NB, 0)),
        ],
        out_specs=[
            pl.BlockSpec((RB, D2), lambda i: (i, 0)),
            pl.BlockSpec((RB, D2), lambda i: (i, 0)),
        ],
        out_shape=[
            jax.ShapeDtypeStruct((NPAD, D2), jnp.float32),
            jax.ShapeDtypeStruct((NPAD, D2), jnp.float32),
        ],
    )


def _combine_concat(D2):
    D = 2 * D2

    def body(a0_ref, a1_ref, d0_ref, d1_ref, b_ref, z_ref, st_ref):
        i = pl.program_id(0)
        valid, dv = _dv_block(i, d0_ref[...], d1_ref[...])
        z = jnp.concatenate([a0_ref[...], a1_ref[...]], axis=1) * dv + b_ref[...]
        z_ref[...] = z
        zm = jnp.where(valid, z, 0.0)
        ps = jnp.sum(zm, axis=0, keepdims=True)
        ps2 = jnp.sum(zm * zm, axis=0, keepdims=True)
        part = jnp.concatenate([ps, ps2, jnp.zeros((6, D), jnp.float32)], axis=0)

        @pl.when(i == 0)
        def _():
            st_ref[...] = jnp.zeros_like(st_ref)

        st_ref[...] += part

    return pl.pallas_call(
        body,
        grid=(NB,),
        in_specs=[
            pl.BlockSpec((RB, D2), lambda i: (i, 0)),
            pl.BlockSpec((RB, D2), lambda i: (i + NB, 0)),
            pl.BlockSpec((RB, 128), lambda i: (i, 0)),
            pl.BlockSpec((RB, 128), lambda i: (i + NB, 0)),
            pl.BlockSpec((1, D), lambda i: (0, 0)),
        ],
        out_specs=[
            pl.BlockSpec((RB, D), lambda i: (i, 0)),
            pl.BlockSpec((8, D), lambda i: (0, 0)),
        ],
        out_shape=[
            jax.ShapeDtypeStruct((NPAD, D), jnp.float32),
            jax.ShapeDtypeStruct((8, D), jnp.float32),
        ],
    )


def _combine_sum(D):

    def body(a0_ref, a1_ref, t_ref, d0_ref, d1_ref, b_ref, z_ref, st_ref):
        i = pl.program_id(0)
        valid, dv = _dv_block(i, d0_ref[...], d1_ref[...])
        z = (a0_ref[...] + a1_ref[...] + t_ref[...]) * dv + b_ref[...]
        z_ref[...] = z
        zm = jnp.where(valid, z, 0.0)
        ps = jnp.sum(zm, axis=0, keepdims=True)
        ps2 = jnp.sum(zm * zm, axis=0, keepdims=True)
        part = jnp.concatenate([ps, ps2, jnp.zeros((6, D), jnp.float32)], axis=0)

        @pl.when(i == 0)
        def _():
            st_ref[...] = jnp.zeros_like(st_ref)

        st_ref[...] += part

    return pl.pallas_call(
        body,
        grid=(NB,),
        in_specs=[
            pl.BlockSpec((RB, D), lambda i: (i, 0)),
            pl.BlockSpec((RB, D), lambda i: (i + NB, 0)),
            pl.BlockSpec((RB, D), lambda i: (i, 0)),
            pl.BlockSpec((RB, 128), lambda i: (i, 0)),
            pl.BlockSpec((RB, 128), lambda i: (i + NB, 0)),
            pl.BlockSpec((1, D), lambda i: (0, 0)),
        ],
        out_specs=[
            pl.BlockSpec((RB, D), lambda i: (i, 0)),
            pl.BlockSpec((8, D), lambda i: (0, 0)),
        ],
        out_shape=[
            jax.ShapeDtypeStruct((NPAD, D), jnp.float32),
            jax.ShapeDtypeStruct((8, D), jnp.float32),
        ],
    )


def _bn_from_stats(st, z, g, be):
    m = st[0:1, :] * (1.0 / N)
    var = st[1:2, :] * (1.0 / N) - m * m
    inv = lax.rsqrt(var + EPS)
    return (z - m) * inv * g + be


def _norm_mm(D, Dn, split):
    D2 = Dn // 2

    def body(z_ref, st_ref, g_ref, be_ref, w_ref, d0_ref, d1_ref, *outs):
        i = pl.program_id(0)
        _, dv = _dv_block(i, d0_ref[...], d1_ref[...])
        y = _bn_from_stats(st_ref[...], z_ref[...], g_ref[...], be_ref[...])
        y = jnp.maximum(y, 0.0)
        h = jnp.dot(y, w_ref[...], preferred_element_type=jnp.float32)
        hs = h * dv
        if split:
            outs[0][...] = hs[:, :D2]
            outs[1][...] = hs[:, D2:]
        else:
            outs[0][...] = hs

    if split:
        out_specs = [pl.BlockSpec((RB, D2), lambda i: (i, 0)),
                     pl.BlockSpec((RB, D2), lambda i: (i, 0))]
        out_shape = [jax.ShapeDtypeStruct((NPAD, D2), jnp.float32),
                     jax.ShapeDtypeStruct((NPAD, D2), jnp.float32)]
    else:
        out_specs = [pl.BlockSpec((RB, Dn), lambda i: (i, 0))]
        out_shape = [jax.ShapeDtypeStruct((NPAD, Dn), jnp.float32)]

    return pl.pallas_call(
        body,
        grid=(NB,),
        in_specs=[
            pl.BlockSpec((RB, D), lambda i: (i, 0)),
            pl.BlockSpec((8, D), lambda i: (0, 0)),
            pl.BlockSpec((1, D), lambda i: (0, 0)),
            pl.BlockSpec((1, D), lambda i: (0, 0)),
            pl.BlockSpec((D, Dn), lambda i: (0, 0)),
            pl.BlockSpec((RB, 128), lambda i: (i, 0)),
            pl.BlockSpec((RB, 128), lambda i: (i + NB, 0)),
        ],
        out_specs=out_specs,
        out_shape=out_shape,
    )


def _norm_final(D):

    def body(z_ref, st_ref, g_ref, be_ref, y_ref, p_ref):
        i = pl.program_id(0)
        rows = i * RB + lax.broadcasted_iota(jnp.int32, (RB, 1), 0)
        y = _bn_from_stats(st_ref[...], z_ref[...], g_ref[...], be_ref[...])
        y_ref[...] = y
        ym = jnp.where(rows < N, y, 0.0)
        ps = jnp.sum(ym, axis=0, keepdims=True)
        part = jnp.concatenate([ps, jnp.zeros((7, D), jnp.float32)], axis=0)

        @pl.when(i == 0)
        def _():
            p_ref[...] = jnp.zeros_like(p_ref)

        p_ref[...] += part

    return pl.pallas_call(
        body,
        grid=(NB,),
        in_specs=[
            pl.BlockSpec((RB, D), lambda i: (i, 0)),
            pl.BlockSpec((8, D), lambda i: (0, 0)),
            pl.BlockSpec((1, D), lambda i: (0, 0)),
            pl.BlockSpec((1, D), lambda i: (0, 0)),
        ],
        out_specs=[
            pl.BlockSpec((RB, D), lambda i: (i, 0)),
            pl.BlockSpec((8, D), lambda i: (0, 0)),
        ],
        out_shape=[
            jax.ShapeDtypeStruct((NPAD, D), jnp.float32),
            jax.ShapeDtypeStruct((8, D), jnp.float32),
        ],
    )


def _head(D):

    def body(p_ref, w1_ref, b1_ref, w2_ref, b2_ref, o_ref):
        mean = p_ref[0:1, :] * (1.0 / N)
        t = jnp.dot(mean, w1_ref[...], preferred_element_type=jnp.float32)
        t = jnp.maximum(t + b1_ref[...], 0.0)
        o = jnp.dot(t, w2_ref[...], preferred_element_type=jnp.float32)
        o_ref[...] = o + b2_ref[...]

    return pl.pallas_call(
        body,
        out_shape=jax.ShapeDtypeStruct((1, D), jnp.float32),
    )


_deg_k = _sc_deg()
_agg_col = _sc_agg_colsplit(128)
_agg_edge = _sc_agg_edgesplit(128)
_mm0 = _mm_scale(128, 256)
_comb256 = _combine_concat(128)
_nmm01 = _norm_mm(256, 256, split=True)
_nmm12 = _norm_mm(256, 128, split=False)
_combsum = _combine_sum(128)
_nfinal = _norm_final(128)
_headk = _head(128)


def kernel(x, edge_index, W0, b0, g0, be0, W1, b1, g1, be1,
           W2, b2, g2, be2, PW1, Pb1, PW2, Pb2):
    f32 = jnp.float32
    xp = jnp.pad(x, ((0, NPAD - N), (0, 0)))
    fill = jnp.full((EPAD - E,), N, jnp.int32)
    srcr = jnp.concatenate([edge_index[0], fill]).reshape(NCH_PAD, C)
    dstr = jnp.concatenate([edge_index[1], fill]).reshape(NCH_PAD, C)
    ones128 = jnp.ones((C, 128), f32)
    zrs128 = jnp.zeros((NPAD, 128), f32)

    deg = _deg_k(dstr, zrs128, ones128)

    t0a, t0b = _mm0(xp, W0, deg, deg)
    acc0 = _agg_col(t0a, t0b, srcr, dstr)
    z0, st0 = _comb256(acc0, acc0, deg, deg, b0.reshape(1, -1))

    t1a, t1b = _nmm01(z0, st0, g0.reshape(1, -1), be0.reshape(1, -1),
                      W1, deg, deg)
    acc1 = _agg_col(t1a, t1b, srcr, dstr)
    z1, st1 = _comb256(acc1, acc1, deg, deg, b1.reshape(1, -1))

    (t2,) = _nmm12(z1, st1, g1.reshape(1, -1), be1.reshape(1, -1),
                   W2, deg, deg)
    acc2 = _agg_edge(t2, zrs128, srcr, dstr)
    z2, st2 = _combsum(acc2, acc2, t2, deg, deg, b2.reshape(1, -1))

    y2, pooled = _nfinal(z2, st2, g2.reshape(1, -1), be2.reshape(1, -1))
    ge = _headk(pooled, PW1, Pb1.reshape(1, -1), PW2, Pb2.reshape(1, -1))
    return y2[:N], ge

# --- scband reference (transcript-rebuilt; emitter-appended) ---
"""Pipeline reference for scband-graph-le-jepa-49031346651818 (READ-ONLY COPY).

The authoritative reference and input builder live on the scoring server;
editing this copy changes nothing except your own understanding.
"""

import jax, jax.numpy as jnp
import numpy as np

N = 10000
E = 320000
D_IN = 128
D_H = 256
D_EMB = 128


def setup_inputs(seed: int = 0) -> dict:
    key = jax.random.key(seed)
    ks = jax.random.split(key, 20)
    x = jax.random.normal(ks[0], (N, D_IN), dtype=jnp.float32)
    edge_index = jax.random.randint(ks[1], (2, E), 0, N, dtype=jnp.int32)
    def lin(k, fi, fo):
        return jax.random.normal(k, (fi, fo), dtype=jnp.float32) * (1.0 / np.sqrt(fi))
    inp = {
        "x": x,
        "edge_index": edge_index,
        "W0": lin(ks[2], D_IN, D_H), "b0": jnp.zeros((D_H,), jnp.float32),
        "g0": jnp.ones((D_H,), jnp.float32), "be0": jnp.zeros((D_H,), jnp.float32),
        "W1": lin(ks[3], D_H, D_H), "b1": jnp.zeros((D_H,), jnp.float32),
        "g1": jnp.ones((D_H,), jnp.float32), "be1": jnp.zeros((D_H,), jnp.float32),
        "W2": lin(ks[4], D_H, D_EMB), "b2": jnp.zeros((D_EMB,), jnp.float32),
        "g2": jnp.ones((D_EMB,), jnp.float32), "be2": jnp.zeros((D_EMB,), jnp.float32),
        "PW1": lin(ks[5], D_EMB, D_EMB), "Pb1": jnp.zeros((D_EMB,), jnp.float32),
        "PW2": lin(ks[6], D_EMB, D_EMB), "Pb2": jnp.zeros((D_EMB,), jnp.float32),
    }
    return inp


def _gcn_conv(x, edge_index, W, b):
    # GCNConv with added self-loops and symmetric normalization
    n = x.shape[0]
    loop = jnp.arange(n, dtype=edge_index.dtype)
    src = jnp.concatenate([edge_index[0], loop])
    dst = jnp.concatenate([edge_index[1], loop])
    deg = jnp.zeros((n,), jnp.float32).at[dst].add(1.0)
    dinv = jnp.where(deg > 0, 1.0 / jnp.sqrt(deg), 0.0)
    norm = dinv[src] * dinv[dst]
    h = x @ W
    msg = h[src] * norm[:, None]
    out = jnp.zeros((n, W.shape[1]), jnp.float32).at[dst].add(msg)
    return out + b


def _bn(x, gamma, beta, eps=1e-5):
    # BatchNorm1d, training-mode batch statistics (biased variance, as in torch)
    m = x.mean(axis=0)
    v = x.var(axis=0)
    return (x - m) / jnp.sqrt(v + eps) * gamma + beta


def reference(x, edge_index, W0, b0, g0, be0, W1, b1, g1, be1, W2, b2, g2, be2, PW1, Pb1, PW2, Pb2):
    # GNNEncoder.forward (gcn_type='gcn', num_layers=3); dropout is identity in eval
    h = _gcn_conv(x, edge_index, W0, b0)
    h = _bn(h, g0, be0)
    h = jax.nn.relu(h)
    h = _gcn_conv(h, edge_index, W1, b1)
    h = _bn(h, g1, be1)
    h = jax.nn.relu(h)
    h = _gcn_conv(h, edge_index, W2, b2)
    h = _bn(h, g2, be2)
    node_embeddings = h
    graph_embedding = node_embeddings.mean(axis=0, keepdims=True)
    graph_embedding = jax.nn.relu(graph_embedding @ PW1 + Pb1) @ PW2 + Pb2
    return (node_embeddings, graph_embedding)

if __name__ == "__main__":
    import jax
    _d = setup_inputs()
    print(jax.jit(kernel)(*tuple(_d.values())))

</pallas_src>

<mosaic_0001>
#map = affine_map<(d0, d1) -> (0, 0)>
module attributes {stable_mosaic.version = 14 : i64} {
  func.func @k(%arg0: i32, %arg1: i32, %arg2: memref<2560x128xi32, #tpu.memory_space<hbm>>, %arg3: memref<10240x128xf32, #tpu.memory_space<hbm>>, %arg4: memref<128x128xf32, #tpu.memory_space<hbm>>, %arg5: memref<20480x128xf32, #tpu.memory_space<hbm>>, %arg6: memref<40x128xi32, #tpu.memory_space<vmem>>, %arg7: memref<128x128xf32, #tpu.memory_space<vmem>>, %arg8: memref<10240x128xf32, #tpu.memory_space<vmem_shared>>) attributes {dimension_semantics = [#tpu.dimension_semantics<core_parallel>, #tpu.dimension_semantics<subcore_parallel>], iteration_bounds = array<i64: 2, 16>, scalar_prefetch = 0 : i64, scratch_operands = 3 : i64, tpu.core_type = #tpu.core_type<sc_vector_subcore>, window_params = [{transform_indices = #map}, {transform_indices = #map}, {transform_indices = #map}, {transform_indices = #map}]} {
    %mul3A = arith.constant 16 : i32
    %mul3A_0 = arith.muli %arg0, %mul3A : i32
    %add3A = arith.addi %mul3A_0, %arg1 : i32
    "tpu.region"() ({
      %run_scoped3A = tpu.sem_alloc : memref<!tpu.dma_semaphore, #tpu.memory_space<semaphore_mem>>
      tpu.enqueue_dma source(%arg4 : memref<128x128xf32, #tpu.memory_space<hbm>>) target(%arg7 : memref<128x128xf32, #tpu.memory_space<vmem>>) target_semaphore(%run_scoped3A : memref<!tpu.dma_semaphore, #tpu.memory_space<semaphore_mem>>)
      tpu.wait_dma2 semaphore(%run_scoped3A : memref<!tpu.dma_semaphore, #tpu.memory_space<semaphore_mem>>) src(%arg4 : memref<128x128xf32, #tpu.memory_space<hbm>>) dst(%arg7 : memref<128x128xf32, #tpu.memory_space<vmem>>)
      tpu.yield
    }) : () -> ()
    %mul3A_1 = arith.constant 640 : i32
    %mul3A_2 = arith.muli %arg1, %mul3A_1 : i32
    "tpu.region"() ({
      %run_scoped3A = tpu.sem_alloc : memref<!tpu.dma_semaphore, #tpu.memory_space<semaphore_mem>>
      %dma_start3A = arith.constant 0 : i32
      %dma_start3A_12 = tpu.memref_slice %arg8[%mul3A_2, %dma_start3A] : memref<10240x128xf32, #tpu.memory_space<vmem_shared>> -> memref<640x128xf32, #tpu.memory_space<vmem_shared>>
      %dma_start3A_13 = arith.constant 0 : i32
      %dma_start3A_14 = tpu.memref_slice %arg3[%mul3A_2, %dma_start3A_13] : memref<10240x128xf32, #tpu.memory_space<hbm>> -> memref<640x128xf32, #tpu.memory_space<hbm>>
      tpu.enqueue_dma source(%dma_start3A_14 : memref<640x128xf32, #tpu.memory_space<hbm>>) target(%dma_start3A_12 : memref<640x128xf32, #tpu.memory_space<vmem_shared>>) target_semaphore(%run_scoped3A : memref<!tpu.dma_semaphore, #tpu.memory_space<semaphore_mem>>)
      %dma_wait3A = arith.constant 0 : i32
      %dma_wait3A_15 = tpu.memref_slice %arg8[%mul3A_2, %dma_wait3A] : memref<10240x128xf32, #tpu.memory_space<vmem_shared>> -> memref<640x128xf32, #tpu.memory_space<vmem_shared>>
      %dma_wait3A_16 = arith.constant 0 : i32
      %dma_wait3A_17 = tpu.memref_slice %arg3[%mul3A_2, %dma_wait3A_16] : memref<10240x128xf32, #tpu.memory_space<hbm>> -> memref<640x128xf32, #tpu.memory_space<hbm>>
      tpu.wait_dma2 semaphore(%run_scoped3A : memref<!tpu.dma_semaphore, #tpu.memory_space<semaphore_mem>>) src(%dma_wait3A_17 : memref<640x128xf32, #tpu.memory_space<hbm>>) dst(%dma_wait3A_15 : memref<640x128xf32, #tpu.memory_space<vmem_shared>>)
      tpu.yield
    }) : () -> ()
    %barrier3A = arith.constant 0 : index
    tpu.barrier barrier_id(%barrier3A)
    %scan3A = arith.constant 0 : i32
    %scan3A_3 = arith.constant 0 : i32
    %scan3A_4 = arith.constant 2 : i32
    %scan3A_5 = arith.addi %scan3A_3, %scan3A_4 : i32
    %scan3A_6 = arith.constant 1 : i32
    scf.for %scan3A_12 = %scan3A_3 to %scan3A_5 step %scan3A_6  : i32 {
      %mul3A_13 = arith.constant 80 : i32
      %mul3A_14 = arith.muli %add3A, %mul3A_13 : i32
      %mul3A_15 = arith.constant 40 : i32
      %mul3A_16 = arith.muli %scan3A_12, %mul3A_15 : i32
      %add3A_17 = arith.addi %mul3A_14, %mul3A_16 : i32
      "tpu.region"() ({
        %run_scoped3A = tpu.sem_alloc : memref<!tpu.dma_semaphore, #tpu.memory_space<semaphore_mem>>
        %dma_start3A = arith.constant 0 : i32
        %dma_start3A_23 = tpu.memref_slice %arg2[%add3A_17, %dma_start3A] : memref<2560x128xi32, #tpu.memory_space<hbm>> -> memref<40x128xi32, #tpu.memory_space<hbm>>
        %dma_start3A_24 = arith.constant 0 : i32
        %dma_start3A_25 = tpu.memref_slice %arg2[%add3A_17, %dma_start3A_24] : memref<2560x128xi32, #tpu.memory_space<hbm>> -> memref<40x128xi32, #tpu.memory_space<hbm>>
        tpu.enqueue_dma source(%dma_start3A_25 : memref<40x128xi32, #tpu.memory_space<hbm>>) target(%arg6 : memref<40x128xi32, #tpu.memory_space<vmem>>) target_semaphore(%run_scoped3A : memref<!tpu.dma_semaphore, #tpu.memory_space<semaphore_mem>>)
        %dma_wait3A = arith.constant 0 : i32
        %dma_wait3A_26 = tpu.memref_slice %arg2[%add3A_17, %dma_wait3A] : memref<2560x128xi32, #tpu.memory_space<hbm>> -> memref<40x128xi32, #tpu.memory_space<hbm>>
        %dma_wait3A_27 = arith.constant 0 : i32
        %dma_wait3A_28 = tpu.memref_slice %arg2[%add3A_17, %dma_wait3A_27] : memref<2560x128xi32, #tpu.memory_space<hbm>> -> memref<40x128xi32, #tpu.memory_space<hbm>>
        tpu.wait_dma2 semaphore(%run_scoped3A : memref<!tpu.dma_semaphore, #tpu.memory_space<semaphore_mem>>) src(%dma_wait3A_28 : memref<40x128xi32, #tpu.memory_space<hbm>>) dst(%arg6 : memref<40x128xi32, #tpu.memory_space<vmem>>)
        tpu.yield
      }) : () -> ()
      %scan3A_18 = arith.constant 0 : i32
      %scan3A_19 = arith.constant 40 : i32
      %scan3A_20 = arith.addi %scan3A_18, %scan3A_19 : i32
      %scan3A_21 = arith.constant 1 : i32
      scf.for %scan3A_23 = %scan3A_18 to %scan3A_20 step %scan3A_21  : i32 {
        "tpu.region"() ({
          %run_scoped3A = tpu.sem_alloc : memref<!tpu.dma_semaphore, #tpu.memory_space<semaphore_mem>>
          %dma_start3A = arith.constant 0 : i32
          %dma_start3A_24 = tpu.memref_slice %arg6[%scan3A_23, %dma_start3A] : memref<40x128xi32, #tpu.memory_space<vmem>> -> memref<1x128xi32, #tpu.memory_space<vmem>>
          %dma_start3A_25 = tpu.memref_squeeze %dma_start3A_24 : memref<1x128xi32, #tpu.memory_space<vmem>> -> memref<128xi32, #tpu.memory_space<vmem>>
          %dma_start3A_26 = arith.constant 0 : i32
          %dma_start3A_27 = arith.constant 0 : i32
          %dma_start3A_28 = tpu.memref_slice %arg8[%dma_start3A_26, %dma_start3A_27] : memref<10240x128xf32, #tpu.memory_space<vmem_shared>> -> memref<10240x128xf32, #tpu.memory_space<vmem_shared>>
          tpu.enqueue_indirect_dma source(%arg7 : memref<128x128xf32, #tpu.memory_space<vmem>>) target(%dma_start3A_28 : memref<10240x128xf32, #tpu.memory_space<vmem_shared>>) offsets(%dma_start3A_25 : memref<128xi32, #tpu.memory_space<vmem>>) semaphore(%run_scoped3A : memref<!tpu.dma_semaphore, #tpu.memory_space<semaphore_mem>>) {add = true}
          %dma_wait3A = arith.constant 0 : i32
          %dma_wait3A_29 = tpu.memref_slice %arg6[%scan3A_23, %dma_wait3A] : memref<40x128xi32, #tpu.memory_space<vmem>> -> memref<1x128xi32, #tpu.memory_space<vmem>>
          %dma_wait3A_30 = tpu.memref_squeeze %dma_wait3A_29 : memref<1x128xi32, #tpu.memory_space<vmem>> -> memref<128xi32, #tpu.memory_space<vmem>>
          %dma_wait3A_31 = arith.constant 0 : i32
          %dma_wait3A_32 = arith.constant 0 : i32
          %dma_wait3A_33 = tpu.memref_slice %arg8[%dma_wait3A_31, %dma_wait3A_32] : memref<10240x128xf32, #tpu.memory_space<vmem_shared>> -> memref<10240x128xf32, #tpu.memory_space<vmem_shared>>
          tpu.wait_indirect_dma semaphore(%run_scoped3A : memref<!tpu.dma_semaphore, #tpu.memory_space<semaphore_mem>>) src(%arg7 : memref<128x128xf32, #tpu.memory_space<vmem>>) dst(%dma_wait3A_33 : memref<10240x128xf32, #tpu.memory_space<vmem_shared>>)
          tpu.yield
        }) : () -> ()
      }
      %scan3A_22 = arith.constant 40 : i32
    }
    %scan3A_7 = arith.constant 2 : i32
    %barrier3A_8 = arith.constant 0 : index
    tpu.barrier barrier_id(%barrier3A_8)
    %mul3A_9 = arith.constant 10240 : i32
    %mul3A_10 = arith.muli %arg0, %mul3A_9 : i32
    %add3A_11 = arith.addi %mul3A_10, %mul3A_2 : i32
    "tpu.region"() ({
      %run_scoped3A = tpu.sem_alloc : memref<!tpu.dma_semaphore, #tpu.memory_space<semaphore_mem>>
      %dma_start3A = arith.constant 0 : i32
      %dma_start3A_12 = tpu.memref_slice %arg5[%add3A_11, %dma_start3A] : memref<20480x128xf32, #tpu.memory_space<hbm>> -> memref<640x128xf32, #tpu.memory_space<hbm>>
      %dma_start3A_13 = arith.constant 0 : i32
      %dma_start3A_14 = tpu.memref_slice %arg8[%mul3A_2, %dma_start3A_13] : memref<10240x128xf32, #tpu.memory_space<vmem_shared>> -> memref<640x128xf32, #tpu.memory_space<vmem_shared>>
      tpu.enqueue_dma source(%dma_start3A_14 : memref<640x128xf32, #tpu.memory_space<vmem_shared>>) target(%dma_start3A_12 : memref<640x128xf32, #tpu.memory_space<hbm>>) target_semaphore(%run_scoped3A : memref<!tpu.dma_semaphore, #tpu.memory_space<semaphore_mem>>)
      %dma_wait3A = arith.constant 0 : i32
      %dma_wait3A_15 = tpu.memref_slice %arg5[%add3A_11, %dma_wait3A] : memref<20480x128xf32, #tpu.memory_space<hbm>> -> memref<640x128xf32, #tpu.memory_space<hbm>>
      %dma_wait3A_16 = arith.constant 0 : i32
      %dma_wait3A_17 = tpu.memref_slice %arg8[%mul3A_2, %dma_wait3A_16] : memref<10240x128xf32, #tpu.memory_space<vmem_shared>> -> memref<640x128xf32, #tpu.memory_space<vmem_shared>>
      tpu.wait_dma2 semaphore(%run_scoped3A : memref<!tpu.dma_semaphore, #tpu.memory_space<semaphore_mem>>) src(%dma_wait3A_17 : memref<640x128xf32, #tpu.memory_space<vmem_shared>>) dst(%dma_wait3A_15 : memref<640x128xf32, #tpu.memory_space<hbm>>)
      tpu.yield
    }) : () -> ()
    return
  }
}

#map = affine_map<(d0, d1) -> (0, 0)>
module attributes {stable_mosaic.version = 14 : i64} {
  func.func @k(%arg0: i32, %arg1: i32, %arg2: memref<10240x128xf32, #tpu.memory_space<hbm>>, %arg3: memref<10240x128xf32, #tpu.memory_space<hbm>>, %arg4: memref<2560x128xi32, #tpu.memory_space<hbm>>, %arg5: memref<2560x128xi32, #tpu.memory_space<hbm>>, %arg6: memref<20480x128xf32, #tpu.memory_space<hbm>>, %arg7: memref<40x128xi32, #tpu.memory_space<vmem>>, %arg8: memref<40x128xi32, #tpu.memory_space<vmem>>, %arg9: memref<128x128xf32, #tpu.memory_space<vmem>>, %arg10: memref<128x128xf32, #tpu.memory_space<vmem>>, %arg11: memref<10240x128xf32, #tpu.memory_space<vmem_shared>>, %arg12: memref<!tpu.dma_semaphore, #tpu.memory_space<semaphore_mem>>, %arg13: memref<!tpu.dma_semaphore, #tpu.memory_space<semaphore_mem>>, %arg14: memref<!tpu.dma_semaphore, #tpu.memory_space<semaphore_mem>>, %arg15: memref<!tpu.dma_semaphore, #tpu.memory_space<semaphore_mem>>) attributes {dimension_semantics = [#tpu.dimension_semantics<core_parallel>, #tpu.dimension_semantics<subcore_parallel>], iteration_bounds = array<i64: 2, 16>, scalar_prefetch = 0 : i64, scratch_operands = 9 : i64, tpu.core_type = #tpu.core_type<sc_vector_subcore>, window_params = [{transform_indices = #map}, {transform_indices = #map}, {transform_indices = #map}, {transform_indices = #map}, {transform_indices = #map}]} {
    %mul3A = arith.constant 640 : i32
    %mul3A_0 = arith.muli %arg1, %mul3A : i32
    %eq3A = arith.constant 0 : i32
    %eq3A_1 = arith.cmpi eq, %arg0, %eq3A : i32
    %convert_element_type3A = arith.extui %eq3A_1 : i1 to i32
    %cond3A = arith.constant 0 : i32
    %cond3A_2 = arith.cmpi ne, %convert_element_type3A, %cond3A : i32
    scf.if %cond3A_2 {
      "tpu.region"() ({
        %run_scoped3A = tpu.sem_alloc : memref<!tpu.dma_semaphore, #tpu.memory_space<semaphore_mem>>
        %dma_start3A = arith.constant 0 : i32
        %dma_start3A_15 = tpu.memref_slice %arg11[%mul3A_0, %dma_start3A] : memref<10240x128xf32, #tpu.memory_space<vmem_shared>> -> memref<640x128xf32, #tpu.memory_space<vmem_shared>>
        %dma_start3A_16 = arith.constant 0 : i32
        %dma_start3A_17 = tpu.memref_slice %arg2[%mul3A_0, %dma_start3A_16] : memref<10240x128xf32, #tpu.memory_space<hbm>> -> memref<640x128xf32, #tpu.memory_space<hbm>>
        tpu.enqueue_dma source(%dma_start3A_17 : memref<640x128xf32, #tpu.memory_space<hbm>>) target(%dma_start3A_15 : memref<640x128xf32, #tpu.memory_space<vmem_shared>>) target_semaphore(%run_scoped3A : memref<!tpu.dma_semaphore, #tpu.memory_space<semaphore_mem>>)
        %dma_wait3A = arith.constant 0 : i32
        %dma_wait3A_18 = tpu.memref_slice %arg11[%mul3A_0, %dma_wait3A] : memref<10240x128xf32, #tpu.memory_space<vmem_shared>> -> memref<640x128xf32, #tpu.memory_space<vmem_shared>>
        %dma_wait3A_19 = arith.constant 0 : i32
        %dma_wait3A_20 = tpu.memref_slice %arg2[%mul3A_0, %dma_wait3A_19] : memref<10240x128xf32, #tpu.memory_space<hbm>> -> memref<640x128xf32, #tpu.memory_space<hbm>>
        tpu.wait_dma2 semaphore(%run_scoped3A : memref<!tpu.dma_semaphore, #tpu.memory_space<semaphore_mem>>) src(%dma_wait3A_20 : memref<640x128xf32, #tpu.memory_space<hbm>>) dst(%dma_wait3A_18 : memref<640x128xf32, #tpu.memory_space<vmem_shared>>)
        tpu.yield
      }) : () -> ()
    } else {
    }
    %ne3A = arith.constant 0 : i32
    %ne3A_3 = arith.cmpi ne, %arg0, %ne3A : i32
    %convert_element_type3A_4 = arith.extui %ne3A_3 : i1 to i32
    %cond3A_5 = arith.constant 0 : i32
    %cond3A_6 = arith.cmpi ne, %convert_element_type3A_4, %cond3A_5 : i32
    scf.if %cond3A_6 {
      "tpu.region"() ({
        %run_scoped3A = tpu.sem_alloc : memref<!tpu.dma_semaphore, #tpu.memory_space<semaphore_mem>>
        %dma_start3A = arith.constant 0 : i32
        %dma_start3A_15 = tpu.memref_slice %arg11[%mul3A_0, %dma_start3A] : memref<10240x128xf32, #tpu.memory_space<vmem_shared>> -> memref<640x128xf32, #tpu.memory_space<vmem_shared>>
        %dma_start3A_16 = arith.constant 0 : i32
        %dma_start3A_17 = tpu.memref_slice %arg3[%mul3A_0, %dma_start3A_16] : memref<10240x128xf32, #tpu.memory_space<hbm>> -> memref<640x128xf32, #tpu.memory_space<hbm>>
        tpu.enqueue_dma source(%dma_start3A_17 : memref<640x128xf32, #tpu.memory_space<hbm>>) target(%dma_start3A_15 : memref<640x128xf32, #tpu.memory_space<vmem_shared>>) target_semaphore(%run_scoped3A : memref<!tpu.dma_semaphore, #tpu.memory_space<semaphore_mem>>)
        %dma_wait3A = arith.constant 0 : i32
        %dma_wait3A_18 = tpu.memref_slice %arg11[%mul3A_0, %dma_wait3A] : memref<10240x128xf32, #tpu.memory_space<vmem_shared>> -> memref<640x128xf32, #tpu.memory_space<vmem_shared>>
        %dma_wait3A_19 = arith.constant 0 : i32
        %dma_wait3A_20 = tpu.memref_slice %arg3[%mul3A_0, %dma_wait3A_19] : memref<10240x128xf32, #tpu.memory_space<hbm>> -> memref<640x128xf32, #tpu.memory_space<hbm>>
        tpu.wait_dma2 semaphore(%run_scoped3A : memref<!tpu.dma_semaphore, #tpu.memory_space<semaphore_mem>>) src(%dma_wait3A_20 : memref<640x128xf32, #tpu.memory_space<hbm>>) dst(%dma_wait3A_18 : memref<640x128xf32, #tpu.memory_space<vmem_shared>>)
        tpu.yield
      }) : () -> ()
    } else {
    }
    %barrier3A = arith.constant 0 : index
    tpu.barrier barrier_id(%barrier3A)
    %scan3A = arith.constant 0 : i32
    %scan3A_7 = arith.constant 0 : i32
    %scan3A_8 = arith.constant 4 : i32
    %scan3A_9 = arith.addi %scan3A_7, %scan3A_8 : i32
    %scan3A_10 = arith.constant 1 : i32
    scf.for %scan3A_15 = %scan3A_7 to %scan3A_9 step %scan3A_10  : i32 {
      %mul3A_16 = arith.constant 160 : i32
      %mul3A_17 = arith.muli %arg1, %mul3A_16 : i32
      %mul3A_18 = arith.constant 40 : i32
      %mul3A_19 = arith.muli %scan3A_15, %mul3A_18 : i32
      %add3A_20 = arith.addi %mul3A_17, %mul3A_19 : i32
      "tpu.region"() ({
        %run_scoped3A = tpu.sem_alloc : memref<!tpu.dma_semaphore, #tpu.memory_space<semaphore_mem>>
        %dma_start3A = arith.constant 0 : i32
        %dma_start3A_59 = tpu.memref_slice %arg4[%add3A_20, %dma_start3A] : memref<2560x128xi32, #tpu.memory_space<hbm>> -> memref<40x128xi32, #tpu.memory_space<hbm>>
        %dma_start3A_60 = arith.constant 0 : i32
        %dma_start3A_61 = tpu.memref_slice %arg4[%add3A_20, %dma_start3A_60] : memref<2560x128xi32, #tpu.memory_space<hbm>> -> memref<40x128xi32, #tpu.memory_space<hbm>>
        tpu.enqueue_dma source(%dma_start3A_61 : memref<40x128xi32, #tpu.memory_space<hbm>>) target(%arg7 : memref<40x128xi32, #tpu.memory_space<vmem>>) target_semaphore(%run_scoped3A : memref<!tpu.dma_semaphore, #tpu.memory_space<semaphore_mem>>)
        %dma_wait3A_62 = arith.constant 0 : i32
        %dma_wait3A_63 = tpu.memref_slice %arg4[%add3A_20, %dma_wait3A_62] : memref<2560x128xi32, #tpu.memory_space<hbm>> -> memref<40x128xi32, #tpu.memory_space<hbm>>
        %dma_wait3A_64 = arith.constant 0 : i32
        %dma_wait3A_65 = tpu.memref_slice %arg4[%add3A_20, %dma_wait3A_64] : memref<2560x128xi32, #tpu.memory_space<hbm>> -> memref<40x128xi32, #tpu.memory_space<hbm>>
        tpu.wait_dma2 semaphore(%run_scoped3A : memref<!tpu.dma_semaphore, #tpu.memory_space<semaphore_mem>>) src(%dma_wait3A_65 : memref<40x128xi32, #tpu.memory_space<hbm>>) dst(%arg7 : memref<40x128xi32, #tpu.memory_space<vmem>>)
        tpu.yield
      }) : () -> ()
      "tpu.region"() ({
        %run_scoped3A = tpu.sem_alloc : memref<!tpu.dma_semaphore, #tpu.memory_space<semaphore_mem>>
        %dma_start3A = arith.constant 0 : i32
        %dma_start3A_59 = tpu.memref_slice %arg5[%add3A_20, %dma_start3A] : memref<2560x128xi32, #tpu.memory_space<hbm>> -> memref<40x128xi32, #tpu.memory_space<hbm>>
        %dma_start3A_60 = arith.constant 0 : i32
        %dma_start3A_61 = tpu.memref_slice %arg5[%add3A_20, %dma_start3A_60] : memref<2560x128xi32, #tpu.memory_space<hbm>> -> memref<40x128xi32, #tpu.memory_space<hbm>>
        tpu.enqueue_dma source(%dma_start3A_61 : memref<40x128xi32, #tpu.memory_space<hbm>>) target(%arg8 : memref<40x128xi32, #tpu.memory_space<vmem>>) target_semaphore(%run_scoped3A : memref<!tpu.dma_semaphore, #tpu.memory_space<semaphore_mem>>)
        %dma_wait3A_62 = arith.constant 0 : i32
        %dma_wait3A_63 = tpu.memref_slice %arg5[%add3A_20, %dma_wait3A_62] : memref<2560x128xi32, #tpu.memory_space<hbm>> -> memref<40x128xi32, #tpu.memory_space<hbm>>
        %dma_wait3A_64 = arith.constant 0 : i32
        %dma_wait3A_65 = tpu.memref_slice %arg5[%add3A_20, %dma_wait3A_64] : memref<2560x128xi32, #tpu.memory_space<hbm>> -> memref<40x128xi32, #tpu.memory_space<hbm>>
        tpu.wait_dma2 semaphore(%run_scoped3A : memref<!tpu.dma_semaphore, #tpu.memory_space<semaphore_mem>>) src(%dma_wait3A_65 : memref<40x128xi32, #tpu.memory_space<hbm>>) dst(%arg8 : memref<40x128xi32, #tpu.memory_space<vmem>>)
        tpu.yield
      }) : () -> ()
      %eq3A_21 = arith.constant 0 : i32
      %eq3A_22 = arith.cmpi eq, %arg0, %eq3A_21 : i32
      %convert_element_type3A_23 = arith.extui %eq3A_22 : i1 to i32
      %cond3A_24 = arith.constant 0 : i32
      %cond3A_25 = arith.cmpi ne, %convert_element_type3A_23, %cond3A_24 : i32
      scf.if %cond3A_25 {
        %dma_start3A = arith.constant 0 : i32
        %dma_start3A_59 = arith.constant 0 : i32
        %dma_start3A_60 = tpu.memref_slice %arg7[%dma_start3A, %dma_start3A_59] : memref<40x128xi32, #tpu.memory_space<vmem>> -> memref<1x128xi32, #tpu.memory_space<vmem>>
        %dma_start3A_61 = tpu.memref_squeeze %dma_start3A_60 : memref<1x128xi32, #tpu.memory_space<vmem>> -> memref<128xi32, #tpu.memory_space<vmem>>
        %dma_start3A_62 = arith.constant 0 : i32
        %dma_start3A_63 = arith.constant 0 : i32
        %dma_start3A_64 = tpu.memref_slice %arg2[%dma_start3A_62, %dma_start3A_63] : memref<10240x128xf32, #tpu.memory_space<hbm>> -> memref<10240x128xf32, #tpu.memory_space<hbm>>
        tpu.enqueue_indirect_dma source(%dma_start3A_64 : memref<10240x128xf32, #tpu.memory_space<hbm>>) target(%arg9 : memref<128x128xf32, #tpu.memory_space<vmem>>) offsets(%dma_start3A_61 : memref<128xi32, #tpu.memory_space<vmem>>) semaphore(%arg12 : memref<!tpu.dma_semaphore, #tpu.memory_space<semaphore_mem>>)
      } else {
      }
      %ne3A_26 = arith.constant 0 : i32
      %ne3A_27 = arith.cmpi ne, %arg0, %ne3A_26 : i32
      %convert_element_type3A_28 = arith.extui %ne3A_27 : i1 to i32
      %cond3A_29 = arith.constant 0 : i32
      %cond3A_30 = arith.cmpi ne, %convert_element_type3A_28, %cond3A_29 : i32
      scf.if %cond3A_30 {
        %dma_start3A = arith.constant 0 : i32
        %dma_start3A_59 = arith.constant 0 : i32
        %dma_start3A_60 = tpu.memref_slice %arg7[%dma_start3A, %dma_start3A_59] : memref<40x128xi32, #tpu.memory_space<vmem>> -> memref<1x128xi32, #tpu.memory_space<vmem>>
        %dma_start3A_61 = tpu.memref_squeeze %dma_start3A_60 : memref<1x128xi32, #tpu.memory_space<vmem>> -> memref<128xi32, #tpu.memory_space<vmem>>
        %dma_start3A_62 = arith.constant 0 : i32
        %dma_start3A_63 = arith.constant 0 : i32
        %dma_start3A_64 = tpu.memref_slice %arg3[%dma_start3A_62, %dma_start3A_63] : memref<10240x128xf32, #tpu.memory_space<hbm>> -> memref<10240x128xf32, #tpu.memory_space<hbm>>
        tpu.enqueue_indirect_dma source(%dma_start3A_64 : memref<10240x128xf32, #tpu.memory_space<hbm>>) target(%arg9 : memref<128x128xf32, #tpu.memory_space<vmem>>) offsets(%dma_start3A_61 : memref<128xi32, #tpu.memory_space<vmem>>) semaphore(%arg12 : memref<!tpu.dma_semaphore, #tpu.memory_space<semaphore_mem>>)
      } else {
      }
      %eq3A_31 = arith.constant 0 : i32
      %eq3A_32 = arith.cmpi eq, %arg0, %eq3A_31 : i32
      %convert_element_type3A_33 = arith.extui %eq3A_32 : i1 to i32
      %cond3A_34 = arith.constant 0 : i32
      %cond3A_35 = arith.cmpi ne, %convert_element_type3A_33, %cond3A_34 : i32
      scf.if %cond3A_35 {
        %dma_start3A = arith.constant 1 : i32
        %dma_start3A_59 = arith.constant 0 : i32
        %dma_start3A_60 = tpu.memref_slice %arg7[%dma_start3A, %dma_start3A_59] : memref<40x128xi32, #tpu.memory_space<vmem>> -> memref<1x128xi32, #tpu.memory_space<vmem>>
        %dma_start3A_61 = tpu.memref_squeeze %dma_start3A_60 : memref<1x128xi32, #tpu.memory_space<vmem>> -> memref<128xi32, #tpu.memory_space<vmem>>
        %dma_start3A_62 = arith.constant 0 : i32
        %dma_start3A_63 = arith.constant 0 : i32
        %dma_start3A_64 = tpu.memref_slice %arg2[%dma_start3A_62, %dma_start3A_63] : memref<10240x128xf32, #tpu.memory_space<hbm>> -> memref<10240x128xf32, #tpu.memory_space<hbm>>
        tpu.enqueue_indirect_dma source(%dma_start3A_64 : memref<10240x128xf32, #tpu.memory_space<hbm>>) target(%arg10 : memref<128x128xf32, #tpu.memory_space<vmem>>) offsets(%dma_start3A_61 : memref<128xi32, #tpu.memory_space<vmem>>) semaphore(%arg13 : memref<!tpu.dma_semaphore, #tpu.memory_space<semaphore_mem>>)
      } else {
      }
      %ne3A_36 = arith.constant 0 : i32
      %ne3A_37 = arith.cmpi ne, %arg0, %ne3A_36 : i32
      %convert_element_type3A_38 = arith.extui %ne3A_37 : i1 to i32
      %cond3A_39 = arith.constant 0 : i32
      %cond3A_40 = arith.cmpi ne, %convert_element_type3A_38, %cond3A_39 : i32
      scf.if %cond3A_40 {
        %dma_start3A = arith.constant 1 : i32
        %dma_start3A_59 = arith.constant 0 : i32
        %dma_start3A_60 = tpu.memref_slice %arg7[%dma_start3A, %dma_start3A_59] : memref<40x128xi32, #tpu.memory_space<vmem>> -> memref<1x128xi32, #tpu.memory_space<vmem>>
        %dma_start3A_61 = tpu.memref_squeeze %dma_start3A_60 : memref<1x128xi32, #tpu.memory_space<vmem>> -> memref<128xi32, #tpu.memory_space<vmem>>
        %dma_start3A_62 = arith.constant 0 : i32
        %dma_start3A_63 = arith.constant 0 : i32
        %dma_start3A_64 = tpu.memref_slice %arg3[%dma_start3A_62, %dma_start3A_63] : memref<10240x128xf32, #tpu.memory_space<hbm>> -> memref<10240x128xf32, #tpu.memory_space<hbm>>
        tpu.enqueue_indirect_dma source(%dma_start3A_64 : memref<10240x128xf32, #tpu.memory_space<hbm>>) target(%arg10 : memref<128x128xf32, #tpu.memory_space<vmem>>) offsets(%dma_start3A_61 : memref<128xi32, #tpu.memory_space<vmem>>) semaphore(%arg13 : memref<!tpu.dma_semaphore, #tpu.memory_space<semaphore_mem>>)
      } else {
      }
      %scan3A_41 = arith.constant 0 : i32
      %scan3A_42 = arith.constant 40 : i32
      %scan3A_43 = arith.addi %scan3A_41, %scan3A_42 : i32
      %scan3A_44 = arith.constant 1 : i32
      scf.for %scan3A_59 = %scan3A_41 to %scan3A_43 step %scan3A_44  : i32 {
        %jit3A = arith.constant 2 : i32
        %eq3A_60 = arith.constant 0 : i32
        %eq3A_61 = arith.cmpi eq, %jit3A, %eq3A_60 : i32
        %jit3A_62 = arith.constant 1 : i32
        %select_n3A = arith.select %eq3A_61, %jit3A_62, %jit3A : i32
        %rem3A = arith.remsi %scan3A_59, %select_n3A : i32
        %ne3A_63 = arith.constant 0 : i32
        %ne3A_64 = arith.cmpi ne, %rem3A, %ne3A_63 : i32
        %lt3A = arith.constant 0 : i32
        %lt3A_65 = arith.cmpi slt, %rem3A, %lt3A : i32
        %lt3A_66 = arith.constant 0 : i32
        %lt3A_67 = arith.cmpi slt, %select_n3A, %lt3A_66 : i32
        %ne3A_68 = arith.xori %lt3A_65, %lt3A_67 : i1
        %and3A = arith.andi %ne3A_68, %ne3A_64 : i1
        %add3A_69 = arith.addi %rem3A, %select_n3A : i32
        %select_n3A_70 = arith.select %and3A, %add3A_69, %rem3A : i32
        %eq3A_71 = arith.constant 0 : i32
        %eq3A_72 = arith.cmpi eq, %select_n3A_70, %eq3A_71 : i32
        %convert_element_type3A_73 = arith.extui %eq3A_72 : i1 to i32
        %cond3A_74 = arith.constant 0 : i32
        %cond3A_75 = arith.cmpi ne, %convert_element_type3A_73, %cond3A_74 : i32
        scf.if %cond3A_75 {
          %dma_wait3A_80 = arith.constant 0 : i32
          %dma_wait3A_81 = tpu.memref_slice %arg7[%scan3A_59, %dma_wait3A_80] : memref<40x128xi32, #tpu.memory_space<vmem>> -> memref<1x128xi32, #tpu.memory_space<vmem>>
          %dma_wait3A_82 = tpu.memref_squeeze %dma_wait3A_81 : memref<1x128xi32, #tpu.memory_space<vmem>> -> memref<128xi32, #tpu.memory_space<vmem>>
          %dma_wait3A_83 = arith.constant 0 : i32
          %dma_wait3A_84 = arith.constant 0 : i32
          %dma_wait3A_85 = tpu.memref_slice %arg2[%dma_wait3A_83, %dma_wait3A_84] : memref<10240x128xf32, #tpu.memory_space<hbm>> -> memref<10240x128xf32, #tpu.memory_space<hbm>>
          tpu.wait_indirect_dma semaphore(%arg12 : memref<!tpu.dma_semaphore, #tpu.memory_space<semaphore_mem>>) src(%dma_wait3A_85 : memref<10240x128xf32, #tpu.memory_space<hbm>>) dst(%arg9 : memref<128x128xf32, #tpu.memory_space<vmem>>)
          %dma_start3A = arith.constant 0 : i32
          %dma_start3A_86 = tpu.memref_slice %arg8[%scan3A_59, %dma_start3A] : memref<40x128xi32, #tpu.memory_space<vmem>> -> memref<1x128xi32, #tpu.memory_space<vmem>>
          %dma_start3A_87 = tpu.memref_squeeze %dma_start3A_86 : memref<1x128xi32, #tpu.memory_space<vmem>> -> memref<128xi32, #tpu.memory_space<vmem>>
          %dma_start3A_88 = arith.constant 0 : i32
          %dma_start3A_89 = arith.constant 0 : i32
          %dma_start3A_90 = tpu.memref_slice %arg11[%dma_start3A_88, %dma_start3A_89] : memref<10240x128xf32, #tpu.memory_space<vmem_shared>> -> memref<10240x128xf32, #tpu.memory_space<vmem_shared>>
          tpu.enqueue_indirect_dma source(%arg9 : memref<128x128xf32, #tpu.memory_space<vmem>>) target(%dma_start3A_90 : memref<10240x128xf32, #tpu.memory_space<vmem_shared>>) offsets(%dma_start3A_87 : memref<128xi32, #tpu.memory_space<vmem>>) semaphore(%arg14 : memref<!tpu.dma_semaphore, #tpu.memory_space<semaphore_mem>>) {add = true}
          %add3A_91 = arith.constant 2 : i32
          %add3A_92 = arith.addi %scan3A_59, %add3A_91 : i32
          %lt3A_93 = arith.constant 40 : i32
          %lt3A_94 = arith.cmpi slt, %add3A_92, %lt3A_93 : i32
          %convert_element_type3A_95 = arith.extui %lt3A_94 : i1 to i32
          %cond3A_96 = arith.constant 0 : i32
          %cond3A_97 = arith.cmpi ne, %convert_element_type3A_95, %cond3A_96 : i32
          scf.if %cond3A_97 {
            %dma_wait3A_98 = arith.constant 0 : i32
            %dma_wait3A_99 = tpu.memref_slice %arg8[%scan3A_59, %dma_wait3A_98] : memref<40x128xi32, #tpu.memory_space<vmem>> -> memref<1x128xi32, #tpu.memory_space<vmem>>
            %dma_wait3A_100 = tpu.memref_squeeze %dma_wait3A_99 : memref<1x128xi32, #tpu.memory_space<vmem>> -> memref<128xi32, #tpu.memory_space<vmem>>
            %dma_wait3A_101 = arith.constant 0 : i32
            %dma_wait3A_102 = arith.constant 0 : i32
            %dma_wait3A_103 = tpu.memref_slice %arg11[%dma_wait3A_101, %dma_wait3A_102] : memref<10240x128xf32, #tpu.memory_space<vmem_shared>> -> memref<10240x128xf32, #tpu.memory_space<vmem_shared>>
            tpu.wait_indirect_dma semaphore(%arg14 : memref<!tpu.dma_semaphore, #tpu.memory_space<semaphore_mem>>) src(%arg9 : memref<128x128xf32, #tpu.memory_space<vmem>>) dst(%dma_wait3A_103 : memref<10240x128xf32, #tpu.memory_space<vmem_shared>>)
            %add3A_104 = arith.constant 2 : i32
            %add3A_105 = arith.addi %scan3A_59, %add3A_104 : i32
            %eq3A_106 = arith.constant 0 : i32
            %eq3A_107 = arith.cmpi eq, %arg0, %eq3A_106 : i32
            %convert_element_type3A_108 = arith.extui %eq3A_107 : i1 to i32
            %cond3A_109 = arith.constant 0 : i32
            %cond3A_110 = arith.cmpi ne, %convert_element_type3A_108, %cond3A_109 : i32
            scf.if %cond3A_110 {
              %dma_start3A_116 = arith.constant 0 : i32
              %dma_start3A_117 = tpu.memref_slice %arg7[%add3A_105, %dma_start3A_116] : memref<40x128xi32, #tpu.memory_space<vmem>> -> memref<1x128xi32, #tpu.memory_space<vmem>>
              %dma_start3A_118 = tpu.memref_squeeze %dma_start3A_117 : memref<1x128xi32, #tpu.memory_space<vmem>> -> memref<128xi32, #tpu.memory_space<vmem>>
              %dma_start3A_119 = arith.constant 0 : i32
              %dma_start3A_120 = arith.constant 0 : i32
              %dma_start3A_121 = tpu.memref_slice %arg2[%dma_start3A_119, %dma_start3A_120] : memref<10240x128xf32, #tpu.memory_space<hbm>> -> memref<10240x128xf32, #tpu.memory_space<hbm>>
              tpu.enqueue_indirect_dma source(%dma_start3A_121 : memref<10240x128xf32, #tpu.memory_space<hbm>>) target(%arg9 : memref<128x128xf32, #tpu.memory_space<vmem>>) offsets(%dma_start3A_118 : memref<128xi32, #tpu.memory_space<vmem>>) semaphore(%arg12 : memref<!tpu.dma_semaphore, #tpu.memory_space<semaphore_mem>>)
            } else {
            }
            %ne3A_111 = arith.constant 0 : i32
            %ne3A_112 = arith.cmpi ne, %arg0, %ne3A_111 : i32
            %convert_element_type3A_113 = arith.extui %ne3A_112 : i1 to i32
            %cond3A_114 = arith.constant 0 : i32
            %cond3A_115 = arith.cmpi ne, %convert_element_type3A_113, %cond3A_114 : i32
            scf.if %cond3A_115 {
              %dma_start3A_116 = arith.constant 0 : i32
              %dma_start3A_117 = tpu.memref_slice %arg7[%add3A_105, %dma_start3A_116] : memref<40x128xi32, #tpu.memory_space<vmem>> -> memref<1x128xi32, #tpu.memory_space<vmem>>
              %dma_start3A_118 = tpu.memref_squeeze %dma_start3A_117 : memref<1x128xi32, #tpu.memory_space<vmem>> -> memref<128xi32, #tpu.memory_space<vmem>>
              %dma_start3A_119 = arith.constant 0 : i32
              %dma_start3A_120 = arith.constant 0 : i32
              %dma_start3A_121 = tpu.memref_slice %arg3[%dma_start3A_119, %dma_start3A_120] : memref<10240x128xf32, #tpu.memory_space<hbm>> -> memref<10240x128xf32, #tpu.memory_space<hbm>>
              tpu.enqueue_indirect_dma source(%dma_start3A_121 : memref<10240x128xf32, #tpu.memory_space<hbm>>) target(%arg9 : memref<128x128xf32, #tpu.memory_space<vmem>>) offsets(%dma_start3A_118 : memref<128xi32, #tpu.memory_space<vmem>>) semaphore(%arg12 : memref<!tpu.dma_semaphore, #tpu.memory_space<semaphore_mem>>)
            } else {
            }
          } else {
          }
        } else {
        }
        %not3A = arith.constant true
        %not3A_76 = arith.xori %eq3A_72, %not3A : i1
        %convert_element_type3A_77 = arith.extui %not3A_76 : i1 to i32
        %cond3A_78 = arith.constant 0 : i32
        %cond3A_79 = arith.cmpi ne, %convert_element_type3A_77, %cond3A_78 : i32
        scf.if %cond3A_79 {
          %dma_wait3A_80 = arith.constant 0 : i32
          %dma_wait3A_81 = tpu.memref_slice %arg7[%scan3A_59, %dma_wait3A_80] : memref<40x128xi32, #tpu.memory_space<vmem>> -> memref<1x128xi32, #tpu.memory_space<vmem>>
          %dma_wait3A_82 = tpu.memref_squeeze %dma_wait3A_81 : memref<1x128xi32, #tpu.memory_space<vmem>> -> memref<128xi32, #tpu.memory_space<vmem>>
          %dma_wait3A_83 = arith.constant 0 : i32
          %dma_wait3A_84 = arith.constant 0 : i32
          %dma_wait3A_85 = tpu.memref_slice %arg2[%dma_wait3A_83, %dma_wait3A_84] : memref<10240x128xf32, #tpu.memory_space<hbm>> -> memref<10240x128xf32, #tpu.memory_space<hbm>>
          tpu.wait_indirect_dma semaphore(%arg13 : memref<!tpu.dma_semaphore, #tpu.memory_space<semaphore_mem>>) src(%dma_wait3A_85 : memref<10240x128xf32, #tpu.memory_space<hbm>>) dst(%arg10 : memref<128x128xf32, #tpu.memory_space<vmem>>)
          %dma_start3A = arith.constant 0 : i32
          %dma_start3A_86 = tpu.memref_slice %arg8[%scan3A_59, %dma_start3A] : memref<40x128xi32, #tpu.memory_space<vmem>> -> memref<1x128xi32, #tpu.memory_space<vmem>>
          %dma_start3A_87 = tpu.memref_squeeze %dma_start3A_86 : memref<1x128xi32, #tpu.memory_space<vmem>> -> memref<128xi32, #tpu.memory_space<vmem>>
          %dma_start3A_88 = arith.constant 0 : i32
          %dma_start3A_89 = arith.constant 0 : i32
          %dma_start3A_90 = tpu.memref_slice %arg11[%dma_start3A_88, %dma_start3A_89] : memref<10240x128xf32, #tpu.memory_space<vmem_shared>> -> memref<10240x128xf32, #tpu.memory_space<vmem_shared>>
          tpu.enqueue_indirect_dma source(%arg10 : memref<128x128xf32, #tpu.memory_space<vmem>>) target(%dma_start3A_90 : memref<10240x128xf32, #tpu.memory_space<vmem_shared>>) offsets(%dma_start3A_87 : memref<128xi32, #tpu.memory_space<vmem>>) semaphore(%arg15 : memref<!tpu.dma_semaphore, #tpu.memory_space<semaphore_mem>>) {add = true}
          %add3A_91 = arith.constant 2 : i32
          %add3A_92 = arith.addi %scan3A_59, %add3A_91 : i32
          %lt3A_93 = arith.constant 40 : i32
          %lt3A_94 = arith.cmpi slt, %add3A_92, %lt3A_93 : i32
          %convert_element_type3A_95 = arith.extui %lt3A_94 : i1 to i32
          %cond3A_96 = arith.constant 0 : i32
          %cond3A_97 = arith.cmpi ne, %convert_element_type3A_95, %cond3A_96 : i32
          scf.if %cond3A_97 {
            %dma_wait3A_98 = arith.constant 0 : i32
            %dma_wait3A_99 = tpu.memref_slice %arg8[%scan3A_59, %dma_wait3A_98] : memref<40x128xi32, #tpu.memory_space<vmem>> -> memref<1x128xi32, #tpu.memory_space<vmem>>
            %dma_wait3A_100 = tpu.memref_squeeze %dma_wait3A_99 : memref<1x128xi32, #tpu.memory_space<vmem>> -> memref<128xi32, #tpu.memory_space<vmem>>
            %dma_wait3A_101 = arith.constant 0 : i32
            %dma_wait3A_102 = arith.constant 0 : i32
            %dma_wait3A_103 = tpu.memref_slice %arg11[%dma_wait3A_101, %dma_wait3A_102] : memref<10240x128xf32, #tpu.memory_space<vmem_shared>> -> memref<10240x128xf32, #tpu.memory_space<vmem_shared>>
            tpu.wait_indirect_dma semaphore(%arg15 : memref<!tpu.dma_semaphore, #tpu.memory_space<semaphore_mem>>) src(%arg10 : memref<128x128xf32, #tpu.memory_space<vmem>>) dst(%dma_wait3A_103 : memref<10240x128xf32, #tpu.memory_space<vmem_shared>>)
            %add3A_104 = arith.constant 2 : i32
            %add3A_105 = arith.addi %scan3A_59, %add3A_104 : i32
            %eq3A_106 = arith.constant 0 : i32
            %eq3A_107 = arith.cmpi eq, %arg0, %eq3A_106 : i32
            %convert_element_type3A_108 = arith.extui %eq3A_107 : i1 to i32
            %cond3A_109 = arith.constant 0 : i32
            %cond3A_110 = arith.cmpi ne, %convert_element_type3A_108, %cond3A_109 : i32
            scf.if %cond3A_110 {
              %dma_start3A_116 = arith.constant 0 : i32
              %dma_start3A_117 = tpu.memref_slice %arg7[%add3A_105, %dma_start3A_116] : memref<40x128xi32, #tpu.memory_space<vmem>> -> memref<1x128xi32, #tpu.memory_space<vmem>>
              %dma_start3A_118 = tpu.memref_squeeze %dma_start3A_117 : memref<1x128xi32, #tpu.memory_space<vmem>> -> memref<128xi32, #tpu.memory_space<vmem>>
              %dma_start3A_119 = arith.constant 0 : i32
              %dma_start3A_120 = arith.constant 0 : i32
              %dma_start3A_121 = tpu.memref_slice %arg2[%dma_start3A_119, %dma_start3A_120] : memref<10240x128xf32, #tpu.memory_space<hbm>> -> memref<10240x128xf32, #tpu.memory_space<hbm>>
              tpu.enqueue_indirect_dma source(%dma_start3A_121 : memref<10240x128xf32, #tpu.memory_space<hbm>>) target(%arg10 : memref<128x128xf32, #tpu.memory_space<vmem>>) offsets(%dma_start3A_118 : memref<128xi32, #tpu.memory_space<vmem>>) semaphore(%arg13 : memref<!tpu.dma_semaphore, #tpu.memory_space<semaphore_mem>>)
            } else {
            }
            %ne3A_111 = arith.constant 0 : i32
            %ne3A_112 = arith.cmpi ne, %arg0, %ne3A_111 : i32
            %convert_element_type3A_113 = arith.extui %ne3A_112 : i1 to i32
            %cond3A_114 = arith.constant 0 : i32
            %cond3A_115 = arith.cmpi ne, %convert_element_type3A_113, %cond3A_114 : i32
            scf.if %cond3A_115 {
              %dma_start3A_116 = arith.constant 0 : i32
              %dma_start3A_117 = tpu.memref_slice %arg7[%add3A_105, %dma_start3A_116] : memref<40x128xi32, #tpu.memory_space<vmem>> -> memref<1x128xi32, #tpu.memory_space<vmem>>
              %dma_start3A_118 = tpu.memref_squeeze %dma_start3A_117 : memref<1x128xi32, #tpu.memory_space<vmem>> -> memref<128xi32, #tpu.memory_space<vmem>>
              %dma_start3A_119 = arith.constant 0 : i32
              %dma_start3A_120 = arith.constant 0 : i32
              %dma_start3A_121 = tpu.memref_slice %arg3[%dma_start3A_119, %dma_start3A_120] : memref<10240x128xf32, #tpu.memory_space<hbm>> -> memref<10240x128xf32, #tpu.memory_space<hbm>>
              tpu.enqueue_indirect_dma source(%dma_start3A_121 : memref<10240x128xf32, #tpu.memory_space<hbm>>) target(%arg10 : memref<128x128xf32, #tpu.memory_space<vmem>>) offsets(%dma_start3A_118 : memref<128xi32, #tpu.memory_space<vmem>>) semaphore(%arg13 : memref<!tpu.dma_semaphore, #tpu.memory_space<semaphore_mem>>)
            } else {
            }
          } else {
          }
        } else {
        }
      }
      %scan3A_45 = arith.constant 40 : i32
      %dma_wait3A = arith.constant 38 : i32
      %dma_wait3A_46 = arith.constant 0 : i32
      %dma_wait3A_47 = tpu.memref_slice %arg8[%dma_wait3A, %dma_wait3A_46] : memref<40x128xi32, #tpu.memory_space<vmem>> -> memref<1x128xi32, #tpu.memory_space<vmem>>
      %dma_wait3A_48 = tpu.memref_squeeze %dma_wait3A_47 : memref<1x128xi32, #tpu.memory_space<vmem>> -> memref<128xi32, #tpu.memory_space<vmem>>
      %dma_wait3A_49 = arith.constant 0 : i32
      %dma_wait3A_50 = arith.constant 0 : i32
      %dma_wait3A_51 = tpu.memref_slice %arg11[%dma_wait3A_49, %dma_wait3A_50] : memref<10240x128xf32, #tpu.memory_space<vmem_shared>> -> memref<10240x128xf32, #tpu.memory_space<vmem_shared>>
      tpu.wait_indirect_dma semaphore(%arg14 : memref<!tpu.dma_semaphore, #tpu.memory_space<semaphore_mem>>) src(%arg9 : memref<128x128xf32, #tpu.memory_space<vmem>>) dst(%dma_wait3A_51 : memref<10240x128xf32, #tpu.memory_space<vmem_shared>>)
      %dma_wait3A_52 = arith.constant 39 : i32
      %dma_wait3A_53 = arith.constant 0 : i32
      %dma_wait3A_54 = tpu.memref_slice %arg8[%dma_wait3A_52, %dma_wait3A_53] : memref<40x128xi32, #tpu.memory_space<vmem>> -> memref<1x128xi32, #tpu.memory_space<vmem>>
      %dma_wait3A_55 = tpu.memref_squeeze %dma_wait3A_54 : memref<1x128xi32, #tpu.memory_space<vmem>> -> memref<128xi32, #tpu.memory_space<vmem>>
      %dma_wait3A_56 = arith.constant 0 : i32
      %dma_wait3A_57 = arith.constant 0 : i32
      %dma_wait3A_58 = tpu.memref_slice %arg11[%dma_wait3A_56, %dma_wait3A_57] : memref<10240x128xf32, #tpu.memory_space<vmem_shared>> -> memref<10240x128xf32, #tpu.memory_space<vmem_shared>>
      tpu.wait_indirect_dma semaphore(%arg15 : memref<!tpu.dma_semaphore, #tpu.memory_space<semaphore_mem>>) src(%arg10 : memref<128x128xf32, #tpu.memory_space<vmem>>) dst(%dma_wait3A_58 : memref<10240x128xf32, #tpu.memory_space<vmem_shared>>)
    }
    %scan3A_11 = arith.constant 4 : i32
    %barrier3A_12 = arith.constant 0 : index
    tpu.barrier barrier_id(%barrier3A_12)
    %mul3A_13 = arith.constant 10240 : i32
    %mul3A_14 = arith.muli %arg0, %mul3A_13 : i32
    %add3A = arith.addi %mul3A_14, %mul3A_0 : i32
    "tpu.region"() ({
      %run_scoped3A = tpu.sem_alloc : memref<!tpu.dma_semaphore, #tpu.memory_space<semaphore_mem>>
      %dma_start3A = arith.constant 0 : i32
      %dma_start3A_15 = tpu.memref_slice %arg6[%add3A, %dma_start3A] : memref<20480x128xf32, #tpu.memory_space<hbm>> -> memref<640x128xf32, #tpu.memory_space<hbm>>
      %dma_start3A_16 = arith.constant 0 : i32
      %dma_start3A_17 = tpu.memref_slice %arg11[%mul3A_0, %dma_start3A_16] : memref<10240x128xf32, #tpu.memory_space<vmem_shared>> -> memref<640x128xf32, #tpu.memory_space<vmem_shared>>
      tpu.enqueue_dma source(%dma_start3A_17 : memref<640x128xf32, #tpu.memory_space<vmem_shared>>) target(%dma_start3A_15 : memref<640x128xf32, #tpu.memory_space<hbm>>) target_semaphore(%run_scoped3A : memref<!tpu.dma_semaphore, #tpu.memory_space<semaphore_mem>>)
      %dma_wait3A = arith.constant 0 : i32
      %dma_wait3A_18 = tpu.memref_slice %arg6[%add3A, %dma_wait3A] : memref<20480x128xf32, #tpu.memory_space<hbm>> -> memref<640x128xf32, #tpu.memory_space<hbm>>
      %dma_wait3A_19 = arith.constant 0 : i32
      %dma_wait3A_20 = tpu.memref_slice %arg11[%mul3A_0, %dma_wait3A_19] : memref<10240x128xf32, #tpu.memory_space<vmem_shared>> -> memref<640x128xf32, #tpu.memory_space<vmem_shared>>
      tpu.wait_dma2 semaphore(%run_scoped3A : memref<!tpu.dma_semaphore, #tpu.memory_space<semaphore_mem>>) src(%dma_wait3A_20 : memref<640x128xf32, #tpu.memory_space<vmem_shared>>) dst(%dma_wait3A_18 : memref<640x128xf32, #tpu.memory_space<hbm>>)
      tpu.yield
    }) : () -> ()
    return
  }
}

#map = affine_map<(d0, d1) -> (0, 0)>
module attributes {stable_mosaic.version = 14 : i64} {
  func.func @k(%arg0: i32, %arg1: i32, %arg2: memref<10240x128xf32, #tpu.memory_space<hbm>>, %arg3: memref<10240x128xf32, #tpu.memory_space<hbm>>, %arg4: memref<2560x128xi32, #tpu.memory_space<hbm>>, %arg5: memref<2560x128xi32, #tpu.memory_space<hbm>>, %arg6: memref<20480x128xf32, #tpu.memory_space<hbm>>, %arg7: memref<40x128xi32, #tpu.memory_space<vmem>>, %arg8: memref<40x128xi32, #tpu.memory_space<vmem>>, %arg9: memref<128x128xf32, #tpu.memory_space<vmem>>, %arg10: memref<128x128xf32, #tpu.memory_space<vmem>>, %arg11: memref<10240x128xf32, #tpu.memory_space<vmem_shared>>, %arg12: memref<!tpu.dma_semaphore, #tpu.memory_space<semaphore_mem>>, %arg13: memref<!tpu.dma_semaphore, #tpu.memory_space<semaphore_mem>>) attributes {dimension_semantics = [#tpu.dimension_semantics<core_parallel>, #tpu.dimension_semantics<subcore_parallel>], iteration_bounds = array<i64: 2, 16>, scalar_prefetch = 0 : i64, scratch_operands = 7 : i64, tpu.core_type = #tpu.core_type<sc_vector_subcore>, window_params = [{transform_indices = #map}, {transform_indices = #map}, {transform_indices = #map}, {transform_indices = #map}, {transform_indices = #map}]} {
    %mul3A = arith.constant 16 : i32
    %mul3A_0 = arith.muli %arg0, %mul3A : i32
    %add3A = arith.addi %mul3A_0, %arg1 : i32
    %mul3A_1 = arith.constant 640 : i32
    %mul3A_2 = arith.muli %arg1, %mul3A_1 : i32
    "tpu.region"() ({
      %run_scoped3A = tpu.sem_alloc : memref<!tpu.dma_semaphore, #tpu.memory_space<semaphore_mem>>
      %dma_start3A = arith.constant 0 : i32
      %dma_start3A_12 = tpu.memref_slice %arg11[%mul3A_2, %dma_start3A] : memref<10240x128xf32, #tpu.memory_space<vmem_shared>> -> memref<640x128xf32, #tpu.memory_space<vmem_shared>>
      %dma_start3A_13 = arith.constant 0 : i32
      %dma_start3A_14 = tpu.memref_slice %arg3[%mul3A_2, %dma_start3A_13] : memref<10240x128xf32, #tpu.memory_space<hbm>> -> memref<640x128xf32, #tpu.memory_space<hbm>>
      tpu.enqueue_dma source(%dma_start3A_14 : memref<640x128xf32, #tpu.memory_space<hbm>>) target(%dma_start3A_12 : memref<640x128xf32, #tpu.memory_space<vmem_shared>>) target_semaphore(%run_scoped3A : memref<!tpu.dma_semaphore, #tpu.memory_space<semaphore_mem>>)
      %dma_wait3A = arith.constant 0 : i32
      %dma_wait3A_15 = tpu.memref_slice %arg11[%mul3A_2, %dma_wait3A] : memref<10240x128xf32, #tpu.memory_space<vmem_shared>> -> memref<640x128xf32, #tpu.memory_space<vmem_shared>>
      %dma_wait3A_16 = arith.constant 0 : i32
      %dma_wait3A_17 = tpu.memref_slice %arg3[%mul3A_2, %dma_wait3A_16] : memref<10240x128xf32, #tpu.memory_space<hbm>> -> memref<640x128xf32, #tpu.memory_space<hbm>>
      tpu.wait_dma2 semaphore(%run_scoped3A : memref<!tpu.dma_semaphore, #tpu.memory_space<semaphore_mem>>) src(%dma_wait3A_17 : memref<640x128xf32, #tpu.memory_space<hbm>>) dst(%dma_wait3A_15 : memref<640x128xf32, #tpu.memory_space<vmem_shared>>)
      tpu.yield
    }) : () -> ()
    %barrier3A = arith.constant 0 : index
    tpu.barrier barrier_id(%barrier3A)
    %scan3A = arith.constant 0 : i32
    %scan3A_3 = arith.constant 0 : i32
    %scan3A_4 = arith.constant 2 : i32
    %scan3A_5 = arith.addi %scan3A_3, %scan3A_4 : i32
    %scan3A_6 = arith.constant 1 : i32
    scf.for %scan3A_12 = %scan3A_3 to %scan3A_5 step %scan3A_6  : i32 {
      %mul3A_13 = arith.constant 80 : i32
      %mul3A_14 = arith.muli %add3A, %mul3A_13 : i32
      %mul3A_15 = arith.constant 40 : i32
      %mul3A_16 = arith.muli %scan3A_12, %mul3A_15 : i32
      %add3A_17 = arith.addi %mul3A_14, %mul3A_16 : i32
      "tpu.region"() ({
        %run_scoped3A = tpu.sem_alloc : memref<!tpu.dma_semaphore, #tpu.memory_space<semaphore_mem>>
        %dma_start3A_29 = arith.constant 0 : i32
        %dma_start3A_30 = tpu.memref_slice %arg4[%add3A_17, %dma_start3A_29] : memref<2560x128xi32, #tpu.memory_space<hbm>> -> memref<40x128xi32, #tpu.memory_space<hbm>>
        %dma_start3A_31 = arith.constant 0 : i32
        %dma_start3A_32 = tpu.memref_slice %arg4[%add3A_17, %dma_start3A_31] : memref<2560x128xi32, #tpu.memory_space<hbm>> -> memref<40x128xi32, #tpu.memory_space<hbm>>
        tpu.enqueue_dma source(%dma_start3A_32 : memref<40x128xi32, #tpu.memory_space<hbm>>) target(%arg7 : memref<40x128xi32, #tpu.memory_space<vmem>>) target_semaphore(%run_scoped3A : memref<!tpu.dma_semaphore, #tpu.memory_space<semaphore_mem>>)
        %dma_wait3A = arith.constant 0 : i32
        %dma_wait3A_33 = tpu.memref_slice %arg4[%add3A_17, %dma_wait3A] : memref<2560x128xi32, #tpu.memory_space<hbm>> -> memref<40x128xi32, #tpu.memory_space<hbm>>
        %dma_wait3A_34 = arith.constant 0 : i32
        %dma_wait3A_35 = tpu.memref_slice %arg4[%add3A_17, %dma_wait3A_34] : memref<2560x128xi32, #tpu.memory_space<hbm>> -> memref<40x128xi32, #tpu.memory_space<hbm>>
        tpu.wait_dma2 semaphore(%run_scoped3A : memref<!tpu.dma_semaphore, #tpu.memory_space<semaphore_mem>>) src(%dma_wait3A_35 : memref<40x128xi32, #tpu.memory_space<hbm>>) dst(%arg7 : memref<40x128xi32, #tpu.memory_space<vmem>>)
        tpu.yield
      }) : () -> ()
      "tpu.region"() ({
        %run_scoped3A = tpu.sem_alloc : memref<!tpu.dma_semaphore, #tpu.memory_space<semaphore_mem>>
        %dma_start3A_29 = arith.constant 0 : i32
        %dma_start3A_30 = tpu.memref_slice %arg5[%add3A_17, %dma_start3A_29] : memref<2560x128xi32, #tpu.memory_space<hbm>> -> memref<40x128xi32, #tpu.memory_space<hbm>>
        %dma_start3A_31 = arith.constant 0 : i32
        %dma_start3A_32 = tpu.memref_slice %arg5[%add3A_17, %dma_start3A_31] : memref<2560x128xi32, #tpu.memory_space<hbm>> -> memref<40x128xi32, #tpu.memory_space<hbm>>
        tpu.enqueue_dma source(%dma_start3A_32 : memref<40x128xi32, #tpu.memory_space<hbm>>) target(%arg8 : memref<40x128xi32, #tpu.memory_space<vmem>>) target_semaphore(%run_scoped3A : memref<!tpu.dma_semaphore, #tpu.memory_space<semaphore_mem>>)
        %dma_wait3A = arith.constant 0 : i32
        %dma_wait3A_33 = tpu.memref_slice %arg5[%add3A_17, %dma_wait3A] : memref<2560x128xi32, #tpu.memory_space<hbm>> -> memref<40x128xi32, #tpu.memory_space<hbm>>
        %dma_wait3A_34 = arith.constant 0 : i32
        %dma_wait3A_35 = tpu.memref_slice %arg5[%add3A_17, %dma_wait3A_34] : memref<2560x128xi32, #tpu.memory_space<hbm>> -> memref<40x128xi32, #tpu.memory_space<hbm>>
        tpu.wait_dma2 semaphore(%run_scoped3A : memref<!tpu.dma_semaphore, #tpu.memory_space<semaphore_mem>>) src(%dma_wait3A_35 : memref<40x128xi32, #tpu.memory_space<hbm>>) dst(%arg8 : memref<40x128xi32, #tpu.memory_space<vmem>>)
        tpu.yield
      }) : () -> ()
      %dma_start3A = arith.constant 0 : i32
      %dma_start3A_18 = arith.constant 0 : i32
      %dma_start3A_19 = tpu.memref_slice %arg7[%dma_start3A, %dma_start3A_18] : memref<40x128xi32, #tpu.memory_space<vmem>> -> memref<1x128xi32, #tpu.memory_space<vmem>>
      %dma_start3A_20 = tpu.memref_squeeze %dma_start3A_19 : memref<1x128xi32, #tpu.memory_space<vmem>> -> memref<128xi32, #tpu.memory_space<vmem>>
      %dma_start3A_21 = arith.constant 0 : i32
      %dma_start3A_22 = arith.constant 0 : i32
      %dma_start3A_23 = tpu.memref_slice %arg2[%dma_start3A_21, %dma_start3A_22] : memref<10240x128xf32, #tpu.memory_space<hbm>> -> memref<10240x128xf32, #tpu.memory_space<hbm>>
      tpu.enqueue_indirect_dma source(%dma_start3A_23 : memref<10240x128xf32, #tpu.memory_space<hbm>>) target(%arg9 : memref<128x128xf32, #tpu.memory_space<vmem>>) offsets(%dma_start3A_20 : memref<128xi32, #tpu.memory_space<vmem>>) semaphore(%arg12 : memref<!tpu.dma_semaphore, #tpu.memory_space<semaphore_mem>>)
      %scan3A_24 = arith.constant 0 : i32
      %scan3A_25 = arith.constant 40 : i32
      %scan3A_26 = arith.addi %scan3A_24, %scan3A_25 : i32
      %scan3A_27 = arith.constant 1 : i32
      scf.for %scan3A_29 = %scan3A_24 to %scan3A_26 step %scan3A_27  : i32 {
        %jit3A = arith.constant 2 : i32
        %eq3A = arith.constant 0 : i32
        %eq3A_30 = arith.cmpi eq, %jit3A, %eq3A : i32
        %jit3A_31 = arith.constant 1 : i32
        %select_n3A = arith.select %eq3A_30, %jit3A_31, %jit3A : i32
        %rem3A = arith.remsi %scan3A_29, %select_n3A : i32
        %ne3A = arith.constant 0 : i32
        %ne3A_32 = arith.cmpi ne, %rem3A, %ne3A : i32
        %lt3A = arith.constant 0 : i32
        %lt3A_33 = arith.cmpi slt, %rem3A, %lt3A : i32
        %lt3A_34 = arith.constant 0 : i32
        %lt3A_35 = arith.cmpi slt, %select_n3A, %lt3A_34 : i32
        %ne3A_36 = arith.xori %lt3A_33, %lt3A_35 : i1
        %and3A = arith.andi %ne3A_36, %ne3A_32 : i1
        %add3A_37 = arith.addi %rem3A, %select_n3A : i32
        %select_n3A_38 = arith.select %and3A, %add3A_37, %rem3A : i32
        %eq3A_39 = arith.constant 0 : i32
        %eq3A_40 = arith.cmpi eq, %select_n3A_38, %eq3A_39 : i32
        %convert_element_type3A = arith.extui %eq3A_40 : i1 to i32
        %cond3A = arith.constant 0 : i32
        %cond3A_41 = arith.cmpi ne, %convert_element_type3A, %cond3A : i32
        scf.if %cond3A_41 {
          %dma_wait3A = arith.constant 0 : i32
          %dma_wait3A_46 = tpu.memref_slice %arg7[%scan3A_29, %dma_wait3A] : memref<40x128xi32, #tpu.memory_space<vmem>> -> memref<1x128xi32, #tpu.memory_space<vmem>>
          %dma_wait3A_47 = tpu.memref_squeeze %dma_wait3A_46 : memref<1x128xi32, #tpu.memory_space<vmem>> -> memref<128xi32, #tpu.memory_space<vmem>>
          %dma_wait3A_48 = arith.constant 0 : i32
          %dma_wait3A_49 = arith.constant 0 : i32
          %dma_wait3A_50 = tpu.memref_slice %arg2[%dma_wait3A_48, %dma_wait3A_49] : memref<10240x128xf32, #tpu.memory_space<hbm>> -> memref<10240x128xf32, #tpu.memory_space<hbm>>
          tpu.wait_indirect_dma semaphore(%arg12 : memref<!tpu.dma_semaphore, #tpu.memory_space<semaphore_mem>>) src(%dma_wait3A_50 : memref<10240x128xf32, #tpu.memory_space<hbm>>) dst(%arg9 : memref<128x128xf32, #tpu.memory_space<vmem>>)
          %add3A_51 = arith.constant 1 : i32
          %add3A_52 = arith.addi %scan3A_29, %add3A_51 : i32
          %lt3A_53 = arith.constant 40 : i32
          %lt3A_54 = arith.cmpi slt, %add3A_52, %lt3A_53 : i32
          %convert_element_type3A_55 = arith.extui %lt3A_54 : i1 to i32
          %cond3A_56 = arith.constant 0 : i32
          %cond3A_57 = arith.cmpi ne, %convert_element_type3A_55, %cond3A_56 : i32
          scf.if %cond3A_57 {
            %add3A_58 = arith.constant 1 : i32
            %add3A_59 = arith.addi %scan3A_29, %add3A_58 : i32
            %dma_start3A_60 = arith.constant 0 : i32
            %dma_start3A_61 = tpu.memref_slice %arg7[%add3A_59, %dma_start3A_60] : memref<40x128xi32, #tpu.memory_space<vmem>> -> memref<1x128xi32, #tpu.memory_space<vmem>>
            %dma_start3A_62 = tpu.memref_squeeze %dma_start3A_61 : memref<1x128xi32, #tpu.memory_space<vmem>> -> memref<128xi32, #tpu.memory_space<vmem>>
            %dma_start3A_63 = arith.constant 0 : i32
            %dma_start3A_64 = arith.constant 0 : i32
            %dma_start3A_65 = tpu.memref_slice %arg2[%dma_start3A_63, %dma_start3A_64] : memref<10240x128xf32, #tpu.memory_space<hbm>> -> memref<10240x128xf32, #tpu.memory_space<hbm>>
            tpu.enqueue_indirect_dma source(%dma_start3A_65 : memref<10240x128xf32, #tpu.memory_space<hbm>>) target(%arg10 : memref<128x128xf32, #tpu.memory_space<vmem>>) offsets(%dma_start3A_62 : memref<128xi32, #tpu.memory_space<vmem>>) semaphore(%arg13 : memref<!tpu.dma_semaphore, #tpu.memory_space<semaphore_mem>>)
          } else {
          }
          "tpu.region"() ({
            %run_scoped3A = tpu.sem_alloc : memref<!tpu.dma_semaphore, #tpu.memory_space<semaphore_mem>>
            %dma_start3A_58 = arith.constant 0 : i32
            %dma_start3A_59 = tpu.memref_slice %arg8[%scan3A_29, %dma_start3A_58] : memref<40x128xi32, #tpu.memory_space<vmem>> -> memref<1x128xi32, #tpu.memory_space<vmem>>
            %dma_start3A_60 = tpu.memref_squeeze %dma_start3A_59 : memref<1x128xi32, #tpu.memory_space<vmem>> -> memref<128xi32, #tpu.memory_space<vmem>>
            %dma_start3A_61 = arith.constant 0 : i32
            %dma_start3A_62 = arith.constant 0 : i32
            %dma_start3A_63 = tpu.memref_slice %arg11[%dma_start3A_61, %dma_start3A_62] : memref<10240x128xf32, #tpu.memory_space<vmem_shared>> -> memref<10240x128xf32, #tpu.memory_space<vmem_shared>>
            tpu.enqueue_indirect_dma source(%arg9 : memref<128x128xf32, #tpu.memory_space<vmem>>) target(%dma_start3A_63 : memref<10240x128xf32, #tpu.memory_space<vmem_shared>>) offsets(%dma_start3A_60 : memref<128xi32, #tpu.memory_space<vmem>>) semaphore(%run_scoped3A : memref<!tpu.dma_semaphore, #tpu.memory_space<semaphore_mem>>) {add = true}
            %dma_wait3A_64 = arith.constant 0 : i32
            %dma_wait3A_65 = tpu.memref_slice %arg8[%scan3A_29, %dma_wait3A_64] : memref<40x128xi32, #tpu.memory_space<vmem>> -> memref<1x128xi32, #tpu.memory_space<vmem>>
            %dma_wait3A_66 = tpu.memref_squeeze %dma_wait3A_65 : memref<1x128xi32, #tpu.memory_space<vmem>> -> memref<128xi32, #tpu.memory_space<vmem>>
            %dma_wait3A_67 = arith.constant 0 : i32
            %dma_wait3A_68 = arith.constant 0 : i32
            %dma_wait3A_69 = tpu.memref_slice %arg11[%dma_wait3A_67, %dma_wait3A_68] : memref<10240x128xf32, #tpu.memory_space<vmem_shared>> -> memref<10240x128xf32, #tpu.memory_space<vmem_shared>>
            tpu.wait_indirect_dma semaphore(%run_scoped3A : memref<!tpu.dma_semaphore, #tpu.memory_space<semaphore_mem>>) src(%arg9 : memref<128x128xf32, #tpu.memory_space<vmem>>) dst(%dma_wait3A_69 : memref<10240x128xf32, #tpu.memory_space<vmem_shared>>)
            tpu.yield
          }) : () -> ()
        } else {
        }
        %not3A = arith.constant true
        %not3A_42 = arith.xori %eq3A_40, %not3A : i1
        %convert_element_type3A_43 = arith.extui %not3A_42 : i1 to i32
        %cond3A_44 = arith.constant 0 : i32
        %cond3A_45 = arith.cmpi ne, %convert_element_type3A_43, %cond3A_44 : i32
        scf.if %cond3A_45 {
          %dma_wait3A = arith.constant 0 : i32
          %dma_wait3A_46 = tpu.memref_slice %arg7[%scan3A_29, %dma_wait3A] : memref<40x128xi32, #tpu.memory_space<vmem>> -> memref<1x128xi32, #tpu.memory_space<vmem>>
          %dma_wait3A_47 = tpu.memref_squeeze %dma_wait3A_46 : memref<1x128xi32, #tpu.memory_space<vmem>> -> memref<128xi32, #tpu.memory_space<vmem>>
          %dma_wait3A_48 = arith.constant 0 : i32
          %dma_wait3A_49 = arith.constant 0 : i32
          %dma_wait3A_50 = tpu.memref_slice %arg2[%dma_wait3A_48, %dma_wait3A_49] : memref<10240x128xf32, #tpu.memory_space<hbm>> -> memref<10240x128xf32, #tpu.memory_space<hbm>>
          tpu.wait_indirect_dma semaphore(%arg13 : memref<!tpu.dma_semaphore, #tpu.memory_space<semaphore_mem>>) src(%dma_wait3A_50 : memref<10240x128xf32, #tpu.memory_space<hbm>>) dst(%arg10 : memref<128x128xf32, #tpu.memory_space<vmem>>)
          %add3A_51 = arith.constant 1 : i32
          %add3A_52 = arith.addi %scan3A_29, %add3A_51 : i32
          %lt3A_53 = arith.constant 40 : i32
          %lt3A_54 = arith.cmpi slt, %add3A_52, %lt3A_53 : i32
          %convert_element_type3A_55 = arith.extui %lt3A_54 : i1 to i32
          %cond3A_56 = arith.constant 0 : i32
          %cond3A_57 = arith.cmpi ne, %convert_element_type3A_55, %cond3A_56 : i32
          scf.if %cond3A_57 {
            %add3A_58 = arith.constant 1 : i32
            %add3A_59 = arith.addi %scan3A_29, %add3A_58 : i32
            %dma_start3A_60 = arith.constant 0 : i32
            %dma_start3A_61 = tpu.memref_slice %arg7[%add3A_59, %dma_start3A_60] : memref<40x128xi32, #tpu.memory_space<vmem>> -> memref<1x128xi32, #tpu.memory_space<vmem>>
            %dma_start3A_62 = tpu.memref_squeeze %dma_start3A_61 : memref<1x128xi32, #tpu.memory_space<vmem>> -> memref<128xi32, #tpu.memory_space<vmem>>
            %dma_start3A_63 = arith.constant 0 : i32
            %dma_start3A_64 = arith.constant 0 : i32
            %dma_start3A_65 = tpu.memref_slice %arg2[%dma_start3A_63, %dma_start3A_64] : memref<10240x128xf32, #tpu.memory_space<hbm>> -> memref<10240x128xf32, #tpu.memory_space<hbm>>
            tpu.enqueue_indirect_dma source(%dma_start3A_65 : memref<10240x128xf32, #tpu.memory_space<hbm>>) target(%arg9 : memref<128x128xf32, #tpu.memory_space<vmem>>) offsets(%dma_start3A_62 : memref<128xi32, #tpu.memory_space<vmem>>) semaphore(%arg12 : memref<!tpu.dma_semaphore, #tpu.memory_space<semaphore_mem>>)
          } else {
          }
          "tpu.region"() ({
            %run_scoped3A = tpu.sem_alloc : memref<!tpu.dma_semaphore, #tpu.memory_space<semaphore_mem>>
            %dma_start3A_58 = arith.constant 0 : i32
            %dma_start3A_59 = tpu.memref_slice %arg8[%scan3A_29, %dma_start3A_58] : memref<40x128xi32, #tpu.memory_space<vmem>> -> memref<1x128xi32, #tpu.memory_space<vmem>>
            %dma_start3A_60 = tpu.memref_squeeze %dma_start3A_59 : memref<1x128xi32, #tpu.memory_space<vmem>> -> memref<128xi32, #tpu.memory_space<vmem>>
            %dma_start3A_61 = arith.constant 0 : i32
            %dma_start3A_62 = arith.constant 0 : i32
            %dma_start3A_63 = tpu.memref_slice %arg11[%dma_start3A_61, %dma_start3A_62] : memref<10240x128xf32, #tpu.memory_space<vmem_shared>> -> memref<10240x128xf32, #tpu.memory_space<vmem_shared>>
            tpu.enqueue_indirect_dma source(%arg10 : memref<128x128xf32, #tpu.memory_space<vmem>>) target(%dma_start3A_63 : memref<10240x128xf32, #tpu.memory_space<vmem_shared>>) offsets(%dma_start3A_60 : memref<128xi32, #tpu.memory_space<vmem>>) semaphore(%run_scoped3A : memref<!tpu.dma_semaphore, #tpu.memory_space<semaphore_mem>>) {add = true}
            %dma_wait3A_64 = arith.constant 0 : i32
            %dma_wait3A_65 = tpu.memref_slice %arg8[%scan3A_29, %dma_wait3A_64] : memref<40x128xi32, #tpu.memory_space<vmem>> -> memref<1x128xi32, #tpu.memory_space<vmem>>
            %dma_wait3A_66 = tpu.memref_squeeze %dma_wait3A_65 : memref<1x128xi32, #tpu.memory_space<vmem>> -> memref<128xi32, #tpu.memory_space<vmem>>
            %dma_wait3A_67 = arith.constant 0 : i32
            %dma_wait3A_68 = arith.constant 0 : i32
            %dma_wait3A_69 = tpu.memref_slice %arg11[%dma_wait3A_67, %dma_wait3A_68] : memref<10240x128xf32, #tpu.memory_space<vmem_shared>> -> memref<10240x128xf32, #tpu.memory_space<vmem_shared>>
            tpu.wait_indirect_dma semaphore(%run_scoped3A : memref<!tpu.dma_semaphore, #tpu.memory_space<semaphore_mem>>) src(%arg10 : memref<128x128xf32, #tpu.memory_space<vmem>>) dst(%dma_wait3A_69 : memref<10240x128xf32, #tpu.memory_space<vmem_shared>>)
            tpu.yield
          }) : () -> ()
        } else {
        }
      }
      %scan3A_28 = arith.constant 40 : i32
    }
    %scan3A_7 = arith.constant 2 : i32
    %barrier3A_8 = arith.constant 0 : index
    tpu.barrier barrier_id(%barrier3A_8)
    %mul3A_9 = arith.constant 10240 : i32
    %mul3A_10 = arith.muli %arg0, %mul3A_9 : i32
    %add3A_11 = arith.addi %mul3A_10, %mul3A_2 : i32
    "tpu.region"() ({
      %run_scoped3A = tpu.sem_alloc : memref<!tpu.dma_semaphore, #tpu.memory_space<semaphore_mem>>
      %dma_start3A = arith.constant 0 : i32
      %dma_start3A_12 = tpu.memref_slice %arg6[%add3A_11, %dma_start3A] : memref<20480x128xf32, #tpu.memory_space<hbm>> -> memref<640x128xf32, #tpu.memory_space<hbm>>
      %dma_start3A_13 = arith.constant 0 : i32
      %dma_start3A_14 = tpu.memref_slice %arg11[%mul3A_2, %dma_start3A_13] : memref<10240x128xf32, #tpu.memory_space<vmem_shared>> -> memref<640x128xf32, #tpu.memory_space<vmem_shared>>
      tpu.enqueue_dma source(%dma_start3A_14 : memref<640x128xf32, #tpu.memory_space<vmem_shared>>) target(%dma_start3A_12 : memref<640x128xf32, #tpu.memory_space<hbm>>) target_semaphore(%run_scoped3A : memref<!tpu.dma_semaphore, #tpu.memory_space<semaphore_mem>>)
      %dma_wait3A = arith.constant 0 : i32
      %dma_wait3A_15 = tpu.memref_slice %arg6[%add3A_11, %dma_wait3A] : memref<20480x128xf32, #tpu.memory_space<hbm>> -> memref<640x128xf32, #tpu.memory_space<hbm>>
      %dma_wait3A_16 = arith.constant 0 : i32
      %dma_wait3A_17 = tpu.memref_slice %arg11[%mul3A_2, %dma_wait3A_16] : memref<10240x128xf32, #tpu.memory_space<vmem_shared>> -> memref<640x128xf32, #tpu.memory_space<vmem_shared>>
      tpu.wait_dma2 semaphore(%run_scoped3A : memref<!tpu.dma_semaphore, #tpu.memory_space<semaphore_mem>>) src(%dma_wait3A_17 : memref<640x128xf32, #tpu.memory_space<vmem_shared>>) dst(%dma_wait3A_15 : memref<640x128xf32, #tpu.memory_space<hbm>>)
      tpu.yield
    }) : () -> ()
    return
  }
}

#map = affine_map<(d0, d1) -> (0, 0)>
module attributes {stable_mosaic.version = 14 : i64} {
  func.func @k(%arg0: i32, %arg1: i32, %arg2: memref<10240x128xf32, #tpu.memory_space<hbm>>, %arg3: memref<10240x128xf32, #tpu.memory_space<hbm>>, %arg4: memref<2560x128xi32, #tpu.memory_space<hbm>>, %arg5: memref<2560x128xi32, #tpu.memory_space<hbm>>, %arg6: memref<20480x128xf32, #tpu.memory_space<hbm>>, %arg7: memref<40x128xi32, #tpu.memory_space<vmem>>, %arg8: memref<40x128xi32, #tpu.memory_space<vmem>>, %arg9: memref<128x128xf32, #tpu.memory_space<vmem>>, %arg10: memref<128x128xf32, #tpu.memory_space<vmem>>, %arg11: memref<10240x128xf32, #tpu.memory_space<vmem_shared>>, %arg12: memref<!tpu.dma_semaphore, #tpu.memory_space<semaphore_mem>>, %arg13: memref<!tpu.dma_semaphore, #tpu.memory_space<semaphore_mem>>, %arg14: memref<!tpu.dma_semaphore, #tpu.memory_space<semaphore_mem>>, %arg15: memref<!tpu.dma_semaphore, #tpu.memory_space<semaphore_mem>>) attributes {dimension_semantics = [#tpu.dimension_semantics<core_parallel>, #tpu.dimension_semantics<subcore_parallel>], iteration_bounds = array<i64: 2, 16>, scalar_prefetch = 0 : i64, scratch_operands = 9 : i64, tpu.core_type = #tpu.core_type<sc_vector_subcore>, window_params = [{transform_indices = #map}, {transform_indices = #map}, {transform_indices = #map}, {transform_indices = #map}, {transform_indices = #map}]} {
    %mul3A = arith.constant 640 : i32
    %mul3A_0 = arith.muli %arg1, %mul3A : i32
    %eq3A = arith.constant 0 : i32
    %eq3A_1 = arith.cmpi eq, %arg0, %eq3A : i32
    %convert_element_type3A = arith.extui %eq3A_1 : i1 to i32
    %cond3A = arith.constant 0 : i32
    %cond3A_2 = arith.cmpi ne, %convert_element_type3A, %cond3A : i32
    scf.if %cond3A_2 {
      "tpu.region"() ({
        %run_scoped3A = tpu.sem_alloc : memref<!tpu.dma_semaphore, #tpu.memory_space<semaphore_mem>>
        %dma_start3A = arith.constant 0 : i32
        %dma_start3A_15 = tpu.memref_slice %arg11[%mul3A_0, %dma_start3A] : memref<10240x128xf32, #tpu.memory_space<vmem_shared>> -> memref<640x128xf32, #tpu.memory_space<vmem_shared>>
        %dma_start3A_16 = arith.constant 0 : i32
        %dma_start3A_17 = tpu.memref_slice %arg2[%mul3A_0, %dma_start3A_16] : memref<10240x128xf32, #tpu.memory_space<hbm>> -> memref<640x128xf32, #tpu.memory_space<hbm>>
        tpu.enqueue_dma source(%dma_start3A_17 : memref<640x128xf32, #tpu.memory_space<hbm>>) target(%dma_start3A_15 : memref<640x128xf32, #tpu.memory_space<vmem_shared>>) target_semaphore(%run_scoped3A : memref<!tpu.dma_semaphore, #tpu.memory_space<semaphore_mem>>)
        %dma_wait3A = arith.constant 0 : i32
        %dma_wait3A_18 = tpu.memref_slice %arg11[%mul3A_0, %dma_wait3A] : memref<10240x128xf32, #tpu.memory_space<vmem_shared>> -> memref<640x128xf32, #tpu.memory_space<vmem_shared>>
        %dma_wait3A_19 = arith.constant 0 : i32
        %dma_wait3A_20 = tpu.memref_slice %arg2[%mul3A_0, %dma_wait3A_19] : memref<10240x128xf32, #tpu.memory_space<hbm>> -> memref<640x128xf32, #tpu.memory_space<hbm>>
        tpu.wait_dma2 semaphore(%run_scoped3A : memref<!tpu.dma_semaphore, #tpu.memory_space<semaphore_mem>>) src(%dma_wait3A_20 : memref<640x128xf32, #tpu.memory_space<hbm>>) dst(%dma_wait3A_18 : memref<640x128xf32, #tpu.memory_space<vmem_shared>>)
        tpu.yield
      }) : () -> ()
    } else {
    }
    %ne3A = arith.constant 0 : i32
    %ne3A_3 = arith.cmpi ne, %arg0, %ne3A : i32
    %convert_element_type3A_4 = arith.extui %ne3A_3 : i1 to i32
    %cond3A_5 = arith.constant 0 : i32
    %cond3A_6 = arith.cmpi ne, %convert_element_type3A_4, %cond3A_5 : i32
    scf.if %cond3A_6 {
      "tpu.region"() ({
        %run_scoped3A = tpu.sem_alloc : memref<!tpu.dma_semaphore, #tpu.memory_space<semaphore_mem>>
        %dma_start3A = arith.constant 0 : i32
        %dma_start3A_15 = tpu.memref_slice %arg11[%mul3A_0, %dma_start3A] : memref<10240x128xf32, #tpu.memory_space<vmem_shared>> -> memref<640x128xf32, #tpu.memory_space<vmem_shared>>
        %dma_start3A_16 = arith.constant 0 : i32
        %dma_start3A_17 = tpu.memref_slice %arg3[%mul3A_0, %dma_start3A_16] : memref<10240x128xf32, #tpu.memory_space<hbm>> -> memref<640x128xf32, #tpu.memory_space<hbm>>
        tpu.enqueue_dma source(%dma_start3A_17 : memref<640x128xf32, #tpu.memory_space<hbm>>) target(%dma_start3A_15 : memref<640x128xf32, #tpu.memory_space<vmem_shared>>) target_semaphore(%run_scoped3A : memref<!tpu.dma_semaphore, #tpu.memory_space<semaphore_mem>>)
        %dma_wait3A = arith.constant 0 : i32
        %dma_wait3A_18 = tpu.memref_slice %arg11[%mul3A_0, %dma_wait3A] : memref<10240x128xf32, #tpu.memory_space<vmem_shared>> -> memref<640x128xf32, #tpu.memory_space<vmem_shared>>
        %dma_wait3A_19 = arith.constant 0 : i32
        %dma_wait3A_20 = tpu.memref_slice %arg3[%mul3A_0, %dma_wait3A_19] : memref<10240x128xf32, #tpu.memory_space<hbm>> -> memref<640x128xf32, #tpu.memory_space<hbm>>
        tpu.wait_dma2 semaphore(%run_scoped3A : memref<!tpu.dma_semaphore, #tpu.memory_space<semaphore_mem>>) src(%dma_wait3A_20 : memref<640x128xf32, #tpu.memory_space<hbm>>) dst(%dma_wait3A_18 : memref<640x128xf32, #tpu.memory_space<vmem_shared>>)
        tpu.yield
      }) : () -> ()
    } else {
    }
    %barrier3A = arith.constant 0 : index
    tpu.barrier barrier_id(%barrier3A)
    %scan3A = arith.constant 0 : i32
    %scan3A_7 = arith.constant 0 : i32
    %scan3A_8 = arith.constant 4 : i32
    %scan3A_9 = arith.addi %scan3A_7, %scan3A_8 : i32
    %scan3A_10 = arith.constant 1 : i32
    scf.for %scan3A_15 = %scan3A_7 to %scan3A_9 step %scan3A_10  : i32 {
      %mul3A_16 = arith.constant 160 : i32
      %mul3A_17 = arith.muli %arg1, %mul3A_16 : i32
      %mul3A_18 = arith.constant 40 : i32
      %mul3A_19 = arith.muli %scan3A_15, %mul3A_18 : i32
      %add3A_20 = arith.addi %mul3A_17, %mul3A_19 : i32
      "tpu.region"() ({
        %run_scoped3A = tpu.sem_alloc : memref<!tpu.dma_semaphore, #tpu.memory_space<semaphore_mem>>
        %dma_start3A = arith.constant 0 : i32
        %dma_start3A_59 = tpu.memref_slice %arg4[%add3A_20, %dma_start3A] : memref<2560x128xi32, #tpu.memory_space<hbm>> -> memref<40x128xi32, #tpu.memory_space<hbm>>
        %dma_start3A_60 = arith.constant 0 : i32
        %dma_start3A_61 = tpu.memref_slice %arg4[%add3A_20, %dma_start3A_60] : memref<2560x128xi32, #tpu.memory_space<hbm>> -> memref<40x128xi32, #tpu.memory_space<hbm>>
        tpu.enqueue_dma source(%dma_start3A_61 : memref<40x128xi32, #tpu.memory_space<hbm>>) target(%arg7 : memref<40x128xi32, #tpu.memory_space<vmem>>) target_semaphore(%run_scoped3A : memref<!tpu.dma_semaphore, #tpu.memory_space<semaphore_mem>>)
        %dma_wait3A_62 = arith.constant 0 : i32
        %dma_wait3A_63 = tpu.memref_slice %arg4[%add3A_20, %dma_wait3A_62] : memref<2560x128xi32, #tpu.memory_space<hbm>> -> memref<40x128xi32, #tpu.memory_space<hbm>>
        %dma_wait3A_64 = arith.constant 0 : i32
        %dma_wait3A_65 = tpu.memref_slice %arg4[%add3A_20, %dma_wait3A_64] : memref<2560x128xi32, #tpu.memory_space<hbm>> -> memref<40x128xi32, #tpu.memory_space<hbm>>
        tpu.wait_dma2 semaphore(%run_scoped3A : memref<!tpu.dma_semaphore, #tpu.memory_space<semaphore_mem>>) src(%dma_wait3A_65 : memref<40x128xi32, #tpu.memory_space<hbm>>) dst(%arg7 : memref<40x128xi32, #tpu.memory_space<vmem>>)
        tpu.yield
      }) : () -> ()
      "tpu.region"() ({
        %run_scoped3A = tpu.sem_alloc : memref<!tpu.dma_semaphore, #tpu.memory_space<semaphore_mem>>
        %dma_start3A = arith.constant 0 : i32
        %dma_start3A_59 = tpu.memref_slice %arg5[%add3A_20, %dma_start3A] : memref<2560x128xi32, #tpu.memory_space<hbm>> -> memref<40x128xi32, #tpu.memory_space<hbm>>
        %dma_start3A_60 = arith.constant 0 : i32
        %dma_start3A_61 = tpu.memref_slice %arg5[%add3A_20, %dma_start3A_60] : memref<2560x128xi32, #tpu.memory_space<hbm>> -> memref<40x128xi32, #tpu.memory_space<hbm>>
        tpu.enqueue_dma source(%dma_start3A_61 : memref<40x128xi32, #tpu.memory_space<hbm>>) target(%arg8 : memref<40x128xi32, #tpu.memory_space<vmem>>) target_semaphore(%run_scoped3A : memref<!tpu.dma_semaphore, #tpu.memory_space<semaphore_mem>>)
        %dma_wait3A_62 = arith.constant 0 : i32
        %dma_wait3A_63 = tpu.memref_slice %arg5[%add3A_20, %dma_wait3A_62] : memref<2560x128xi32, #tpu.memory_space<hbm>> -> memref<40x128xi32, #tpu.memory_space<hbm>>
        %dma_wait3A_64 = arith.constant 0 : i32
        %dma_wait3A_65 = tpu.memref_slice %arg5[%add3A_20, %dma_wait3A_64] : memref<2560x128xi32, #tpu.memory_space<hbm>> -> memref<40x128xi32, #tpu.memory_space<hbm>>
        tpu.wait_dma2 semaphore(%run_scoped3A : memref<!tpu.dma_semaphore, #tpu.memory_space<semaphore_mem>>) src(%dma_wait3A_65 : memref<40x128xi32, #tpu.memory_space<hbm>>) dst(%arg8 : memref<40x128xi32, #tpu.memory_space<vmem>>)
        tpu.yield
      }) : () -> ()
      %eq3A_21 = arith.constant 0 : i32
      %eq3A_22 = arith.cmpi eq, %arg0, %eq3A_21 : i32
      %convert_element_type3A_23 = arith.extui %eq3A_22 : i1 to i32
      %cond3A_24 = arith.constant 0 : i32
      %cond3A_25 = arith.cmpi ne, %convert_element_type3A_23, %cond3A_24 : i32
      scf.if %cond3A_25 {
        %dma_start3A = arith.constant 0 : i32
        %dma_start3A_59 = arith.constant 0 : i32
        %dma_start3A_60 = tpu.memref_slice %arg7[%dma_start3A, %dma_start3A_59] : memref<40x128xi32, #tpu.memory_space<vmem>> -> memref<1x128xi32, #tpu.memory_space<vmem>>
        %dma_start3A_61 = tpu.memref_squeeze %dma_start3A_60 : memref<1x128xi32, #tpu.memory_space<vmem>> -> memref<128xi32, #tpu.memory_space<vmem>>
        %dma_start3A_62 = arith.constant 0 : i32
        %dma_start3A_63 = arith.constant 0 : i32
        %dma_start3A_64 = tpu.memref_slice %arg2[%dma_start3A_62, %dma_start3A_63] : memref<10240x128xf32, #tpu.memory_space<hbm>> -> memref<10240x128xf32, #tpu.memory_space<hbm>>
        tpu.enqueue_indirect_dma source(%dma_start3A_64 : memref<10240x128xf32, #tpu.memory_space<hbm>>) target(%arg9 : memref<128x128xf32, #tpu.memory_space<vmem>>) offsets(%dma_start3A_61 : memref<128xi32, #tpu.memory_space<vmem>>) semaphore(%arg12 : memref<!tpu.dma_semaphore, #tpu.memory_space<semaphore_mem>>)
      } else {
      }
      %ne3A_26 = arith.constant 0 : i32
      %ne3A_27 = arith.cmpi ne, %arg0, %ne3A_26 : i32
      %convert_element_type3A_28 = arith.extui %ne3A_27 : i1 to i32
      %cond3A_29 = arith.constant 0 : i32
      %cond3A_30 = arith.cmpi ne, %convert_element_type3A_28, %cond3A_29 : i32
      scf.if %cond3A_30 {
        %dma_start3A = arith.constant 0 : i32
        %dma_start3A_59 = arith.constant 0 : i32
        %dma_start3A_60 = tpu.memref_slice %arg7[%dma_start3A, %dma_start3A_59] : memref<40x128xi32, #tpu.memory_space<vmem>> -> memref<1x128xi32, #tpu.memory_space<vmem>>
        %dma_start3A_61 = tpu.memref_squeeze %dma_start3A_60 : memref<1x128xi32, #tpu.memory_space<vmem>> -> memref<128xi32, #tpu.memory_space<vmem>>
        %dma_start3A_62 = arith.constant 0 : i32
        %dma_start3A_63 = arith.constant 0 : i32
        %dma_start3A_64 = tpu.memref_slice %arg3[%dma_start3A_62, %dma_start3A_63] : memref<10240x128xf32, #tpu.memory_space<hbm>> -> memref<10240x128xf32, #tpu.memory_space<hbm>>
        tpu.enqueue_indirect_dma source(%dma_start3A_64 : memref<10240x128xf32, #tpu.memory_space<hbm>>) target(%arg9 : memref<128x128xf32, #tpu.memory_space<vmem>>) offsets(%dma_start3A_61 : memref<128xi32, #tpu.memory_space<vmem>>) semaphore(%arg12 : memref<!tpu.dma_semaphore, #tpu.memory_space<semaphore_mem>>)
      } else {
      }
      %eq3A_31 = arith.constant 0 : i32
      %eq3A_32 = arith.cmpi eq, %arg0, %eq3A_31 : i32
      %convert_element_type3A_33 = arith.extui %eq3A_32 : i1 to i32
      %cond3A_34 = arith.constant 0 : i32
      %cond3A_35 = arith.cmpi ne, %convert_element_type3A_33, %cond3A_34 : i32
      scf.if %cond3A_35 {
        %dma_start3A = arith.constant 1 : i32
        %dma_start3A_59 = arith.constant 0 : i32
        %dma_start3A_60 = tpu.memref_slice %arg7[%dma_start3A, %dma_start3A_59] : memref<40x128xi32, #tpu.memory_space<vmem>> -> memref<1x128xi32, #tpu.memory_space<vmem>>
        %dma_start3A_61 = tpu.memref_squeeze %dma_start3A_60 : memref<1x128xi32, #tpu.memory_space<vmem>> -> memref<128xi32, #tpu.memory_space<vmem>>
        %dma_start3A_62 = arith.constant 0 : i32
        %dma_start3A_63 = arith.constant 0 : i32
        %dma_start3A_64 = tpu.memref_slice %arg2[%dma_start3A_62, %dma_start3A_63] : memref<10240x128xf32, #tpu.memory_space<hbm>> -> memref<10240x128xf32, #tpu.memory_space<hbm>>
        tpu.enqueue_indirect_dma source(%dma_start3A_64 : memref<10240x128xf32, #tpu.memory_space<hbm>>) target(%arg10 : memref<128x128xf32, #tpu.memory_space<vmem>>) offsets(%dma_start3A_61 : memref<128xi32, #tpu.memory_space<vmem>>) semaphore(%arg13 : memref<!tpu.dma_semaphore, #tpu.memory_space<semaphore_mem>>)
      } else {
      }
      %ne3A_36 = arith.constant 0 : i32
      %ne3A_37 = arith.cmpi ne, %arg0, %ne3A_36 : i32
      %convert_element_type3A_38 = arith.extui %ne3A_37 : i1 to i32
      %cond3A_39 = arith.constant 0 : i32
      %cond3A_40 = arith.cmpi ne, %convert_element_type3A_38, %cond3A_39 : i32
      scf.if %cond3A_40 {
        %dma_start3A = arith.constant 1 : i32
        %dma_start3A_59 = arith.constant 0 : i32
        %dma_start3A_60 = tpu.memref_slice %arg7[%dma_start3A, %dma_start3A_59] : memref<40x128xi32, #tpu.memory_space<vmem>> -> memref<1x128xi32, #tpu.memory_space<vmem>>
        %dma_start3A_61 = tpu.memref_squeeze %dma_start3A_60 : memref<1x128xi32, #tpu.memory_space<vmem>> -> memref<128xi32, #tpu.memory_space<vmem>>
        %dma_start3A_62 = arith.constant 0 : i32
        %dma_start3A_63 = arith.constant 0 : i32
        %dma_start3A_64 = tpu.memref_slice %arg3[%dma_start3A_62, %dma_start3A_63] : memref<10240x128xf32, #tpu.memory_space<hbm>> -> memref<10240x128xf32, #tpu.memory_space<hbm>>
        tpu.enqueue_indirect_dma source(%dma_start3A_64 : memref<10240x128xf32, #tpu.memory_space<hbm>>) target(%arg10 : memref<128x128xf32, #tpu.memory_space<vmem>>) offsets(%dma_start3A_61 : memref<128xi32, #tpu.memory_space<vmem>>) semaphore(%arg13 : memref<!tpu.dma_semaphore, #tpu.memory_space<semaphore_mem>>)
      } else {
      }
      %scan3A_41 = arith.constant 0 : i32
      %scan3A_42 = arith.constant 40 : i32
      %scan3A_43 = arith.addi %scan3A_41, %scan3A_42 : i32
      %scan3A_44 = arith.constant 1 : i32
      scf.for %scan3A_59 = %scan3A_41 to %scan3A_43 step %scan3A_44  : i32 {
        %jit3A = arith.constant 2 : i32
        %eq3A_60 = arith.constant 0 : i32
        %eq3A_61 = arith.cmpi eq, %jit3A, %eq3A_60 : i32
        %jit3A_62 = arith.constant 1 : i32
        %select_n3A = arith.select %eq3A_61, %jit3A_62, %jit3A : i32
        %rem3A = arith.remsi %scan3A_59, %select_n3A : i32
        %ne3A_63 = arith.constant 0 : i32
        %ne3A_64 = arith.cmpi ne, %rem3A, %ne3A_63 : i32
        %lt3A = arith.constant 0 : i32
        %lt3A_65 = arith.cmpi slt, %rem3A, %lt3A : i32
        %lt3A_66 = arith.constant 0 : i32
        %lt3A_67 = arith.cmpi slt, %select_n3A, %lt3A_66 : i32
        %ne3A_68 = arith.xori %lt3A_65, %lt3A_67 : i1
        %and3A = arith.andi %ne3A_68, %ne3A_64 : i1
        %add3A_69 = arith.addi %rem3A, %select_n3A : i32
        %select_n3A_70 = arith.select %and3A, %add3A_69, %rem3A : i32
        %eq3A_71 = arith.constant 0 : i32
        %eq3A_72 = arith.cmpi eq, %select_n3A_70, %eq3A_71 : i32
        %convert_element_type3A_73 = arith.extui %eq3A_72 : i1 to i32
        %cond3A_74 = arith.constant 0 : i32
        %cond3A_75 = arith.cmpi ne, %convert_element_type3A_73, %cond3A_74 : i32
        scf.if %cond3A_75 {
          %dma_wait3A_80 = arith.constant 0 : i32
          %dma_wait3A_81 = tpu.memref_slice %arg7[%scan3A_59, %dma_wait3A_80] : memref<40x128xi32, #tpu.memory_space<vmem>> -> memref<1x128xi32, #tpu.memory_space<vmem>>
          %dma_wait3A_82 = tpu.memref_squeeze %dma_wait3A_81 : memref<1x128xi32, #tpu.memory_space<vmem>> -> memref<128xi32, #tpu.memory_space<vmem>>
          %dma_wait3A_83 = arith.constant 0 : i32
          %dma_wait3A_84 = arith.constant 0 : i32
          %dma_wait3A_85 = tpu.memref_slice %arg2[%dma_wait3A_83, %dma_wait3A_84] : memref<10240x128xf32, #tpu.memory_space<hbm>> -> memref<10240x128xf32, #tpu.memory_space<hbm>>
          tpu.wait_indirect_dma semaphore(%arg12 : memref<!tpu.dma_semaphore, #tpu.memory_space<semaphore_mem>>) src(%dma_wait3A_85 : memref<10240x128xf32, #tpu.memory_space<hbm>>) dst(%arg9 : memref<128x128xf32, #tpu.memory_space<vmem>>)
          %dma_start3A = arith.constant 0 : i32
          %dma_start3A_86 = tpu.memref_slice %arg8[%scan3A_59, %dma_start3A] : memref<40x128xi32, #tpu.memory_space<vmem>> -> memref<1x128xi32, #tpu.memory_space<vmem>>
          %dma_start3A_87 = tpu.memref_squeeze %dma_start3A_86 : memref<1x128xi32, #tpu.memory_space<vmem>> -> memref<128xi32, #tpu.memory_space<vmem>>
          %dma_start3A_88 = arith.constant 0 : i32
          %dma_start3A_89 = arith.constant 0 : i32
          %dma_start3A_90 = tpu.memref_slice %arg11[%dma_start3A_88, %dma_start3A_89] : memref<10240x128xf32, #tpu.memory_space<vmem_shared>> -> memref<10240x128xf32, #tpu.memory_space<vmem_shared>>
          tpu.enqueue_indirect_dma source(%arg9 : memref<128x128xf32, #tpu.memory_space<vmem>>) target(%dma_start3A_90 : memref<10240x128xf32, #tpu.memory_space<vmem_shared>>) offsets(%dma_start3A_87 : memref<128xi32, #tpu.memory_space<vmem>>) semaphore(%arg14 : memref<!tpu.dma_semaphore, #tpu.memory_space<semaphore_mem>>) {add = true}
          %add3A_91 = arith.constant 2 : i32
          %add3A_92 = arith.addi %scan3A_59, %add3A_91 : i32
          %lt3A_93 = arith.constant 40 : i32
          %lt3A_94 = arith.cmpi slt, %add3A_92, %lt3A_93 : i32
          %convert_element_type3A_95 = arith.extui %lt3A_94 : i1 to i32
          %cond3A_96 = arith.constant 0 : i32
          %cond3A_97 = arith.cmpi ne, %convert_element_type3A_95, %cond3A_96 : i32
          scf.if %cond3A_97 {
            %dma_wait3A_98 = arith.constant 0 : i32
            %dma_wait3A_99 = tpu.memref_slice %arg8[%scan3A_59, %dma_wait3A_98] : memref<40x128xi32, #tpu.memory_space<vmem>> -> memref<1x128xi32, #tpu.memory_space<vmem>>
            %dma_wait3A_100 = tpu.memref_squeeze %dma_wait3A_99 : memref<1x128xi32, #tpu.memory_space<vmem>> -> memref<128xi32, #tpu.memory_space<vmem>>
            %dma_wait3A_101 = arith.constant 0 : i32
            %dma_wait3A_102 = arith.constant 0 : i32
            %dma_wait3A_103 = tpu.memref_slice %arg11[%dma_wait3A_101, %dma_wait3A_102] : memref<10240x128xf32, #tpu.memory_space<vmem_shared>> -> memref<10240x128xf32, #tpu.memory_space<vmem_shared>>
            tpu.wait_indirect_dma semaphore(%arg14 : memref<!tpu.dma_semaphore, #tpu.memory_space<semaphore_mem>>) src(%arg9 : memref<128x128xf32, #tpu.memory_space<vmem>>) dst(%dma_wait3A_103 : memref<10240x128xf32, #tpu.memory_space<vmem_shared>>)
            %add3A_104 = arith.constant 2 : i32
            %add3A_105 = arith.addi %scan3A_59, %add3A_104 : i32
            %eq3A_106 = arith.constant 0 : i32
            %eq3A_107 = arith.cmpi eq, %arg0, %eq3A_106 : i32
            %convert_element_type3A_108 = arith.extui %eq3A_107 : i1 to i32
            %cond3A_109 = arith.constant 0 : i32
            %cond3A_110 = arith.cmpi ne, %convert_element_type3A_108, %cond3A_109 : i32
            scf.if %cond3A_110 {
              %dma_start3A_116 = arith.constant 0 : i32
              %dma_start3A_117 = tpu.memref_slice %arg7[%add3A_105, %dma_start3A_116] : memref<40x128xi32, #tpu.memory_space<vmem>> -> memref<1x128xi32, #tpu.memory_space<vmem>>
              %dma_start3A_118 = tpu.memref_squeeze %dma_start3A_117 : memref<1x128xi32, #tpu.memory_space<vmem>> -> memref<128xi32, #tpu.memory_space<vmem>>
              %dma_start3A_119 = arith.constant 0 : i32
              %dma_start3A_120 = arith.constant 0 : i32
              %dma_start3A_121 = tpu.memref_slice %arg2[%dma_start3A_119, %dma_start3A_120] : memref<10240x128xf32, #tpu.memory_space<hbm>> -> memref<10240x128xf32, #tpu.memory_space<hbm>>
              tpu.enqueue_indirect_dma source(%dma_start3A_121 : memref<10240x128xf32, #tpu.memory_space<hbm>>) target(%arg9 : memref<128x128xf32, #tpu.memory_space<vmem>>) offsets(%dma_start3A_118 : memref<128xi32, #tpu.memory_space<vmem>>) semaphore(%arg12 : memref<!tpu.dma_semaphore, #tpu.memory_space<semaphore_mem>>)
            } else {
            }
            %ne3A_111 = arith.constant 0 : i32
            %ne3A_112 = arith.cmpi ne, %arg0, %ne3A_111 : i32
            %convert_element_type3A_113 = arith.extui %ne3A_112 : i1 to i32
            %cond3A_114 = arith.constant 0 : i32
            %cond3A_115 = arith.cmpi ne, %convert_element_type3A_113, %cond3A_114 : i32
            scf.if %cond3A_115 {
              %dma_start3A_116 = arith.constant 0 : i32
              %dma_start3A_117 = tpu.memref_slice %arg7[%add3A_105, %dma_start3A_116] : memref<40x128xi32, #tpu.memory_space<vmem>> -> memref<1x128xi32, #tpu.memory_space<vmem>>
              %dma_start3A_118 = tpu.memref_squeeze %dma_start3A_117 : memref<1x128xi32, #tpu.memory_space<vmem>> -> memref<128xi32, #tpu.memory_space<vmem>>
              %dma_start3A_119 = arith.constant 0 : i32
              %dma_start3A_120 = arith.constant 0 : i32
              %dma_start3A_121 = tpu.memref_slice %arg3[%dma_start3A_119, %dma_start3A_120] : memref<10240x128xf32, #tpu.memory_space<hbm>> -> memref<10240x128xf32, #tpu.memory_space<hbm>>
              tpu.enqueue_indirect_dma source(%dma_start3A_121 : memref<10240x128xf32, #tpu.memory_space<hbm>>) target(%arg9 : memref<128x128xf32, #tpu.memory_space<vmem>>) offsets(%dma_start3A_118 : memref<128xi32, #tpu.memory_space<vmem>>) semaphore(%arg12 : memref<!tpu.dma_semaphore, #tpu.memory_space<semaphore_mem>>)
            } else {
            }
          } else {
          }
        } else {
        }
        %not3A = arith.constant true
        %not3A_76 = arith.xori %eq3A_72, %not3A : i1
        %convert_element_type3A_77 = arith.extui %not3A_76 : i1 to i32
        %cond3A_78 = arith.constant 0 : i32
        %cond3A_79 = arith.cmpi ne, %convert_element_type3A_77, %cond3A_78 : i32
        scf.if %cond3A_79 {
          %dma_wait3A_80 = arith.constant 0 : i32
          %dma_wait3A_81 = tpu.memref_slice %arg7[%scan3A_59, %dma_wait3A_80] : memref<40x128xi32, #tpu.memory_space<vmem>> -> memref<1x128xi32, #tpu.memory_space<vmem>>
          %dma_wait3A_82 = tpu.memref_squeeze %dma_wait3A_81 : memref<1x128xi32, #tpu.memory_space<vmem>> -> memref<128xi32, #tpu.memory_space<vmem>>
          %dma_wait3A_83 = arith.constant 0 : i32
          %dma_wait3A_84 = arith.constant 0 : i32
          %dma_wait3A_85 = tpu.memref_slice %arg2[%dma_wait3A_83, %dma_wait3A_84] : memref<10240x128xf32, #tpu.memory_space<hbm>> -> memref<10240x128xf32, #tpu.memory_space<hbm>>
          tpu.wait_indirect_dma semaphore(%arg13 : memref<!tpu.dma_semaphore, #tpu.memory_space<semaphore_mem>>) src(%dma_wait3A_85 : memref<10240x128xf32, #tpu.memory_space<hbm>>) dst(%arg10 : memref<128x128xf32, #tpu.memory_space<vmem>>)
          %dma_start3A = arith.constant 0 : i32
          %dma_start3A_86 = tpu.memref_slice %arg8[%scan3A_59, %dma_start3A] : memref<40x128xi32, #tpu.memory_space<vmem>> -> memref<1x128xi32, #tpu.memory_space<vmem>>
          %dma_start3A_87 = tpu.memref_squeeze %dma_start3A_86 : memref<1x128xi32, #tpu.memory_space<vmem>> -> memref<128xi32, #tpu.memory_space<vmem>>
          %dma_start3A_88 = arith.constant 0 : i32
          %dma_start3A_89 = arith.constant 0 : i32
          %dma_start3A_90 = tpu.memref_slice %arg11[%dma_start3A_88, %dma_start3A_89] : memref<10240x128xf32, #tpu.memory_space<vmem_shared>> -> memref<10240x128xf32, #tpu.memory_space<vmem_shared>>
          tpu.enqueue_indirect_dma source(%arg10 : memref<128x128xf32, #tpu.memory_space<vmem>>) target(%dma_start3A_90 : memref<10240x128xf32, #tpu.memory_space<vmem_shared>>) offsets(%dma_start3A_87 : memref<128xi32, #tpu.memory_space<vmem>>) semaphore(%arg15 : memref<!tpu.dma_semaphore, #tpu.memory_space<semaphore_mem>>) {add = true}
          %add3A_91 = arith.constant 2 : i32
          %add3A_92 = arith.addi %scan3A_59, %add3A_91 : i32
          %lt3A_93 = arith.constant 40 : i32
          %lt3A_94 = arith.cmpi slt, %add3A_92, %lt3A_93 : i32
          %convert_element_type3A_95 = arith.extui %lt3A_94 : i1 to i32
          %cond3A_96 = arith.constant 0 : i32
          %cond3A_97 = arith.cmpi ne, %convert_element_type3A_95, %cond3A_96 : i32
          scf.if %cond3A_97 {
            %dma_wait3A_98 = arith.constant 0 : i32
            %dma_wait3A_99 = tpu.memref_slice %arg8[%scan3A_59, %dma_wait3A_98] : memref<40x128xi32, #tpu.memory_space<vmem>> -> memref<1x128xi32, #tpu.memory_space<vmem>>
            %dma_wait3A_100 = tpu.memref_squeeze %dma_wait3A_99 : memref<1x128xi32, #tpu.memory_space<vmem>> -> memref<128xi32, #tpu.memory_space<vmem>>
            %dma_wait3A_101 = arith.constant 0 : i32
            %dma_wait3A_102 = arith.constant 0 : i32
            %dma_wait3A_103 = tpu.memref_slice %arg11[%dma_wait3A_101, %dma_wait3A_102] : memref<10240x128xf32, #tpu.memory_space<vmem_shared>> -> memref<10240x128xf32, #tpu.memory_space<vmem_shared>>
            tpu.wait_indirect_dma semaphore(%arg15 : memref<!tpu.dma_semaphore, #tpu.memory_space<semaphore_mem>>) src(%arg10 : memref<128x128xf32, #tpu.memory_space<vmem>>) dst(%dma_wait3A_103 : memref<10240x128xf32, #tpu.memory_space<vmem_shared>>)
            %add3A_104 = arith.constant 2 : i32
            %add3A_105 = arith.addi %scan3A_59, %add3A_104 : i32
            %eq3A_106 = arith.constant 0 : i32
            %eq3A_107 = arith.cmpi eq, %arg0, %eq3A_106 : i32
            %convert_element_type3A_108 = arith.extui %eq3A_107 : i1 to i32
            %cond3A_109 = arith.constant 0 : i32
            %cond3A_110 = arith.cmpi ne, %convert_element_type3A_108, %cond3A_109 : i32
            scf.if %cond3A_110 {
              %dma_start3A_116 = arith.constant 0 : i32
              %dma_start3A_117 = tpu.memref_slice %arg7[%add3A_105, %dma_start3A_116] : memref<40x128xi32, #tpu.memory_space<vmem>> -> memref<1x128xi32, #tpu.memory_space<vmem>>
              %dma_start3A_118 = tpu.memref_squeeze %dma_start3A_117 : memref<1x128xi32, #tpu.memory_space<vmem>> -> memref<128xi32, #tpu.memory_space<vmem>>
              %dma_start3A_119 = arith.constant 0 : i32
              %dma_start3A_120 = arith.constant 0 : i32
              %dma_start3A_121 = tpu.memref_slice %arg2[%dma_start3A_119, %dma_start3A_120] : memref<10240x128xf32, #tpu.memory_space<hbm>> -> memref<10240x128xf32, #tpu.memory_space<hbm>>
              tpu.enqueue_indirect_dma source(%dma_start3A_121 : memref<10240x128xf32, #tpu.memory_space<hbm>>) target(%arg10 : memref<128x128xf32, #tpu.memory_space<vmem>>) offsets(%dma_start3A_118 : memref<128xi32, #tpu.memory_space<vmem>>) semaphore(%arg13 : memref<!tpu.dma_semaphore, #tpu.memory_space<semaphore_mem>>)
            } else {
            }
            %ne3A_111 = arith.constant 0 : i32
            %ne3A_112 = arith.cmpi ne, %arg0, %ne3A_111 : i32
            %convert_element_type3A_113 = arith.extui %ne3A_112 : i1 to i32
            %cond3A_114 = arith.constant 0 : i32
            %cond3A_115 = arith.cmpi ne, %convert_element_type3A_113, %cond3A_114 : i32
            scf.if %cond3A_115 {
              %dma_start3A_116 = arith.constant 0 : i32
              %dma_start3A_117 = tpu.memref_slice %arg7[%add3A_105, %dma_start3A_116] : memref<40x128xi32, #tpu.memory_space<vmem>> -> memref<1x128xi32, #tpu.memory_space<vmem>>
              %dma_start3A_118 = tpu.memref_squeeze %dma_start3A_117 : memref<1x128xi32, #tpu.memory_space<vmem>> -> memref<128xi32, #tpu.memory_space<vmem>>
              %dma_start3A_119 = arith.constant 0 : i32
              %dma_start3A_120 = arith.constant 0 : i32
              %dma_start3A_121 = tpu.memref_slice %arg3[%dma_start3A_119, %dma_start3A_120] : memref<10240x128xf32, #tpu.memory_space<hbm>> -> memref<10240x128xf32, #tpu.memory_space<hbm>>
              tpu.enqueue_indirect_dma source(%dma_start3A_121 : memref<10240x128xf32, #tpu.memory_space<hbm>>) target(%arg10 : memref<128x128xf32, #tpu.memory_space<vmem>>) offsets(%dma_start3A_118 : memref<128xi32, #tpu.memory_space<vmem>>) semaphore(%arg13 : memref<!tpu.dma_semaphore, #tpu.memory_space<semaphore_mem>>)
            } else {
            }
          } else {
          }
        } else {
        }
      }
      %scan3A_45 = arith.constant 40 : i32
      %dma_wait3A = arith.constant 38 : i32
      %dma_wait3A_46 = arith.constant 0 : i32
      %dma_wait3A_47 = tpu.memref_slice %arg8[%dma_wait3A, %dma_wait3A_46] : memref<40x128xi32, #tpu.memory_space<vmem>> -> memref<1x128xi32, #tpu.memory_space<vmem>>
      %dma_wait3A_48 = tpu.memref_squeeze %dma_wait3A_47 : memref<1x128xi32, #tpu.memory_space<vmem>> -> memref<128xi32, #tpu.memory_space<vmem>>
      %dma_wait3A_49 = arith.constant 0 : i32
      %dma_wait3A_50 = arith.constant 0 : i32
      %dma_wait3A_51 = tpu.memref_slice %arg11[%dma_wait3A_49, %dma_wait3A_50] : memref<10240x128xf32, #tpu.memory_space<vmem_shared>> -> memref<10240x128xf32, #tpu.memory_space<vmem_shared>>
      tpu.wait_indirect_dma semaphore(%arg14 : memref<!tpu.dma_semaphore, #tpu.memory_space<semaphore_mem>>) src(%arg9 : memref<128x128xf32, #tpu.memory_space<vmem>>) dst(%dma_wait3A_51 : memref<10240x128xf32, #tpu.memory_space<vmem_shared>>)
      %dma_wait3A_52 = arith.constant 39 : i32
      %dma_wait3A_53 = arith.constant 0 : i32
      %dma_wait3A_54 = tpu.memref_slice %arg8[%dma_wait3A_52, %dma_wait3A_53] : memref<40x128xi32, #tpu.memory_space<vmem>> -> memref<1x128xi32, #tpu.memory_space<vmem>>
      %dma_wait3A_55 = tpu.memref_squeeze %dma_wait3A_54 : memref<1x128xi32, #tpu.memory_space<vmem>> -> memref<128xi32, #tpu.memory_space<vmem>>
      %dma_wait3A_56 = arith.constant 0 : i32
      %dma_wait3A_57 = arith.constant 0 : i32
      %dma_wait3A_58 = tpu.memref_slice %arg11[%dma_wait3A_56, %dma_wait3A_57] : memref<10240x128xf32, #tpu.memory_space<vmem_shared>> -> memref<10240x128xf32, #tpu.memory_space<vmem_shared>>
      tpu.wait_indirect_dma semaphore(%arg15 : memref<!tpu.dma_semaphore, #tpu.memory_space<semaphore_mem>>) src(%arg10 : memref<128x128xf32, #tpu.memory_space<vmem>>) dst(%dma_wait3A_58 : memref<10240x128xf32, #tpu.memory_space<vmem_shared>>)
    }
    %scan3A_11 = arith.constant 4 : i32
    %barrier3A_12 = arith.constant 0 : index
    tpu.barrier barrier_id(%barrier3A_12)
    %mul3A_13 = arith.constant 10240 : i32
    %mul3A_14 = arith.muli %arg0, %mul3A_13 : i32
    %add3A = arith.addi %mul3A_14, %mul3A_0 : i32
    "tpu.region"() ({
      %run_scoped3A = tpu.sem_alloc : memref<!tpu.dma_semaphore, #tpu.memory_space<semaphore_mem>>
      %dma_start3A = arith.constant 0 : i32
      %dma_start3A_15 = tpu.memref_slice %arg6[%add3A, %dma_start3A] : memref<20480x128xf32, #tpu.memory_space<hbm>> -> memref<640x128xf32, #tpu.memory_space<hbm>>
      %dma_start3A_16 = arith.constant 0 : i32
      %dma_start3A_17 = tpu.memref_slice %arg11[%mul3A_0, %dma_start3A_16] : memref<10240x128xf32, #tpu.memory_space<vmem_shared>> -> memref<640x128xf32, #tpu.memory_space<vmem_shared>>
      tpu.enqueue_dma source(%dma_start3A_17 : memref<640x128xf32, #tpu.memory_space<vmem_shared>>) target(%dma_start3A_15 : memref<640x128xf32, #tpu.memory_space<hbm>>) target_semaphore(%run_scoped3A : memref<!tpu.dma_semaphore, #tpu.memory_space<semaphore_mem>>)
      %dma_wait3A = arith.constant 0 : i32
      %dma_wait3A_18 = tpu.memref_slice %arg6[%add3A, %dma_wait3A] : memref<20480x128xf32, #tpu.memory_space<hbm>> -> memref<640x128xf32, #tpu.memory_space<hbm>>
      %dma_wait3A_19 = arith.constant 0 : i32
      %dma_wait3A_20 = tpu.memref_slice %arg11[%mul3A_0, %dma_wait3A_19] : memref<10240x128xf32, #tpu.memory_space<vmem_shared>> -> memref<640x128xf32, #tpu.memory_space<vmem_shared>>
      tpu.wait_dma2 semaphore(%run_scoped3A : memref<!tpu.dma_semaphore, #tpu.memory_space<semaphore_mem>>) src(%dma_wait3A_20 : memref<640x128xf32, #tpu.memory_space<vmem_shared>>) dst(%dma_wait3A_18 : memref<640x128xf32, #tpu.memory_space<hbm>>)
      tpu.yield
    }) : () -> ()
    return
  }
}

module attributes {stable_mosaic.version = 14 : i64} {
  func.func @body(%arg0: i32, %arg1: memref<512x128xf32, #tpu.memory_space<vmem>>, %arg2: memref<128x256xf32, #tpu.memory_space<vmem>>, %arg3: memref<512x128xf32, #tpu.memory_space<vmem>>, %arg4: memref<512x128xf32, #tpu.memory_space<vmem>>, %arg5: memref<512x128xf32, #tpu.memory_space<vmem>>, %arg6: memref<512x128xf32, #tpu.memory_space<vmem>>) attributes {dimension_semantics = [#tpu.dimension_semantics<arbitrary>], iteration_bounds = array<i64: 20>, scalar_prefetch = 0 : i64, scratch_operands = 0 : i64, tpu.core_type = #tpu.core_type<tc>, window_params = [{transform_indices = @transform_0, window_bounds = array<i64: 512, 128>}, {pipeline_mode = #tpu.pipeline_mode<synchronous>, transform_indices = @transform_1, window_bounds = array<i64: 128, 256>}, {transform_indices = @transform_2, window_bounds = array<i64: 512, 128>}, {transform_indices = @transform_3, window_bounds = array<i64: 512, 128>}, {transform_indices = @transform_4, window_bounds = array<i64: 512, 128>}, {transform_indices = @transform_5, window_bounds = array<i64: 512, 128>}]} {
    %get3A = arith.constant 0 : index
    %get3A_0 = arith.constant 0 : index
    %get3A_1 = vector.load %arg3[%get3A, %get3A_0] : memref<512x128xf32, #tpu.memory_space<vmem>>, vector<512x128xf32>
    %get3A_2 = arith.constant 0 : index
    %get3A_3 = arith.constant 0 : index
    %get3A_4 = vector.load %arg4[%get3A_2, %get3A_3] : memref<512x128xf32, #tpu.memory_space<vmem>>, vector<512x128xf32>
    %mul3A = arith.constant 512 : i32
    %mul3A_5 = arith.muli %arg0, %mul3A : i32
    %iota3A = tpu.iota {dimensions = array<i32: 0>} : vector<512x1xi32>
    %add3A = vector.broadcast %mul3A_5 : i32 to vector<512x1xi32>
    %add3A_6 = arith.addi %add3A, %iota3A : vector<512x1xi32>
    %slice3A = vector.extract_strided_slice %get3A_1 {offsets = [0, 0], sizes = [512, 1], strides = [1, 1]} : vector<512x128xf32> to vector<512x1xf32>
    %add3A_7 = arith.constant 1.000000e+00 : f32
    %add3A_8 = vector.broadcast %add3A_7 : f32 to vector<512x1xf32>
    %add3A_9 = arith.addf %add3A_8, %slice3A : vector<512x1xf32>
    %slice3A_10 = vector.extract_strided_slice %get3A_4 {offsets = [0, 0], sizes = [512, 1], strides = [1, 1]} : vector<512x128xf32> to vector<512x1xf32>
    %add3A_11 = arith.addf %add3A_9, %slice3A_10 : vector<512x1xf32>
    %lt3A = arith.constant 10000 : i32
    %lt3A_12 = vector.broadcast %lt3A : i32 to vector<512x1xi32>
    %lt3A_13 = arith.cmpi slt, %add3A_6, %lt3A_12 : vector<512x1xi32>
    %rsqrt3A = math.rsqrt %add3A_11 : vector<512x1xf32>
    %jit3A = arith.constant 0.000000e+00 : f32
    %broadcast_in_dim3A = vector.broadcast %jit3A : f32 to vector<512x1xf32>
    %select_n3A = arith.select %lt3A_13, %rsqrt3A, %broadcast_in_dim3A : vector<512x1xi1>, vector<512x1xf32>
    %get3A_14 = arith.constant 0 : index
    %get3A_15 = arith.constant 0 : index
    %get3A_16 = vector.load %arg1[%get3A_14, %get3A_15] : memref<512x128xf32, #tpu.memory_space<vmem>>, vector<512x128xf32>
    %get3A_17 = arith.constant 0 : index
    %get3A_18 = arith.constant 0 : index
    %get3A_19 = vector.load %arg2[%get3A_17, %get3A_18] : memref<128x256xf32, #tpu.memory_space<vmem>>, vector<128x256xf32>
    %dot_general3A = arith.constant dense<0.000000e+00> : vector<512x256xf32>
    %dot_general3A_20 = tpu.matmul %get3A_16, %get3A_19, %dot_general3A {dimension_numbers = #tpu.dot_dimension_numbers<[1], [0], [0], [1], [0, 0, 1, 1], [], []>, transpose_lhs_hint = false} : vector<512x128xf32>, vector<128x256xf32>, vector<512x256xf32> -> vector<512x256xf32>
    %mul3A_21 = vector.broadcast %select_n3A : vector<512x1xf32> to vector<512x256xf32>
    %mul3A_22 = arith.mulf %dot_general3A_20, %mul3A_21 : vector<512x256xf32>
    %slice3A_23 = vector.extract_strided_slice %mul3A_22 {offsets = [0, 0], sizes = [512, 128], strides = [1, 1]} : vector<512x256xf32> to vector<512x128xf32>
    %swap3A = arith.constant 0 : index
    %swap3A_24 = arith.constant 0 : index
    %swap3A_25 = vector.load %arg5[%swap3A, %swap3A_24] : memref<512x128xf32, #tpu.memory_space<vmem>>, vector<512x128xf32>
    tpu.vector_store %arg5[%swap3A, %swap3A_24], %slice3A_23 {strides = array<i32>} : memref<512x128xf32, #tpu.memory_space<vmem>>, vector<512x128xf32>,
    %slice3A_26 = vector.extract_strided_slice %mul3A_22 {offsets = [0, 128], sizes = [512, 128], strides = [1, 1]} : vector<512x256xf32> to vector<512x128xf32>
    %swap3A_27 = arith.constant 0 : index
    %swap3A_28 = arith.constant 0 : index
    %swap3A_29 = vector.load %arg6[%swap3A_27, %swap3A_28] : memref<512x128xf32, #tpu.memory_space<vmem>>, vector<512x128xf32>
    tpu.vector_store %arg6[%swap3A_27, %swap3A_28], %slice3A_26 {strides = array<i32>} : memref<512x128xf32, #tpu.memory_space<vmem>>, vector<512x128xf32>,
    return
  }
  func.func @transform_0(%arg0: i32) -> (i32, i32) {
    %c0_i32 = arith.constant 0 : i32
    %c0_i32_0 = arith.constant 0 : i32
    return %arg0, %c0_i32 : i32, i32
  }
  func.func @transform_1(%arg0: i32) -> (i32, i32) {
    %c0_i32 = arith.constant 0 : i32
    %c0_i32_0 = arith.constant 0 : i32
    %c0_i32_1 = arith.constant 0 : i32
    return %c0_i32, %c0_i32_0 : i32, i32
  }
  func.func @transform_2(%arg0: i32) -> (i32, i32) {
    %c0_i32 = arith.constant 0 : i32
    %c0_i32_0 = arith.constant 0 : i32
    return %arg0, %c0_i32 : i32, i32
  }
  func.func @transform_3(%arg0: i32) -> (i32, i32) {
    %add3A = arith.constant 20 : i32
    %add3A_0 = arith.addi %arg0, %add3A : i32
    %c0_i32 = arith.constant 0 : i32
    %c0_i32_1 = arith.constant 0 : i32
    return %add3A_0, %c0_i32 : i32, i32
  }
  func.func @transform_4(%arg0: i32) -> (i32, i32) {
    %c0_i32 = arith.constant 0 : i32
    %c0_i32_0 = arith.constant 0 : i32
    return %arg0, %c0_i32 : i32, i32
  }
  func.func @transform_5(%arg0: i32) -> (i32, i32) {
    %c0_i32 = arith.constant 0 : i32
    %c0_i32_0 = arith.constant 0 : i32
    return %arg0, %c0_i32 : i32, i32
  }
}

module attributes {stable_mosaic.version = 14 : i64} {
  func.func @body(%arg0: i32, %arg1: memref<512x128xf32, #tpu.memory_space<vmem>>, %arg2: memref<512x128xf32, #tpu.memory_space<vmem>>, %arg3: memref<512x128xf32, #tpu.memory_space<vmem>>, %arg4: memref<512x128xf32, #tpu.memory_space<vmem>>, %arg5: memref<1x256xf32, #tpu.memory_space<vmem>>, %arg6: memref<512x256xf32, #tpu.memory_space<vmem>>, %arg7: memref<8x256xf32, #tpu.memory_space<vmem>>) attributes {dimension_semantics = [#tpu.dimension_semantics<arbitrary>], iteration_bounds = array<i64: 20>, scalar_prefetch = 0 : i64, scratch_operands = 0 : i64, tpu.core_type = #tpu.core_type<tc>, window_params = [{transform_indices = @transform_0, window_bounds = array<i64: 512, 128>}, {transform_indices = @transform_1, window_bounds = array<i64: 512, 128>}, {transform_indices = @transform_2, window_bounds = array<i64: 512, 128>}, {transform_indices = @transform_3, window_bounds = array<i64: 512, 128>}, {pipeline_mode = #tpu.pipeline_mode<synchronous>, transform_indices = @transform_4, window_bounds = array<i64: 1, 256>}, {transform_indices = @transform_5, window_bounds = array<i64: 512, 256>}, {pipeline_mode = #tpu.pipeline_mode<synchronous>, transform_indices = @transform_6, window_bounds = array<i64: 8, 256>}]} {
    %get3A = arith.constant 0 : index
    %get3A_0 = arith.constant 0 : index
    %get3A_1 = vector.load %arg3[%get3A, %get3A_0] : memref<512x128xf32, #tpu.memory_space<vmem>>, vector<512x128xf32>
    %get3A_2 = arith.constant 0 : index
    %get3A_3 = arith.constant 0 : index
    %get3A_4 = vector.load %arg4[%get3A_2, %get3A_3] : memref<512x128xf32, #tpu.memory_space<vmem>>, vector<512x128xf32>
    %mul3A = arith.constant 512 : i32
    %mul3A_5 = arith.muli %arg0, %mul3A : i32
    %iota3A = tpu.iota {dimensions = array<i32: 0>} : vector<512x1xi32>
    %add3A = vector.broadcast %mul3A_5 : i32 to vector<512x1xi32>
    %add3A_6 = arith.addi %add3A, %iota3A : vector<512x1xi32>
    %slice3A = vector.extract_strided_slice %get3A_1 {offsets = [0, 0], sizes = [512, 1], strides = [1, 1]} : vector<512x128xf32> to vector<512x1xf32>
    %add3A_7 = arith.constant 1.000000e+00 : f32
    %add3A_8 = vector.broadcast %add3A_7 : f32 to vector<512x1xf32>
    %add3A_9 = arith.addf %add3A_8, %slice3A : vector<512x1xf32>
    %slice3A_10 = vector.extract_strided_slice %get3A_4 {offsets = [0, 0], sizes = [512, 1], strides = [1, 1]} : vector<512x128xf32> to vector<512x1xf32>
    %add3A_11 = arith.addf %add3A_9, %slice3A_10 : vector<512x1xf32>
    %lt3A = arith.constant 10000 : i32
    %lt3A_12 = vector.broadcast %lt3A : i32 to vector<512x1xi32>
    %lt3A_13 = arith.cmpi slt, %add3A_6, %lt3A_12 : vector<512x1xi32>
    %lt3A_14 = arith.constant 10000 : i32
    %lt3A_15 = vector.broadcast %lt3A_14 : i32 to vector<512x1xi32>
    %lt3A_16 = arith.cmpi slt, %add3A_6, %lt3A_15 : vector<512x1xi32>
    %rsqrt3A = math.rsqrt %add3A_11 : vector<512x1xf32>
    %jit3A = arith.constant 0.000000e+00 : f32
    %broadcast_in_dim3A = vector.broadcast %jit3A : f32 to vector<512x1xf32>
    %select_n3A = arith.select %lt3A_16, %rsqrt3A, %broadcast_in_dim3A : vector<512x1xi1>, vector<512x1xf32>
    %get3A_17 = arith.constant 0 : index
    %get3A_18 = arith.constant 0 : index
    %get3A_19 = vector.load %arg1[%get3A_17, %get3A_18] : memref<512x128xf32, #tpu.memory_space<vmem>>, vector<512x128xf32>
    %get3A_20 = arith.constant 0 : index
    %get3A_21 = arith.constant 0 : index
    %get3A_22 = vector.load %arg2[%get3A_20, %get3A_21] : memref<512x128xf32, #tpu.memory_space<vmem>>, vector<512x128xf32>
    %concatenate3A = tpu.concatenate %get3A_19, %get3A_22 in 1 : vector<512x128xf32>, vector<512x128xf32> -> vector<512x256xf32>
    %mul3A_23 = vector.broadcast %select_n3A : vector<512x1xf32> to vector<512x256xf32>
    %mul3A_24 = arith.mulf %concatenate3A, %mul3A_23 : vector<512x256xf32>
    %get3A_25 = arith.constant 0 : index
    %get3A_26 = arith.constant 0 : index
    %get3A_27 = vector.load %arg5[%get3A_25, %get3A_26] : memref<1x256xf32, #tpu.memory_space<vmem>>, vector<1x256xf32>
    %add3A_28 = vector.broadcast %get3A_27 : vector<1x256xf32> to vector<512x256xf32>
    %add3A_29 = arith.addf %mul3A_24, %add3A_28 : vector<512x256xf32>
    %swap3A = arith.constant 0 : index
    %swap3A_30 = arith.constant 0 : index
    %swap3A_31 = vector.load %arg6[%swap3A, %swap3A_30] : memref<512x256xf32, #tpu.memory_space<vmem>>, vector<512x256xf32>
    tpu.vector_store %arg6[%swap3A, %swap3A_30], %add3A_29 {strides = array<i32>} : memref<512x256xf32, #tpu.memory_space<vmem>>, vector<512x256xf32>,
    %jit3A_32 = arith.constant 0.000000e+00 : f32
    %broadcast_in_dim3A_33 = vector.shape_cast %lt3A_13 : vector<512x1xi1> to vector<512x1xi1>
    %broadcast_in_dim3A_34 = vector.broadcast %broadcast_in_dim3A_33 : vector<512x1xi1> to vector<512x256xi1>
    %broadcast_in_dim3A_35 = vector.broadcast %jit3A_32 : f32 to vector<512x256xf32>
    %select_n3A_36 = arith.select %broadcast_in_dim3A_34, %add3A_29, %broadcast_in_dim3A_35 : vector<512x256xi1>, vector<512x256xf32>
    %reduce_sum3A = arith.constant dense<0.000000e+00> : vector<256xf32>
    %reduce_sum3A_37 = vector.multi_reduction <add>, %select_n3A_36, %reduce_sum3A [0] : vector<512x256xf32> to vector<256xf32>
    %broadcast_in_dim3A_38 = vector.shape_cast %reduce_sum3A_37 : vector<256xf32> to vector<1x256xf32>
    %mul3A_39 = arith.mulf %select_n3A_36, %select_n3A_36 : vector<512x256xf32>
    %reduce_sum3A_40 = arith.constant dense<0.000000e+00> : vector<256xf32>
    %reduce_sum3A_41 = vector.multi_reduction <add>, %mul3A_39, %reduce_sum3A_40 [0] : vector<512x256xf32> to vector<256xf32>
    %broadcast_in_dim3A_42 = vector.shape_cast %reduce_sum3A_41 : vector<256xf32> to vector<1x256xf32>
    %broadcast_in_dim3A_43 = arith.constant 0.000000e+00 : f32
    %broadcast_in_dim3A_44 = vector.broadcast %broadcast_in_dim3A_43 : f32 to vector<6x256xf32>
    %concatenate3A_45 = tpu.concatenate %broadcast_in_dim3A_38, %broadcast_in_dim3A_42, %broadcast_in_dim3A_44 in 0 : vector<1x256xf32>, vector<1x256xf32>, vector<6x256xf32> -> vector<8x256xf32>
    %eq3A = arith.constant 0 : i32
    %eq3A_46 = arith.cmpi eq, %arg0, %eq3A : i32
    %convert_element_type3A = arith.extui %eq3A_46 : i1 to i32
    %cond3A = arith.constant 0 : i32
    %cond3A_47 = arith.cmpi ne, %convert_element_type3A, %cond3A : i32
    scf.if %cond3A_47 {
      %broadcast_in_dim3A_55 = arith.constant 0.000000e+00 : f32
      %broadcast_in_dim3A_56 = vector.broadcast %broadcast_in_dim3A_55 : f32 to vector<8x256xf32>
      %swap3A_57 = arith.constant 0 : index
      %swap3A_58 = arith.constant 0 : index
      %swap3A_59 = vector.load %arg7[%swap3A_57, %swap3A_58] : memref<8x256xf32, #tpu.memory_space<vmem>>, vector<8x256xf32>
      tpu.vector_store %arg7[%swap3A_57, %swap3A_58], %broadcast_in_dim3A_56 {strides = array<i32>} : memref<8x256xf32, #tpu.memory_space<vmem>>, vector<8x256xf32>,
    } else {
    }
    %get3A_48 = arith.constant 0 : index
    %get3A_49 = arith.constant 0 : index
    %get3A_50 = vector.load %arg7[%get3A_48, %get3A_49] : memref<8x256xf32, #tpu.memory_space<vmem>>, vector<8x256xf32>
    %add3A_51 = arith.addf %get3A_50, %concatenate3A_45 : vector<8x256xf32>
    %swap3A_52 = arith.constant 0 : index
    %swap3A_53 = arith.constant 0 : index
    %swap3A_54 = vector.load %arg7[%swap3A_52, %swap3A_53] : memref<8x256xf32, #tpu.memory_space<vmem>>, vector<8x256xf32>
    tpu.vector_store %arg7[%swap3A_52, %swap3A_53], %add3A_51 {strides = array<i32>} : memref<8x256xf32, #tpu.memory_space<vmem>>, vector<8x256xf32>,
    return
  }
  func.func @transform_0(%arg0: i32) -> (i32, i32) {
    %c0_i32 = arith.constant 0 : i32
    %c0_i32_0 = arith.constant 0 : i32
    return %arg0, %c0_i32 : i32, i32
  }
  func.func @transform_1(%arg0: i32) -> (i32, i32) {
    %add3A = arith.constant 20 : i32
    %add3A_0 = arith.addi %arg0, %add3A : i32
    %c0_i32 = arith.constant 0 : i32
    %c0_i32_1 = arith.constant 0 : i32
    return %add3A_0, %c0_i32 : i32, i32
  }
  func.func @transform_2(%arg0: i32) -> (i32, i32) {
    %c0_i32 = arith.constant 0 : i32
    %c0_i32_0 = arith.constant 0 : i32
    return %arg0, %c0_i32 : i32, i32
  }
  func.func @transform_3(%arg0: i32) -> (i32, i32) {
    %add3A = arith.constant 20 : i32
    %add3A_0 = arith.addi %arg0, %add3A : i32
    %c0_i32 = arith.constant 0 : i32
    %c0_i32_1 = arith.constant 0 : i32
    return %add3A_0, %c0_i32 : i32, i32
  }
  func.func @transform_4(%arg0: i32) -> (i32, i32) {
    %c0_i32 = arith.constant 0 : i32
    %c0_i32_0 = arith.constant 0 : i32
    %c0_i32_1 = arith.constant 0 : i32
    return %c0_i32, %c0_i32_0 : i32, i32
  }
  func.func @transform_5(%arg0: i32) -> (i32, i32) {
    %c0_i32 = arith.constant 0 : i32
    %c0_i32_0 = arith.constant 0 : i32
    return %arg0, %c0_i32 : i32, i32
  }
  func.func @transform_6(%arg0: i32) -> (i32, i32) {
    %c0_i32 = arith.constant 0 : i32
    %c0_i32_0 = arith.constant 0 : i32
    %c0_i32_1 = arith.constant 0 : i32
    return %c0_i32, %c0_i32_0 : i32, i32
  }
}

module attributes {stable_mosaic.version = 14 : i64} {
  func.func @body(%arg0: i32, %arg1: memref<512x256xf32, #tpu.memory_space<vmem>>, %arg2: memref<8x256xf32, #tpu.memory_space<vmem>>, %arg3: memref<1x256xf32, #tpu.memory_space<vmem>>, %arg4: memref<1x256xf32, #tpu.memory_space<vmem>>, %arg5: memref<256x256xf32, #tpu.memory_space<vmem>>, %arg6: memref<512x128xf32, #tpu.memory_space<vmem>>, %arg7: memref<512x128xf32, #tpu.memory_space<vmem>>, %arg8: memref<512x128xf32, #tpu.memory_space<vmem>>, %arg9: memref<512x128xf32, #tpu.memory_space<vmem>>) attributes {dimension_semantics = [#tpu.dimension_semantics<arbitrary>], iteration_bounds = array<i64: 20>, scalar_prefetch = 0 : i64, scratch_operands = 0 : i64, tpu.core_type = #tpu.core_type<tc>, window_params = [{transform_indices = @transform_0, window_bounds = array<i64: 512, 256>}, {pipeline_mode = #tpu.pipeline_mode<synchronous>, transform_indices = @transform_1, window_bounds = array<i64: 8, 256>}, {pipeline_mode = #tpu.pipeline_mode<synchronous>, transform_indices = @transform_2, window_bounds = array<i64: 1, 256>}, {pipeline_mode = #tpu.pipeline_mode<synchronous>, transform_indices = @transform_3, window_bounds = array<i64: 1, 256>}, {pipeline_mode = #tpu.pipeline_mode<synchronous>, transform_indices = @transform_4, window_bounds = array<i64: 256, 256>}, {transform_indices = @transform_5, window_bounds = array<i64: 512, 128>}, {transform_indices = @transform_6, window_bounds = array<i64: 512, 128>}, {transform_indices = @transform_7, window_bounds = array<i64: 512, 128>}, {transform_indices = @transform_8, window_bounds = array<i64: 512, 128>}]} {
    %get3A = arith.constant 0 : index
    %get3A_0 = arith.constant 0 : index
    %get3A_1 = vector.load %arg6[%get3A, %get3A_0] : memref<512x128xf32, #tpu.memory_space<vmem>>, vector<512x128xf32>
    %get3A_2 = arith.constant 0 : index
    %get3A_3 = arith.constant 0 : index
    %get3A_4 = vector.load %arg7[%get3A_2, %get3A_3] : memref<512x128xf32, #tpu.memory_space<vmem>>, vector<512x128xf32>
    %mul3A = arith.constant 512 : i32
    %mul3A_5 = arith.muli %arg0, %mul3A : i32
    %iota3A = tpu.iota {dimensions = array<i32: 0>} : vector<512x1xi32>
    %add3A = vector.broadcast %mul3A_5 : i32 to vector<512x1xi32>
    %add3A_6 = arith.addi %add3A, %iota3A : vector<512x1xi32>
    %slice3A = vector.extract_strided_slice %get3A_1 {offsets = [0, 0], sizes = [512, 1], strides = [1, 1]} : vector<512x128xf32> to vector<512x1xf32>
    %add3A_7 = arith.constant 1.000000e+00 : f32
    %add3A_8 = vector.broadcast %add3A_7 : f32 to vector<512x1xf32>
    %add3A_9 = arith.addf %add3A_8, %slice3A : vector<512x1xf32>
    %slice3A_10 = vector.extract_strided_slice %get3A_4 {offsets = [0, 0], sizes = [512, 1], strides = [1, 1]} : vector<512x128xf32> to vector<512x1xf32>
    %add3A_11 = arith.addf %add3A_9, %slice3A_10 : vector<512x1xf32>
    %lt3A = arith.constant 10000 : i32
    %lt3A_12 = vector.broadcast %lt3A : i32 to vector<512x1xi32>
    %lt3A_13 = arith.cmpi slt, %add3A_6, %lt3A_12 : vector<512x1xi32>
    %rsqrt3A = math.rsqrt %add3A_11 : vector<512x1xf32>
    %jit3A = arith.constant 0.000000e+00 : f32
    %broadcast_in_dim3A = vector.broadcast %jit3A : f32 to vector<512x1xf32>
    %select_n3A = arith.select %lt3A_13, %rsqrt3A, %broadcast_in_dim3A : vector<512x1xi1>, vector<512x1xf32>
    %get3A_14 = arith.constant 0 : index
    %get3A_15 = arith.constant 0 : index
    %get3A_16 = vector.load %arg2[%get3A_14, %get3A_15] : memref<8x256xf32, #tpu.memory_space<vmem>>, vector<8x256xf32>
    %get3A_17 = arith.constant 0 : index
    %get3A_18 = arith.constant 0 : index
    %get3A_19 = vector.load %arg1[%get3A_17, %get3A_18] : memref<512x256xf32, #tpu.memory_space<vmem>>, vector<512x256xf32>
    %get3A_20 = arith.constant 0 : index
    %get3A_21 = arith.constant 0 : index
    %get3A_22 = vector.load %arg3[%get3A_20, %get3A_21] : memref<1x256xf32, #tpu.memory_space<vmem>>, vector<1x256xf32>
    %get3A_23 = arith.constant 0 : index
    %get3A_24 = arith.constant 0 : index
    %get3A_25 = vector.load %arg4[%get3A_23, %get3A_24] : memref<1x256xf32, #tpu.memory_space<vmem>>, vector<1x256xf32>
    %slice3A_26 = vector.extract_strided_slice %get3A_16 {offsets = [0, 0], sizes = [1, 256], strides = [1, 1]} : vector<8x256xf32> to vector<1x256xf32>
    %mul3A_27 = arith.constant 9.99999974E-5 : f32
    %mul3A_28 = vector.broadcast %mul3A_27 : f32 to vector<1x256xf32>
    %mul3A_29 = arith.mulf %slice3A_26, %mul3A_28 : vector<1x256xf32>
    %slice3A_30 = vector.extract_strided_slice %get3A_16 {offsets = [1, 0], sizes = [1, 256], strides = [1, 1]} : vector<8x256xf32> to vector<1x256xf32>
    %mul3A_31 = arith.constant 9.99999974E-5 : f32
    %mul3A_32 = vector.broadcast %mul3A_31 : f32 to vector<1x256xf32>
    %mul3A_33 = arith.mulf %slice3A_30, %mul3A_32 : vector<1x256xf32>
    %mul3A_34 = arith.mulf %mul3A_29, %mul3A_29 : vector<1x256xf32>
    %sub3A = arith.subf %mul3A_33, %mul3A_34 : vector<1x256xf32>
    %add3A_35 = arith.constant 9.99999974E-6 : f32
    %add3A_36 = vector.broadcast %add3A_35 : f32 to vector<1x256xf32>
    %add3A_37 = arith.addf %sub3A, %add3A_36 : vector<1x256xf32>
    %rsqrt3A_38 = math.rsqrt %add3A_37 : vector<1x256xf32>
    %sub3A_39 = vector.broadcast %mul3A_29 : vector<1x256xf32> to vector<512x256xf32>
    %sub3A_40 = arith.subf %get3A_19, %sub3A_39 : vector<512x256xf32>
    %mul3A_41 = vector.broadcast %rsqrt3A_38 : vector<1x256xf32> to vector<512x256xf32>
    %mul3A_42 = arith.mulf %sub3A_40, %mul3A_41 : vector<512x256xf32>
    %mul3A_43 = vector.broadcast %get3A_22 : vector<1x256xf32> to vector<512x256xf32>
    %mul3A_44 = arith.mulf %mul3A_42, %mul3A_43 : vector<512x256xf32>
    %add3A_45 = vector.broadcast %get3A_25 : vector<1x256xf32> to vector<512x256xf32>
    %add3A_46 = arith.addf %mul3A_44, %add3A_45 : vector<512x256xf32>
    %max3A = arith.constant 0.000000e+00 : f32
    %max3A_47 = vector.broadcast %max3A : f32 to vector<512x256xf32>
    %max3A_48 = arith.maximumf %add3A_46, %max3A_47 : vector<512x256xf32>
    %get3A_49 = arith.constant 0 : index
    %get3A_50 = arith.constant 0 : index
    %get3A_51 = vector.load %arg5[%get3A_49, %get3A_50] : memref<256x256xf32, #tpu.memory_space<vmem>>, vector<256x256xf32>
    %dot_general3A = arith.constant dense<0.000000e+00> : vector<512x256xf32>
    %dot_general3A_52 = tpu.matmul %max3A_48, %get3A_51, %dot_general3A {dimension_numbers = #tpu.dot_dimension_numbers<[1], [0], [0], [1], [0, 0, 1, 1], [], []>, transpose_lhs_hint = false} : vector<512x256xf32>, vector<256x256xf32>, vector<512x256xf32> -> vector<512x256xf32>
    %mul3A_53 = vector.broadcast %select_n3A : vector<512x1xf32> to vector<512x256xf32>
    %mul3A_54 = arith.mulf %dot_general3A_52, %mul3A_53 : vector<512x256xf32>
    %slice3A_55 = vector.extract_strided_slice %mul3A_54 {offsets = [0, 0], sizes = [512, 128], strides = [1, 1]} : vector<512x256xf32> to vector<512x128xf32>
    %swap3A = arith.constant 0 : index
    %swap3A_56 = arith.constant 0 : index
    %swap3A_57 = vector.load %arg8[%swap3A, %swap3A_56] : memref<512x128xf32, #tpu.memory_space<vmem>>, vector<512x128xf32>
    tpu.vector_store %arg8[%swap3A, %swap3A_56], %slice3A_55 {strides = array<i32>} : memref<512x128xf32, #tpu.memory_space<vmem>>, vector<512x128xf32>,
    %slice3A_58 = vector.extract_strided_slice %mul3A_54 {offsets = [0, 128], sizes = [512, 128], strides = [1, 1]} : vector<512x256xf32> to vector<512x128xf32>
    %swap3A_59 = arith.constant 0 : index
    %swap3A_60 = arith.constant 0 : index
    %swap3A_61 = vector.load %arg9[%swap3A_59, %swap3A_60] : memref<512x128xf32, #tpu.memory_space<vmem>>, vector<512x128xf32>
    tpu.vector_store %arg9[%swap3A_59, %swap3A_60], %slice3A_58 {strides = array<i32>} : memref<512x128xf32, #tpu.memory_space<vmem>>, vector<512x128xf32>,
    return
  }
  func.func @transform_0(%arg0: i32) -> (i32, i32) {
    %c0_i32 = arith.constant 0 : i32
    %c0_i32_0 = arith.constant 0 : i32
    return %arg0, %c0_i32 : i32, i32
  }
  func.func @transform_1(%arg0: i32) -> (i32, i32) {
    %c0_i32 = arith.constant 0 : i32
    %c0_i32_0 = arith.constant 0 : i32
    %c0_i32_1 = arith.constant 0 : i32
    return %c0_i32, %c0_i32_0 : i32, i32
  }
  func.func @transform_2(%arg0: i32) -> (i32, i32) {
    %c0_i32 = arith.constant 0 : i32
    %c0_i32_0 = arith.constant 0 : i32
    %c0_i32_1 = arith.constant 0 : i32
    return %c0_i32, %c0_i32_0 : i32, i32
  }
  func.func @transform_3(%arg0: i32) -> (i32, i32) {
    %c0_i32 = arith.constant 0 : i32
    %c0_i32_0 = arith.constant 0 : i32
    %c0_i32_1 = arith.constant 0 : i32
    return %c0_i32, %c0_i32_0 : i32, i32
  }
  func.func @transform_4(%arg0: i32) -> (i32, i32) {
    %c0_i32 = arith.constant 0 : i32
    %c0_i32_0 = arith.constant 0 : i32
    %c0_i32_1 = arith.constant 0 : i32
    return %c0_i32, %c0_i32_0 : i32, i32
  }
  func.func @transform_5(%arg0: i32) -> (i32, i32) {
    %c0_i32 = arith.constant 0 : i32
    %c0_i32_0 = arith.constant 0 : i32
    return %arg0, %c0_i32 : i32, i32
  }
  func.func @transform_6(%arg0: i32) -> (i32, i32) {
    %add3A = arith.constant 20 : i32
    %add3A_0 = arith.addi %arg0, %add3A : i32
    %c0_i32 = arith.constant 0 : i32
    %c0_i32_1 = arith.constant 0 : i32
    return %add3A_0, %c0_i32 : i32, i32
  }
  func.func @transform_7(%arg0: i32) -> (i32, i32) {
    %c0_i32 = arith.constant 0 : i32
    %c0_i32_0 = arith.constant 0 : i32
    return %arg0, %c0_i32 : i32, i32
  }
  func.func @transform_8(%arg0: i32) -> (i32, i32) {
    %c0_i32 = arith.constant 0 : i32
    %c0_i32_0 = arith.constant 0 : i32
    return %arg0, %c0_i32 : i32, i32
  }
}

module attributes {stable_mosaic.version = 14 : i64} {
  func.func @body(%arg0: i32, %arg1: memref<512x256xf32, #tpu.memory_space<vmem>>, %arg2: memref<8x256xf32, #tpu.memory_space<vmem>>, %arg3: memref<1x256xf32, #tpu.memory_space<vmem>>, %arg4: memref<1x256xf32, #tpu.memory_space<vmem>>, %arg5: memref<256x128xf32, #tpu.memory_space<vmem>>, %arg6: memref<512x128xf32, #tpu.memory_space<vmem>>, %arg7: memref<512x128xf32, #tpu.memory_space<vmem>>, %arg8: memref<512x128xf32, #tpu.memory_space<vmem>>) attributes {dimension_semantics = [#tpu.dimension_semantics<arbitrary>], iteration_bounds = array<i64: 20>, scalar_prefetch = 0 : i64, scratch_operands = 0 : i64, tpu.core_type = #tpu.core_type<tc>, window_params = [{transform_indices = @transform_0, window_bounds = array<i64: 512, 256>}, {pipeline_mode = #tpu.pipeline_mode<synchronous>, transform_indices = @transform_1, window_bounds = array<i64: 8, 256>}, {pipeline_mode = #tpu.pipeline_mode<synchronous>, transform_indices = @transform_2, window_bounds = array<i64: 1, 256>}, {pipeline_mode = #tpu.pipeline_mode<synchronous>, transform_indices = @transform_3, window_bounds = array<i64: 1, 256>}, {pipeline_mode = #tpu.pipeline_mode<synchronous>, transform_indices = @transform_4, window_bounds = array<i64: 256, 128>}, {transform_indices = @transform_5, window_bounds = array<i64: 512, 128>}, {transform_indices = @transform_6, window_bounds = array<i64: 512, 128>}, {transform_indices = @transform_7, window_bounds = array<i64: 512, 128>}]} {
    %get3A = arith.constant 0 : index
    %get3A_0 = arith.constant 0 : index
    %get3A_1 = vector.load %arg6[%get3A, %get3A_0] : memref<512x128xf32, #tpu.memory_space<vmem>>, vector<512x128xf32>
    %get3A_2 = arith.constant 0 : index
    %get3A_3 = arith.constant 0 : index
    %get3A_4 = vector.load %arg7[%get3A_2, %get3A_3] : memref<512x128xf32, #tpu.memory_space<vmem>>, vector<512x128xf32>
    %mul3A = arith.constant 512 : i32
    %mul3A_5 = arith.muli %arg0, %mul3A : i32
    %iota3A = tpu.iota {dimensions = array<i32: 0>} : vector<512x1xi32>
    %add3A = vector.broadcast %mul3A_5 : i32 to vector<512x1xi32>
    %add3A_6 = arith.addi %add3A, %iota3A : vector<512x1xi32>
    %slice3A = vector.extract_strided_slice %get3A_1 {offsets = [0, 0], sizes = [512, 1], strides = [1, 1]} : vector<512x128xf32> to vector<512x1xf32>
    %add3A_7 = arith.constant 1.000000e+00 : f32
    %add3A_8 = vector.broadcast %add3A_7 : f32 to vector<512x1xf32>
    %add3A_9 = arith.addf %add3A_8, %slice3A : vector<512x1xf32>
    %slice3A_10 = vector.extract_strided_slice %get3A_4 {offsets = [0, 0], sizes = [512, 1], strides = [1, 1]} : vector<512x128xf32> to vector<512x1xf32>
    %add3A_11 = arith.addf %add3A_9, %slice3A_10 : vector<512x1xf32>
    %lt3A = arith.constant 10000 : i32
    %lt3A_12 = vector.broadcast %lt3A : i32 to vector<512x1xi32>
    %lt3A_13 = arith.cmpi slt, %add3A_6, %lt3A_12 : vector<512x1xi32>
    %rsqrt3A = math.rsqrt %add3A_11 : vector<512x1xf32>
    %jit3A = arith.constant 0.000000e+00 : f32
    %broadcast_in_dim3A = vector.broadcast %jit3A : f32 to vector<512x1xf32>
    %select_n3A = arith.select %lt3A_13, %rsqrt3A, %broadcast_in_dim3A : vector<512x1xi1>, vector<512x1xf32>
    %get3A_14 = arith.constant 0 : index
    %get3A_15 = arith.constant 0 : index
    %get3A_16 = vector.load %arg2[%get3A_14, %get3A_15] : memref<8x256xf32, #tpu.memory_space<vmem>>, vector<8x256xf32>
    %get3A_17 = arith.constant 0 : index
    %get3A_18 = arith.constant 0 : index
    %get3A_19 = vector.load %arg1[%get3A_17, %get3A_18] : memref<512x256xf32, #tpu.memory_space<vmem>>, vector<512x256xf32>
    %get3A_20 = arith.constant 0 : index
    %get3A_21 = arith.constant 0 : index
    %get3A_22 = vector.load %arg3[%get3A_20, %get3A_21] : memref<1x256xf32, #tpu.memory_space<vmem>>, vector<1x256xf32>
    %get3A_23 = arith.constant 0 : index
    %get3A_24 = arith.constant 0 : index
    %get3A_25 = vector.load %arg4[%get3A_23, %get3A_24] : memref<1x256xf32, #tpu.memory_space<vmem>>, vector<1x256xf32>
    %slice3A_26 = vector.extract_strided_slice %get3A_16 {offsets = [0, 0], sizes = [1, 256], strides = [1, 1]} : vector<8x256xf32> to vector<1x256xf32>
    %mul3A_27 = arith.constant 9.99999974E-5 : f32
    %mul3A_28 = vector.broadcast %mul3A_27 : f32 to vector<1x256xf32>
    %mul3A_29 = arith.mulf %slice3A_26, %mul3A_28 : vector<1x256xf32>
    %slice3A_30 = vector.extract_strided_slice %get3A_16 {offsets = [1, 0], sizes = [1, 256], strides = [1, 1]} : vector<8x256xf32> to vector<1x256xf32>
    %mul3A_31 = arith.constant 9.99999974E-5 : f32
    %mul3A_32 = vector.broadcast %mul3A_31 : f32 to vector<1x256xf32>
    %mul3A_33 = arith.mulf %slice3A_30, %mul3A_32 : vector<1x256xf32>
    %mul3A_34 = arith.mulf %mul3A_29, %mul3A_29 : vector<1x256xf32>
    %sub3A = arith.subf %mul3A_33, %mul3A_34 : vector<1x256xf32>
    %add3A_35 = arith.constant 9.99999974E-6 : f32
    %add3A_36 = vector.broadcast %add3A_35 : f32 to vector<1x256xf32>
    %add3A_37 = arith.addf %sub3A, %add3A_36 : vector<1x256xf32>
    %rsqrt3A_38 = math.rsqrt %add3A_37 : vector<1x256xf32>
    %sub3A_39 = vector.broadcast %mul3A_29 : vector<1x256xf32> to vector<512x256xf32>
    %sub3A_40 = arith.subf %get3A_19, %sub3A_39 : vector<512x256xf32>
    %mul3A_41 = vector.broadcast %rsqrt3A_38 : vector<1x256xf32> to vector<512x256xf32>
    %mul3A_42 = arith.mulf %sub3A_40, %mul3A_41 : vector<512x256xf32>
    %mul3A_43 = vector.broadcast %get3A_22 : vector<1x256xf32> to vector<512x256xf32>
    %mul3A_44 = arith.mulf %mul3A_42, %mul3A_43 : vector<512x256xf32>
    %add3A_45 = vector.broadcast %get3A_25 : vector<1x256xf32> to vector<512x256xf32>
    %add3A_46 = arith.addf %mul3A_44, %add3A_45 : vector<512x256xf32>
    %max3A = arith.constant 0.000000e+00 : f32
    %max3A_47 = vector.broadcast %max3A : f32 to vector<512x256xf32>
    %max3A_48 = arith.maximumf %add3A_46, %max3A_47 : vector<512x256xf32>
    %get3A_49 = arith.constant 0 : index
    %get3A_50 = arith.constant 0 : index
    %get3A_51 = vector.load %arg5[%get3A_49, %get3A_50] : memref<256x128xf32, #tpu.memory_space<vmem>>, vector<256x128xf32>
    %dot_general3A = arith.constant dense<0.000000e+00> : vector<512x128xf32>
    %dot_general3A_52 = tpu.matmul %max3A_48, %get3A_51, %dot_general3A {dimension_numbers = #tpu.dot_dimension_numbers<[1], [0], [0], [1], [0, 0, 1, 1], [], []>, transpose_lhs_hint = false} : vector<512x256xf32>, vector<256x128xf32>, vector<512x128xf32> -> vector<512x128xf32>
    %mul3A_53 = vector.broadcast %select_n3A : vector<512x1xf32> to vector<512x128xf32>
    %mul3A_54 = arith.mulf %dot_general3A_52, %mul3A_53 : vector<512x128xf32>
    %swap3A = arith.constant 0 : index
    %swap3A_55 = arith.constant 0 : index
    %swap3A_56 = vector.load %arg8[%swap3A, %swap3A_55] : memref<512x128xf32, #tpu.memory_space<vmem>>, vector<512x128xf32>
    tpu.vector_store %arg8[%swap3A, %swap3A_55], %mul3A_54 {strides = array<i32>} : memref<512x128xf32, #tpu.memory_space<vmem>>, vector<512x128xf32>,
    return
  }
  func.func @transform_0(%arg0: i32) -> (i32, i32) {
    %c0_i32 = arith.constant 0 : i32
    %c0_i32_0 = arith.constant 0 : i32
    return %arg0, %c0_i32 : i32, i32
  }
  func.func @transform_1(%arg0: i32) -> (i32, i32) {
    %c0_i32 = arith.constant 0 : i32
    %c0_i32_0 = arith.constant 0 : i32
    %c0_i32_1 = arith.constant 0 : i32
    return %c0_i32, %c0_i32_0 : i32, i32
  }
  func.func @transform_2(%arg0: i32) -> (i32, i32) {
    %c0_i32 = arith.constant 0 : i32
    %c0_i32_0 = arith.constant 0 : i32
    %c0_i32_1 = arith.constant 0 : i32
    return %c0_i32, %c0_i32_0 : i32, i32
  }
  func.func @transform_3(%arg0: i32) -> (i32, i32) {
    %c0_i32 = arith.constant 0 : i32
    %c0_i32_0 = arith.constant 0 : i32
    %c0_i32_1 = arith.constant 0 : i32
    return %c0_i32, %c0_i32_0 : i32, i32
  }
  func.func @transform_4(%arg0: i32) -> (i32, i32) {
    %c0_i32 = arith.constant 0 : i32
    %c0_i32_0 = arith.constant 0 : i32
    %c0_i32_1 = arith.constant 0 : i32
    return %c0_i32, %c0_i32_0 : i32, i32
  }
  func.func @transform_5(%arg0: i32) -> (i32, i32) {
    %c0_i32 = arith.constant 0 : i32
    %c0_i32_0 = arith.constant 0 : i32
    return %arg0, %c0_i32 : i32, i32
  }
  func.func @transform_6(%arg0: i32) -> (i32, i32) {
    %add3A = arith.constant 20 : i32
    %add3A_0 = arith.addi %arg0, %add3A : i32
    %c0_i32 = arith.constant 0 : i32
    %c0_i32_1 = arith.constant 0 : i32
    return %add3A_0, %c0_i32 : i32, i32
  }
  func.func @transform_7(%arg0: i32) -> (i32, i32) {
    %c0_i32 = arith.constant 0 : i32
    %c0_i32_0 = arith.constant 0 : i32
    return %arg0, %c0_i32 : i32, i32
  }
}

module attributes {stable_mosaic.version = 14 : i64} {
  func.func @body(%arg0: i32, %arg1: memref<512x128xf32, #tpu.memory_space<vmem>>, %arg2: memref<512x128xf32, #tpu.memory_space<vmem>>, %arg3: memref<512x128xf32, #tpu.memory_space<vmem>>, %arg4: memref<512x128xf32, #tpu.memory_space<vmem>>, %arg5: memref<512x128xf32, #tpu.memory_space<vmem>>, %arg6: memref<1x128xf32, #tpu.memory_space<vmem>>, %arg7: memref<512x128xf32, #tpu.memory_space<vmem>>, %arg8: memref<8x128xf32, #tpu.memory_space<vmem>>) attributes {dimension_semantics = [#tpu.dimension_semantics<arbitrary>], iteration_bounds = array<i64: 20>, scalar_prefetch = 0 : i64, scratch_operands = 0 : i64, tpu.core_type = #tpu.core_type<tc>, window_params = [{transform_indices = @transform_0, window_bounds = array<i64: 512, 128>}, {transform_indices = @transform_1, window_bounds = array<i64: 512, 128>}, {transform_indices = @transform_2, window_bounds = array<i64: 512, 128>}, {transform_indices = @transform_3, window_bounds = array<i64: 512, 128>}, {transform_indices = @transform_4, window_bounds = array<i64: 512, 128>}, {pipeline_mode = #tpu.pipeline_mode<synchronous>, transform_indices = @transform_5, window_bounds = array<i64: 1, 128>}, {transform_indices = @transform_6, window_bounds = array<i64: 512, 128>}, {pipeline_mode = #tpu.pipeline_mode<synchronous>, transform_indices = @transform_7, window_bounds = array<i64: 8, 128>}]} {
    %get3A = arith.constant 0 : index
    %get3A_0 = arith.constant 0 : index
    %get3A_1 = vector.load %arg4[%get3A, %get3A_0] : memref<512x128xf32, #tpu.memory_space<vmem>>, vector<512x128xf32>
    %get3A_2 = arith.constant 0 : index
    %get3A_3 = arith.constant 0 : index
    %get3A_4 = vector.load %arg5[%get3A_2, %get3A_3] : memref<512x128xf32, #tpu.memory_space<vmem>>, vector<512x128xf32>
    %mul3A = arith.constant 512 : i32
    %mul3A_5 = arith.muli %arg0, %mul3A : i32
    %iota3A = tpu.iota {dimensions = array<i32: 0>} : vector<512x1xi32>
    %add3A = vector.broadcast %mul3A_5 : i32 to vector<512x1xi32>
    %add3A_6 = arith.addi %add3A, %iota3A : vector<512x1xi32>
    %slice3A = vector.extract_strided_slice %get3A_1 {offsets = [0, 0], sizes = [512, 1], strides = [1, 1]} : vector<512x128xf32> to vector<512x1xf32>
    %add3A_7 = arith.constant 1.000000e+00 : f32
    %add3A_8 = vector.broadcast %add3A_7 : f32 to vector<512x1xf32>
    %add3A_9 = arith.addf %add3A_8, %slice3A : vector<512x1xf32>
    %slice3A_10 = vector.extract_strided_slice %get3A_4 {offsets = [0, 0], sizes = [512, 1], strides = [1, 1]} : vector<512x128xf32> to vector<512x1xf32>
    %add3A_11 = arith.addf %add3A_9, %slice3A_10 : vector<512x1xf32>
    %lt3A = arith.constant 10000 : i32
    %lt3A_12 = vector.broadcast %lt3A : i32 to vector<512x1xi32>
    %lt3A_13 = arith.cmpi slt, %add3A_6, %lt3A_12 : vector<512x1xi32>
    %lt3A_14 = arith.constant 10000 : i32
    %lt3A_15 = vector.broadcast %lt3A_14 : i32 to vector<512x1xi32>
    %lt3A_16 = arith.cmpi slt, %add3A_6, %lt3A_15 : vector<512x1xi32>
    %rsqrt3A = math.rsqrt %add3A_11 : vector<512x1xf32>
    %jit3A = arith.constant 0.000000e+00 : f32
    %broadcast_in_dim3A = vector.broadcast %jit3A : f32 to vector<512x1xf32>
    %select_n3A = arith.select %lt3A_16, %rsqrt3A, %broadcast_in_dim3A : vector<512x1xi1>, vector<512x1xf32>
    %get3A_17 = arith.constant 0 : index
    %get3A_18 = arith.constant 0 : index
    %get3A_19 = vector.load %arg1[%get3A_17, %get3A_18] : memref<512x128xf32, #tpu.memory_space<vmem>>, vector<512x128xf32>
    %get3A_20 = arith.constant 0 : index
    %get3A_21 = arith.constant 0 : index
    %get3A_22 = vector.load %arg2[%get3A_20, %get3A_21] : memref<512x128xf32, #tpu.memory_space<vmem>>, vector<512x128xf32>
    %add3A_23 = arith.addf %get3A_19, %get3A_22 : vector<512x128xf32>
    %get3A_24 = arith.constant 0 : index
    %get3A_25 = arith.constant 0 : index
    %get3A_26 = vector.load %arg3[%get3A_24, %get3A_25] : memref<512x128xf32, #tpu.memory_space<vmem>>, vector<512x128xf32>
    %add3A_27 = arith.addf %add3A_23, %get3A_26 : vector<512x128xf32>
    %mul3A_28 = vector.broadcast %select_n3A : vector<512x1xf32> to vector<512x128xf32>
    %mul3A_29 = arith.mulf %add3A_27, %mul3A_28 : vector<512x128xf32>
    %get3A_30 = arith.constant 0 : index
    %get3A_31 = arith.constant 0 : index
    %get3A_32 = vector.load %arg6[%get3A_30, %get3A_31] : memref<1x128xf32, #tpu.memory_space<vmem>>, vector<1x128xf32>
    %add3A_33 = vector.broadcast %get3A_32 : vector<1x128xf32> to vector<512x128xf32>
    %add3A_34 = arith.addf %mul3A_29, %add3A_33 : vector<512x128xf32>
    %swap3A = arith.constant 0 : index
    %swap3A_35 = arith.constant 0 : index
    %swap3A_36 = vector.load %arg7[%swap3A, %swap3A_35] : memref<512x128xf32, #tpu.memory_space<vmem>>, vector<512x128xf32>
    tpu.vector_store %arg7[%swap3A, %swap3A_35], %add3A_34 {strides = array<i32>} : memref<512x128xf32, #tpu.memory_space<vmem>>, vector<512x128xf32>,
    %jit3A_37 = arith.constant 0.000000e+00 : f32
    %broadcast_in_dim3A_38 = vector.shape_cast %lt3A_13 : vector<512x1xi1> to vector<512x1xi1>
    %broadcast_in_dim3A_39 = vector.broadcast %broadcast_in_dim3A_38 : vector<512x1xi1> to vector<512x128xi1>
    %broadcast_in_dim3A_40 = vector.broadcast %jit3A_37 : f32 to vector<512x128xf32>
    %select_n3A_41 = arith.select %broadcast_in_dim3A_39, %add3A_34, %broadcast_in_dim3A_40 : vector<512x128xi1>, vector<512x128xf32>
    %reduce_sum3A = arith.constant dense<0.000000e+00> : vector<128xf32>
    %reduce_sum3A_42 = vector.multi_reduction <add>, %select_n3A_41, %reduce_sum3A [0] : vector<512x128xf32> to vector<128xf32>
    %broadcast_in_dim3A_43 = vector.shape_cast %reduce_sum3A_42 : vector<128xf32> to vector<1x128xf32>
    %mul3A_44 = arith.mulf %select_n3A_41, %select_n3A_41 : vector<512x128xf32>
    %reduce_sum3A_45 = arith.constant dense<0.000000e+00> : vector<128xf32>
    %reduce_sum3A_46 = vector.multi_reduction <add>, %mul3A_44, %reduce_sum3A_45 [0] : vector<512x128xf32> to vector<128xf32>
    %broadcast_in_dim3A_47 = vector.shape_cast %reduce_sum3A_46 : vector<128xf32> to vector<1x128xf32>
    %broadcast_in_dim3A_48 = arith.constant 0.000000e+00 : f32
    %broadcast_in_dim3A_49 = vector.broadcast %broadcast_in_dim3A_48 : f32 to vector<6x128xf32>
    %concatenate3A = tpu.concatenate %broadcast_in_dim3A_43, %broadcast_in_dim3A_47, %broadcast_in_dim3A_49 in 0 : vector<1x128xf32>, vector<1x128xf32>, vector<6x128xf32> -> vector<8x128xf32>
    %eq3A = arith.constant 0 : i32
    %eq3A_50 = arith.cmpi eq, %arg0, %eq3A : i32
    %convert_element_type3A = arith.extui %eq3A_50 : i1 to i32
    %cond3A = arith.constant 0 : i32
    %cond3A_51 = arith.cmpi ne, %convert_element_type3A, %cond3A : i32
    scf.if %cond3A_51 {
      %broadcast_in_dim3A_59 = arith.constant 0.000000e+00 : f32
      %broadcast_in_dim3A_60 = vector.broadcast %broadcast_in_dim3A_59 : f32 to vector<8x128xf32>
      %swap3A_61 = arith.constant 0 : index
      %swap3A_62 = arith.constant 0 : index
      %swap3A_63 = vector.load %arg8[%swap3A_61, %swap3A_62] : memref<8x128xf32, #tpu.memory_space<vmem>>, vector<8x128xf32>
      tpu.vector_store %arg8[%swap3A_61, %swap3A_62], %broadcast_in_dim3A_60 {strides = array<i32>} : memref<8x128xf32, #tpu.memory_space<vmem>>, vector<8x128xf32>,
    } else {
    }
    %get3A_52 = arith.constant 0 : index
    %get3A_53 = arith.constant 0 : index
    %get3A_54 = vector.load %arg8[%get3A_52, %get3A_53] : memref<8x128xf32, #tpu.memory_space<vmem>>, vector<8x128xf32>
    %add3A_55 = arith.addf %get3A_54, %concatenate3A : vector<8x128xf32>
    %swap3A_56 = arith.constant 0 : index
    %swap3A_57 = arith.constant 0 : index
    %swap3A_58 = vector.load %arg8[%swap3A_56, %swap3A_57] : memref<8x128xf32, #tpu.memory_space<vmem>>, vector<8x128xf32>
    tpu.vector_store %arg8[%swap3A_56, %swap3A_57], %add3A_55 {strides = array<i32>} : memref<8x128xf32, #tpu.memory_space<vmem>>, vector<8x128xf32>,
    return
  }
  func.func @transform_0(%arg0: i32) -> (i32, i32) {
    %c0_i32 = arith.constant 0 : i32
    %c0_i32_0 = arith.constant 0 : i32
    return %arg0, %c0_i32 : i32, i32
  }
  func.func @transform_1(%arg0: i32) -> (i32, i32) {
    %add3A = arith.constant 20 : i32
    %add3A_0 = arith.addi %arg0, %add3A : i32
    %c0_i32 = arith.constant 0 : i32
    %c0_i32_1 = arith.constant 0 : i32
    return %add3A_0, %c0_i32 : i32, i32
  }
  func.func @transform_2(%arg0: i32) -> (i32, i32) {
    %c0_i32 = arith.constant 0 : i32
    %c0_i32_0 = arith.constant 0 : i32
    return %arg0, %c0_i32 : i32, i32
  }
  func.func @transform_3(%arg0: i32) -> (i32, i32) {
    %c0_i32 = arith.constant 0 : i32
    %c0_i32_0 = arith.constant 0 : i32
    return %arg0, %c0_i32 : i32, i32
  }
  func.func @transform_4(%arg0: i32) -> (i32, i32) {
    %add3A = arith.constant 20 : i32
    %add3A_0 = arith.addi %arg0, %add3A : i32
    %c0_i32 = arith.constant 0 : i32
    %c0_i32_1 = arith.constant 0 : i32
    return %add3A_0, %c0_i32 : i32, i32
  }
  func.func @transform_5(%arg0: i32) -> (i32, i32) {
    %c0_i32 = arith.constant 0 : i32
    %c0_i32_0 = arith.constant 0 : i32
    %c0_i32_1 = arith.constant 0 : i32
    return %c0_i32, %c0_i32_0 : i32, i32
  }
  func.func @transform_6(%arg0: i32) -> (i32, i32) {
    %c0_i32 = arith.constant 0 : i32
    %c0_i32_0 = arith.constant 0 : i32
    return %arg0, %c0_i32 : i32, i32
  }
  func.func @transform_7(%arg0: i32) -> (i32, i32) {
    %c0_i32 = arith.constant 0 : i32
    %c0_i32_0 = arith.constant 0 : i32
    %c0_i32_1 = arith.constant 0 : i32
    return %c0_i32, %c0_i32_0 : i32, i32
  }
}

module attributes {stable_mosaic.version = 14 : i64} {
  func.func @body(%arg0: i32, %arg1: memref<512x128xf32, #tpu.memory_space<vmem>>, %arg2: memref<8x128xf32, #tpu.memory_space<vmem>>, %arg3: memref<1x128xf32, #tpu.memory_space<vmem>>, %arg4: memref<1x128xf32, #tpu.memory_space<vmem>>, %arg5: memref<512x128xf32, #tpu.memory_space<vmem>>, %arg6: memref<8x128xf32, #tpu.memory_space<vmem>>) attributes {dimension_semantics = [#tpu.dimension_semantics<arbitrary>], iteration_bounds = array<i64: 20>, scalar_prefetch = 0 : i64, scratch_operands = 0 : i64, tpu.core_type = #tpu.core_type<tc>, window_params = [{transform_indices = @transform_0, window_bounds = array<i64: 512, 128>}, {pipeline_mode = #tpu.pipeline_mode<synchronous>, transform_indices = @transform_1, window_bounds = array<i64: 8, 128>}, {pipeline_mode = #tpu.pipeline_mode<synchronous>, transform_indices = @transform_2, window_bounds = array<i64: 1, 128>}, {pipeline_mode = #tpu.pipeline_mode<synchronous>, transform_indices = @transform_3, window_bounds = array<i64: 1, 128>}, {transform_indices = @transform_4, window_bounds = array<i64: 512, 128>}, {pipeline_mode = #tpu.pipeline_mode<synchronous>, transform_indices = @transform_5, window_bounds = array<i64: 8, 128>}]} {
    %mul3A = arith.constant 512 : i32
    %mul3A_0 = arith.muli %arg0, %mul3A : i32
    %iota3A = tpu.iota {dimensions = array<i32: 0>} : vector<512x1xi32>
    %add3A = vector.broadcast %mul3A_0 : i32 to vector<512x1xi32>
    %add3A_1 = arith.addi %add3A, %iota3A : vector<512x1xi32>
    %get3A = arith.constant 0 : index
    %get3A_2 = arith.constant 0 : index
    %get3A_3 = vector.load %arg2[%get3A, %get3A_2] : memref<8x128xf32, #tpu.memory_space<vmem>>, vector<8x128xf32>
    %get3A_4 = arith.constant 0 : index
    %get3A_5 = arith.constant 0 : index
    %get3A_6 = vector.load %arg1[%get3A_4, %get3A_5] : memref<512x128xf32, #tpu.memory_space<vmem>>, vector<512x128xf32>
    %get3A_7 = arith.constant 0 : index
    %get3A_8 = arith.constant 0 : index
    %get3A_9 = vector.load %arg3[%get3A_7, %get3A_8] : memref<1x128xf32, #tpu.memory_space<vmem>>, vector<1x128xf32>
    %get3A_10 = arith.constant 0 : index
    %get3A_11 = arith.constant 0 : index
    %get3A_12 = vector.load %arg4[%get3A_10, %get3A_11] : memref<1x128xf32, #tpu.memory_space<vmem>>, vector<1x128xf32>
    %slice3A = vector.extract_strided_slice %get3A_3 {offsets = [0, 0], sizes = [1, 128], strides = [1, 1]} : vector<8x128xf32> to vector<1x128xf32>
    %mul3A_13 = arith.constant 9.99999974E-5 : f32
    %mul3A_14 = vector.broadcast %mul3A_13 : f32 to vector<1x128xf32>
    %mul3A_15 = arith.mulf %slice3A, %mul3A_14 : vector<1x128xf32>
    %slice3A_16 = vector.extract_strided_slice %get3A_3 {offsets = [1, 0], sizes = [1, 128], strides = [1, 1]} : vector<8x128xf32> to vector<1x128xf32>
    %mul3A_17 = arith.constant 9.99999974E-5 : f32
    %mul3A_18 = vector.broadcast %mul3A_17 : f32 to vector<1x128xf32>
    %mul3A_19 = arith.mulf %slice3A_16, %mul3A_18 : vector<1x128xf32>
    %mul3A_20 = arith.mulf %mul3A_15, %mul3A_15 : vector<1x128xf32>
    %sub3A = arith.subf %mul3A_19, %mul3A_20 : vector<1x128xf32>
    %add3A_21 = arith.constant 9.99999974E-6 : f32
    %add3A_22 = vector.broadcast %add3A_21 : f32 to vector<1x128xf32>
    %add3A_23 = arith.addf %sub3A, %add3A_22 : vector<1x128xf32>
    %rsqrt3A = math.rsqrt %add3A_23 : vector<1x128xf32>
    %sub3A_24 = vector.broadcast %mul3A_15 : vector<1x128xf32> to vector<512x128xf32>
    %sub3A_25 = arith.subf %get3A_6, %sub3A_24 : vector<512x128xf32>
    %mul3A_26 = vector.broadcast %rsqrt3A : vector<1x128xf32> to vector<512x128xf32>
    %mul3A_27 = arith.mulf %sub3A_25, %mul3A_26 : vector<512x128xf32>
    %mul3A_28 = vector.broadcast %get3A_9 : vector<1x128xf32> to vector<512x128xf32>
    %mul3A_29 = arith.mulf %mul3A_27, %mul3A_28 : vector<512x128xf32>
    %add3A_30 = vector.broadcast %get3A_12 : vector<1x128xf32> to vector<512x128xf32>
    %add3A_31 = arith.addf %mul3A_29, %add3A_30 : vector<512x128xf32>
    %swap3A = arith.constant 0 : index
    %swap3A_32 = arith.constant 0 : index
    %swap3A_33 = vector.load %arg5[%swap3A, %swap3A_32] : memref<512x128xf32, #tpu.memory_space<vmem>>, vector<512x128xf32>
    tpu.vector_store %arg5[%swap3A, %swap3A_32], %add3A_31 {strides = array<i32>} : memref<512x128xf32, #tpu.memory_space<vmem>>, vector<512x128xf32>,
    %lt3A = arith.constant 10000 : i32
    %lt3A_34 = vector.broadcast %lt3A : i32 to vector<512x1xi32>
    %lt3A_35 = arith.cmpi slt, %add3A_1, %lt3A_34 : vector<512x1xi32>
    %jit3A = arith.constant 0.000000e+00 : f32
    %broadcast_in_dim3A = vector.shape_cast %lt3A_35 : vector<512x1xi1> to vector<512x1xi1>
    %broadcast_in_dim3A_36 = vector.broadcast %broadcast_in_dim3A : vector<512x1xi1> to vector<512x128xi1>
    %broadcast_in_dim3A_37 = vector.broadcast %jit3A : f32 to vector<512x128xf32>
    %select_n3A = arith.select %broadcast_in_dim3A_36, %add3A_31, %broadcast_in_dim3A_37 : vector<512x128xi1>, vector<512x128xf32>
    %reduce_sum3A = arith.constant dense<0.000000e+00> : vector<128xf32>
    %reduce_sum3A_38 = vector.multi_reduction <add>, %select_n3A, %reduce_sum3A [0] : vector<512x128xf32> to vector<128xf32>
    %broadcast_in_dim3A_39 = vector.shape_cast %reduce_sum3A_38 : vector<128xf32> to vector<1x128xf32>
    %broadcast_in_dim3A_40 = arith.constant 0.000000e+00 : f32
    %broadcast_in_dim3A_41 = vector.broadcast %broadcast_in_dim3A_40 : f32 to vector<7x128xf32>
    %concatenate3A = tpu.concatenate %broadcast_in_dim3A_39, %broadcast_in_dim3A_41 in 0 : vector<1x128xf32>, vector<7x128xf32> -> vector<8x128xf32>
    %eq3A = arith.constant 0 : i32
    %eq3A_42 = arith.cmpi eq, %arg0, %eq3A : i32
    %convert_element_type3A = arith.extui %eq3A_42 : i1 to i32
    %cond3A = arith.constant 0 : i32
    %cond3A_43 = arith.cmpi ne, %convert_element_type3A, %cond3A : i32
    scf.if %cond3A_43 {
      %broadcast_in_dim3A_51 = arith.constant 0.000000e+00 : f32
      %broadcast_in_dim3A_52 = vector.broadcast %broadcast_in_dim3A_51 : f32 to vector<8x128xf32>
      %swap3A_53 = arith.constant 0 : index
      %swap3A_54 = arith.constant 0 : index
      %swap3A_55 = vector.load %arg6[%swap3A_53, %swap3A_54] : memref<8x128xf32, #tpu.memory_space<vmem>>, vector<8x128xf32>
      tpu.vector_store %arg6[%swap3A_53, %swap3A_54], %broadcast_in_dim3A_52 {strides = array<i32>} : memref<8x128xf32, #tpu.memory_space<vmem>>, vector<8x128xf32>,
    } else {
    }
    %get3A_44 = arith.constant 0 : index
    %get3A_45 = arith.constant 0 : index
    %get3A_46 = vector.load %arg6[%get3A_44, %get3A_45] : memref<8x128xf32, #tpu.memory_space<vmem>>, vector<8x128xf32>
    %add3A_47 = arith.addf %get3A_46, %concatenate3A : vector<8x128xf32>
    %swap3A_48 = arith.constant 0 : index
    %swap3A_49 = arith.constant 0 : index
    %swap3A_50 = vector.load %arg6[%swap3A_48, %swap3A_49] : memref<8x128xf32, #tpu.memory_space<vmem>>, vector<8x128xf32>
    tpu.vector_store %arg6[%swap3A_48, %swap3A_49], %add3A_47 {strides = array<i32>} : memref<8x128xf32, #tpu.memory_space<vmem>>, vector<8x128xf32>,
    return
  }
  func.func @transform_0(%arg0: i32) -> (i32, i32) {
    %c0_i32 = arith.constant 0 : i32
    %c0_i32_0 = arith.constant 0 : i32
    return %arg0, %c0_i32 : i32, i32
  }
  func.func @transform_1(%arg0: i32) -> (i32, i32) {
    %c0_i32 = arith.constant 0 : i32
    %c0_i32_0 = arith.constant 0 : i32
    %c0_i32_1 = arith.constant 0 : i32
    return %c0_i32, %c0_i32_0 : i32, i32
  }
  func.func @transform_2(%arg0: i32) -> (i32, i32) {
    %c0_i32 = arith.constant 0 : i32
    %c0_i32_0 = arith.constant 0 : i32
    %c0_i32_1 = arith.constant 0 : i32
    return %c0_i32, %c0_i32_0 : i32, i32
  }
  func.func @transform_3(%arg0: i32) -> (i32, i32) {
    %c0_i32 = arith.constant 0 : i32
    %c0_i32_0 = arith.constant 0 : i32
    %c0_i32_1 = arith.constant 0 : i32
    return %c0_i32, %c0_i32_0 : i32, i32
  }
  func.func @transform_4(%arg0: i32) -> (i32, i32) {
    %c0_i32 = arith.constant 0 : i32
    %c0_i32_0 = arith.constant 0 : i32
    return %arg0, %c0_i32 : i32, i32
  }
  func.func @transform_5(%arg0: i32) -> (i32, i32) {
    %c0_i32 = arith.constant 0 : i32
    %c0_i32_0 = arith.constant 0 : i32
    %c0_i32_1 = arith.constant 0 : i32
    return %c0_i32, %c0_i32_0 : i32, i32
  }
}

module attributes {stable_mosaic.version = 14 : i64} {
  func.func @body(%arg0: memref<8x128xf32, #tpu.memory_space<vmem>>, %arg1: memref<128x128xf32, #tpu.memory_space<vmem>>, %arg2: memref<1x128xf32, #tpu.memory_space<vmem>>, %arg3: memref<128x128xf32, #tpu.memory_space<vmem>>, %arg4: memref<1x128xf32, #tpu.memory_space<vmem>>, %arg5: memref<1x128xf32, #tpu.memory_space<vmem>>) attributes {dimension_semantics = [], scalar_prefetch = 0 : i64, scratch_operands = 0 : i64, tpu.core_type = #tpu.core_type<tc>} {
    %get3A = arith.constant 0 : index
    %get3A_0 = arith.constant 0 : index
    %get3A_1 = vector.load %arg0[%get3A, %get3A_0] : memref<8x128xf32, #tpu.memory_space<vmem>>, vector<1x128xf32>
    %mul3A = arith.constant 9.99999974E-5 : f32
    %mul3A_2 = vector.broadcast %mul3A : f32 to vector<1x128xf32>
    %mul3A_3 = arith.mulf %get3A_1, %mul3A_2 : vector<1x128xf32>
    %get3A_4 = arith.constant 0 : index
    %get3A_5 = arith.constant 0 : index
    %get3A_6 = vector.load %arg1[%get3A_4, %get3A_5] : memref<128x128xf32, #tpu.memory_space<vmem>>, vector<128x128xf32>
    %dot_general3A = arith.constant dense<0.000000e+00> : vector<1x128xf32>
    %dot_general3A_7 = tpu.matmul %mul3A_3, %get3A_6, %dot_general3A {dimension_numbers = #tpu.dot_dimension_numbers<[1], [0], [0], [1], [0, 0, 1, 1], [], []>, transpose_lhs_hint = false} : vector<1x128xf32>, vector<128x128xf32>, vector<1x128xf32> -> vector<1x128xf32>
    %get3A_8 = arith.constant 0 : index
    %get3A_9 = arith.constant 0 : index
    %get3A_10 = vector.load %arg2[%get3A_8, %get3A_9] : memref<1x128xf32, #tpu.memory_space<vmem>>, vector<1x128xf32>
    %add3A = arith.addf %dot_general3A_7, %get3A_10 : vector<1x128xf32>
    %max3A = arith.constant 0.000000e+00 : f32
    %max3A_11 = vector.broadcast %max3A : f32 to vector<1x128xf32>
    %max3A_12 = arith.maximumf %add3A, %max3A_11 : vector<1x128xf32>
    %get3A_13 = arith.constant 0 : index
    %get3A_14 = arith.constant 0 : index
    %get3A_15 = vector.load %arg3[%get3A_13, %get3A_14] : memref<128x128xf32, #tpu.memory_space<vmem>>, vector<128x128xf32>
    %dot_general3A_16 = arith.constant dense<0.000000e+00> : vector<1x128xf32>
    %dot_general3A_17 = tpu.matmul %max3A_12, %get3A_15, %dot_general3A_16 {dimension_numbers = #tpu.dot_dimension_numbers<[1], [0], [0], [1], [0, 0, 1, 1], [], []>, transpose_lhs_hint = false} : vector<1x128xf32>, vector<128x128xf32>, vector<1x128xf32> -> vector<1x128xf32>
    %get3A_18 = arith.constant 0 : index
    %get3A_19 = arith.constant 0 : index
    %get3A_20 = vector.load %arg4[%get3A_18, %get3A_19] : memref<1x128xf32, #tpu.memory_space<vmem>>, vector<1x128xf32>
    %add3A_21 = arith.addf %dot_general3A_17, %get3A_20 : vector<1x128xf32>
    %swap3A = arith.constant 0 : index
    %swap3A_22 = arith.constant 0 : index
    %swap3A_23 = vector.load %arg5[%swap3A, %swap3A_22] : memref<1x128xf32, #tpu.memory_space<vmem>>, vector<1x128xf32>
    tpu.vector_store %arg5[%swap3A, %swap3A_22], %add3A_21 {strides = array<i32>} : memref<1x128xf32, #tpu.memory_space<vmem>>, vector<1x128xf32>,
    return
  }
}

</mosaic_0001>

<sc_bundles>
// kernel: kernel.14.cloned.1.call-start
scs
__scs_entry_jumppad:
0x0: {  	(pc) =	sbr.rel $0x88, $3  }
0x1: {  	(tag) =	ssettag $0x0;
	lr =	simm.s32 $0x1  }
0x2: {  	[smem:$0x3F8F] =	sst lr;
	_ =	strace $0xD0000000  }
0x3: {  	_ = 	snop  }
0x4: {  	_ = 	snop  }
0x5: {  	_ = 	snop  }
0x6: {  	_ = 	snop  }
0x7: {  	_ = 	snop  }
__scs_overlays_trampoline_lowered:
0x8: {  	[smem:$0x3F9E] =	sst s0  }
0x9: {  	[smem:$0x3F9F] =	sst s1  }
0xa: {  	[smem:$0x3FA0] =	sst s2  }
0xb: {  	[smem:$0x3FA1] =	sst s3  }
0xc: {  	[smem:$0x3FA2] =	sst s4  }
0xd: {  	[smem:$0x3FA3] =	sst s5  }
0xe: {  	[smem:$0x3FA4] =	sst s6  }
0xf: {  	[smem:$0x3FA5] =	sst s7  }
0x10: {  	[smem:$0x3FA6] =	sst s8  }
0x11: {  	[smem:$0x3FA7] =	sst s9;
	s0 =	simm.s32 @!p0 $0x0  }
0x12: {  	s1 =	sld [smem:$0x3F8D];
	s0 =	simm.s32 @p0 $0x1  }
0x13: {  	[smem:$0x3FA8] =	sst s0;
	s0 =	simm.s32 @!p1 $0x0  }
0x14: {  	s2 =	sld [smem:$0x3F8C];
	s0 =	simm.s32 @p1 $0x1  }
0x15: {  	[smem:$0x3FA9] =	sst s0;
	s0 =	simm.s32 @!p2 $0x0  }
0x16: {  	s3 =	sld [smem:$0x3FDB];
	s0 =	simm.s32 @p2 $0x1  }
0x17: {  	s4 =	simm.s32 $0x1BF5;
	[smem:$0x3FAB] =	sst s0  }
0x18: {  	s0 =	sld [smem:$0x3F8E];
	_ =	swait.ge [sflag:s4], $0x0  }
0x19: {  	s7 =	sld [smem:$0x3F8F]  }
0x1a: {  	s8 =	sadd.s32 $0xFFFFE003, lr  }
0x1b: {  	s9 =	sadd.s32 $0xFFFFFEF7, lr;
	s5 =	simm.s32 $0xFFFFFFFF;
	p2 =	slt.u32 s8, $0xFFFFF086  }
0x1c: {  	p1 =	slt.u32 s9, $0xF7A;
	s5 =	simm.s32 @!p2 $0x0  }
0x1d: {  	s5 =	simm.s32 @p1 $0x1;
	p0 =	seq.s32 s7, s2  }
0x1e: {  	s7 =	smul.u32 @!p0 $0xF7A, s2;
	p2 =	seq.s32 @!p0 s5, $0x0  }
0x1f: {  	s9 =	smul.u32 $0xF7A, s1;
	s8 =	simm.s32 @!p0 $0x1BF5;
	p2 =	por !p2, p0  }
0x20: {  	[sflag:s8] =	ssyncset.s32 @!p0 $0xFFFFF086;
	s6 =	sadd.s32 @!p0 s3, s7;
	s7 =	simm.s32 @!p0 $0x108  }
0x21: {  	s3 =	sadd.s32 s3, s9;
	s6 =	sadd.s32 @!p0 $0x88, s6;
	s7 =	simm.s32 @p2 $0x1082  }
0x22: {  	[simem:s7], [sflag:s8] =	dma.local @!p0 [hbm:s6], $0xF7A  }
0x23: {  	s9 =	sor.u32 $0xD0000000, s2;
	s6 =	simm.s32 $0x108;
	_ =	swait.ge @!p0 [sflag:s8], $0x0  }
0x24: {  	s3 =	sadd.s32 $0x88, s3;
	s6 =	simm.s32 @!p1 $0x1082;
	[sflag:s4] =	ssyncset.s32 $0xFFFFF086  }
0x25: {  	[simem:s6], [sflag:s4] =	dma.local [hbm:s3], $0xF7A  }
0x26: {  	[smem:$0x3F8F] =	sst s1;
	(tag) =	ssettag s2;
	_ =	strace s9  }
0x27: {  	s1 =	sld [smem:$0x3F9F]  }
0x28: {  	s2 =	sld [smem:$0x3FA0]  }
0x29: {  	s4 =	sld [smem:$0x3FA2]  }
0x2a: {  	p0 =	seq.s32 s5, $0x0;
	s5 =	sld [smem:$0x3FA3]  }
0x2b: {  	s6 =	sld [smem:$0x3FA4]  }
0x2c: {  	s7 =	sld [smem:$0x3FA5]  }
0x2d: {  	s3 =	simm.s32 $0x108;
	s8 =	sld [smem:$0x3FA6]  }
0x2e: {  	s3 =	simm.s32 @!p0 $0x1082;
	s9 =	sld [smem:$0x3FA7]  }
0x2f: {  	lr =	sadd.s32 s0, s3;
	s0 =	sld [smem:$0x3F9E]  }
0x30: {  	s3 =	sld [smem:$0x3FA1]  }
0x31: {  	[smem:$0x3FAA] =	sst s10  }
0x32: {  	s10 =	sld [smem:$0x3FA8];
	_ =	sdelay $0x3  }
0x33: {  	p0 =	seq.s32 s10, $0x1;
	s10 =	sld [smem:$0x3FAA];
	_ =	sdelay $0x3  }
0x34: {  	[smem:$0x3FAA] =	sst s10  }
0x35: {  	s10 =	sld [smem:$0x3FA9];
	_ =	sdelay $0x3  }
0x36: {  	p1 =	seq.s32 s10, $0x1;
	s10 =	sld [smem:$0x3FAA];
	_ =	sdelay $0x3  }
0x37: {  	[smem:$0x3FAA] =	sst s10  }
0x38: {  	s10 =	sld [smem:$0x3FAB]  }
0x39: {  	_ = 	snop;
	(pc) =	sbr.ind lr, $3  }
0x3a: {  	_ = 	snop  }
0x3b: {  	_ = 	snop  }
0x3c: {  	p2 =	seq.s32 s10, $0x1;
	s10 =	sld [smem:$0x3FAA]  }
0x3d: {  	_ =	shalt  }
0x3e: {  	_ =	shalt  }
0x3f: {  	_ =	shalt  }
0x40: {  	_ =	shalt  }
0x41: {  	_ =	shalt  }
0x42: {  	_ =	shalt  }
0x43: {  	_ =	shalt  }
0x44: {  	_ =	shalt  }
0x45: {  	_ =	shalt  }
0x46: {  	_ =	shalt  }
0x47: {  	_ =	shalt  }
0x48: {  	_ =	shalt  }
0x49: {  	_ =	shalt  }
0x4a: {  	_ =	shalt  }
0x4b: {  	_ =	shalt  }
0x4c: {  	_ =	shalt  }
0x4d: {  	_ =	shalt  }
0x4e: {  	_ =	shalt  }
0x4f: {  	_ =	shalt  }
0x50: {  	_ =	shalt  }
0x51: {  	_ =	shalt  }
0x52: {  	_ =	shalt  }
0x53: {  	_ =	shalt  }
0x54: {  	_ =	shalt  }
0x55: {  	_ =	shalt  }
0x56: {  	_ =	shalt  }
0x57: {  	_ =	shalt  }
0x58: {  	_ =	shalt  }
0x59: {  	_ =	shalt  }
0x5a: {  	_ =	shalt  }
0x5b: {  	_ =	shalt  }
0x5c: {  	_ =	shalt  }
0x5d: {  	_ =	shalt  }
0x5e: {  	_ =	shalt  }
0x5f: {  	_ =	shalt  }
0x60: {  	_ =	shalt  }
0x61: {  	_ =	shalt  }
0x62: {  	_ =	shalt  }
0x63: {  	_ =	shalt  }
0x64: {  	_ =	shalt  }
0x65: {  	_ =	shalt  }
0x66: {  	_ =	shalt  }
0x67: {  	_ =	shalt  }
0x68: {  	_ =	shalt  }
0x69: {  	_ =	shalt  }
0x6a: {  	_ =	shalt  }
0x6b: {  	_ =	shalt  }
0x6c: {  	_ =	shalt  }
0x6d: {  	_ =	shalt  }
0x6e: {  	_ =	shalt  }
0x6f: {  	_ =	shalt  }
0x70: {  	_ =	shalt  }
0x71: {  	_ =	shalt  }
0x72: {  	_ =	shalt  }
0x73: {  	_ =	shalt  }
0x74: {  	_ =	shalt  }
0x75: {  	_ =	shalt  }
0x76: {  	_ =	shalt  }
0x77: {  	_ =	shalt  }
0x78: {  	_ =	shalt  }
0x79: {  	_ =	shalt  }
0x7a: {  	_ =	shalt  }
0x7b: {  	_ =	shalt  }
0x7c: {  	_ =	shalt  }
0x7d: {  	_ =	shalt  }
0x7e: {  	_ =	shalt  }
0x7f: {  	_ =	shalt  }
0x80: {  	_ =	shalt  }
0x81: {  	_ =	shalt  }
0x82: {  	_ =	shalt  }
0x83: {  	_ =	shalt  }
0x84: {  	_ =	shalt  }
0x85: {  	_ =	shalt  }
0x86: {  	_ =	shalt  }
0x87: {  	_ =	shalt  }
.Lfunc_end0:
.L_simem_size_0:
called_computation_lowered:
.L_overlay_start_0:
0x88: {  	s2 =	sld [smem:$0x3FD9]  }
0x89: {  	s3 =	sld [smem:$0x3FFE];
	_ =	sdelay $0x1  }
0x8a: {  	s1 =	srdreg.scid  }
0x8b: {  	s0 =	sand.u32 $0x1, s1  }
0x8c: {  	s16 =	sshll.u32 s0, $0xA;
	s2 =	sadd.s32 s3, s2  }
0x8d: {  	s2 =	sadd.s32 s2, s16  }
0x8e: {  	[smem:$0x3FB6] =	sst s2  }
0x8f: {  	_ = 	snop  }
0x90: {  	(tm) =	ssettm $0x1  }
0x91: {  	s17 =	sld [smem:$0x3FFB];
	_ =	sdelay $0x3  }
0x92: {  	_ =	strace s17  }
0x93: {  	s2 =	sld [smem:$0x3FFC];
	_ =	sdelay $0x3  }
0x94: {  	_ =	strace s2  }
0x95: {  	s2 =	sld [smem:$0x3FFD];
	_ =	sdelay $0x3  }
0x96: {  	_ =	strace s2  }
0x97: {  	_ =	strace $0x8FFFFFFF  }
0x98: {  	s18 =	sld [smem:$0x3FDB];
	_ =	sdelay $0x1  }
0x99: {  	s19 =	simm.s32 $_scs_section_size  }
0x9a: {  	s4 =	simm.s32 $_size__tile_overlayer_lowered;
	s5 =	simm.s32 $_tile_overlayer_lowered  }
0x9b: {  	s22 =	simm.s32 $0x1BFF;
	s21 =	sshll.u32 s5, $0x1;
	s2 =	sadd.s32 s19, s18  }
0x9c: {  	s6 =	simm.s32 $0x0;
	s20 =	sshll.u32 s4, $0x1;
	s4 =	sadd.s32 s21, s2  }
0x9d: {  	[timem:s6], [sflag:s22] =	dma.local [hbm:s4], s20  }
0x9e: {  	_ =	swait.ge [sflag:s22], s20  }
0x9f: {  	s3 =	ssub.s32 $0x0, s20;
	[sflag:s22] =	ssyncset.done $0x0  }
0xa0: {  	[sflag:s22] =	ssyncadd.s32 s3;
	_ =	sdelay $0x1  }
0xa1: {  	s23 =	simm.s32 $0x1B8B  }
0xa2: {  	_ =	swait.ge [sflag:s23], $0x1  }
0xa3: {  	[sflag:s23] =	ssyncset.done $0x0  }
0xa4: {  	s25 =	simm.s32 $0x1B8E;
	s24 =	sld [smem:$0x3FFE];
	[sflag:s23] =	ssyncadd.s32 $0xFFFFFFFF  }
0xa5: {  	s26 =	simm.s32 $execute0_lowered;
	[smem:$0x3FD2] =	sst s25  }
0xa6: {  	s4 =	sshll.u32 s26, $0x1;
	_ =	strace $0x80000046;
	[dreg:$0x1] =	wrdreg $0xFFFFFFFF  }
0xa7: {  	s28 =	simm.s32 $_size_execute0_lowered;
	s2 =	sadd.s32 s2, s4;
	[dreg:$0x0] =	wrdreg $0x0  }
0xa8: {  	s4 =	sshll.u32 s28, $0x1;
	[dreg:$0x2] =	wrdreg s2  }
0xa9: {  	[dreg:$0x3] =	wrdreg s4  }
0xaa: {  	[dreg:$0x4] =	wrdreg $0xC0  }
0xab: {  	_ =	task [dreg:s6], $0x5FFFF  }
0xac: {  	[dreg:$0x1] =	wrdreg $0xFFFFFFFF  }
0xad: {  	[dreg:$0x0] =	wrdreg $0x60  }
0xae: {  	[dreg:$0x2] =	wrdreg s24  }
0xaf: {  	[dreg:$0x3] =	wrdreg $0x54000  }
0xb0: {  	[dreg:$0x4] =	wrdreg $0x9  }
0xb1: {  	_ =	task.clear_ibuf [dreg:s6], $0x5FFFF;
	_ =	strace $0x90000046  }
0xb2: {  	s29 =	simm.s32 $0x9;
	_ =	strace $0x80000048  }
0xb3: {  	_ =	swait.ge [sflag:s29], $0x1  }
0xb4: {  	[sflag:s29] =	ssyncadd.s32 $0xFFFFFFFF  }
0xb5: {  	_ =	strace $0x90000048  }
0xb6: {  	_ =	sfence  }
0xb7: {  	s30 =	sld [smem:$0x0];
	_ =	sdelay $0x2  }
0xb8: {  	s31 =	sshll.u32 s1, $0xD;
	s1 =	sshrl.u32 s1, $0x2  }
0xb9: {  	s3 =	sand.u32 $0x4000, s31;
	s1 =	sadd.s32 s1, s30  }
0xba: {  	s0 =	sor.u32 s3, s0;
	s1 =	sshll.u32 s1, $0x11  }
0xbb: {  	s0 =	sor.u32 s1, s0  }
0xbc: {  	s0 =	sadd.s32 $0x8F2B, s0  }
0xbd: {  	[sflag:s0] =	ssyncadd.remote.s32 $0x1  }
0xbe: {  	_ =	sfence.sel $0xFFFF  }
0xbf: {  	[dreg:$0x0] =	wrdreg $0xFFFFFFFF;
	(pc) =	sbr.abs _section_cstart, $3  }
0xc0: {  	[dreg:$0x1] =	wrdreg $0xFFFFFFFF  }
0xc1: {  	_ =	task.clear_ibuf [dreg:s6], $0x2FFFF;
	_ =	strace $0x9FFFFFFF  }
0xc2: {  	(tm) =	ssettm $0x7FFFFFFF  }
0xc3: {  	_ =	shalt  }
tec
execute0_lowered:
.L_overlay_start_1:
0x0: {  	(tag) =	ssettag $0x1  }
0x1: {  	s0 =	srdreg.scid  }
0x2: {  	s6 =	rddreg [dreg:$0x0];
	s5 =	sand.u32 $0x1, s0;
	s0 =	stileid.u32  }
0x3: {  	s2 =	rddreg [dreg:$0x1];
	s3 =	simm.s32 $0x0;
	s7 =	smul.u32 $0x2800, s0  }
0x4: {  	s14 =	simm.s32 $0x80;
	s15 =	simm.s32 $0x0;
	s8 =	smul.u32 $0x28000, s5  }
0x5: {  	[smem:$0x7FF] =	sst s3;
	s1 =	sshll.u32 s5, $0x4;
	s10 =	smul.u32 $0x50000, s0  }
0x6: {  	s5 =	ssub.s32 $0x2, s5;
	s12 =	sshll.u32 s0, $0x6;
	s1 =	sor.u32 s0, s1  }
0x7: {  	s30 =	sshrl.u32 s5, $0x1;
	s12 =	sor.u32 $0x1C01, s12;
	s4 =	smul.u32 $0x500, s1  }
0x8: {  	s1 =	rddreg [dreg:$0x2];
	_ =	strace $0x80000047;
	s11 =	sadd.s32 s7, s6  }
0x9: {  	s7 =	sadd.s32 s7, s8;
	s10 =	sshrl.u32 s10, $0x2;
	s31 =	ssub.s32 s5, s30  }
0xa: {  	s13 =	sadd.s32 s10, s2;
	s5 =	sadd.s32 $0xF800, s11;
	s10 =	simm.s32 $0x1400  }
0xb: {  	s11 =	simm.s32 $0x1;
	s9 =	sadd.s32 s4, s6;
	s4 =	sadd.s32 $0xF000, s6  }
0xc: {  	s6 =	sadd.s32 s7, s6;
	s7 =	smax.u32 s31, $0x1;
	s13 =	sshrl.u32 s13, $0x3  }
0xd: {  	s6 =	sadd.s32 $0x37800, s6;
	s8 =	sadd.s32 $0x5000, s9;
	s9 =	sadd.s32 $0x5280, s9  }
.LBB2_1:
0xe: {  	[tilespmem:s10], [sflag:$0x1] =	stream.linear.gather [hbm4b:s4+s3], $0x4000, $0x38;
	[tilespmem:$0x19400] =	vst v63  }
0xf: {  	_ =	swait.ge [sflag:s11], $0x4000  }
0x10: {  	[sflag:s11] =	ssyncset.done $0x0  }
0x11: {  	[sflag:s11] =	ssyncadd.s32 $0xFFFFC000  }
0x12: {  	[spmem:s13], [sflag:s12] =	dma.local [hbm:s5], $0x2800  }
0x13: {  	_ =	swait.ge [sflag:s11], $0x2800  }
0x14: {  	[sflag:s11] =	ssyncset.done $0x0  }
0x15: {  	[sflag:s11] =	ssyncadd.s32 $0xFFFFD800  }
0x16: {  	[bflag:$0x0] =	sbarrier.arrive $0xFFFF  }
0x17: {  	[tilespmem:s3], [sflag:$0x1] =	stream.linear.gather [hbm4b:s8+s3], $0x1400, $0x38;
	[tilespmem:$0x19400] =	vst v63  }
0x18: {  	_ =	swait.ge [sflag:s11], $0x1400  }
0x19: {  	[sflag:s11] =	ssyncset.done $0x0  }
0x1a: {  	s16 =	simm.s32 $0x0;
	[sflag:s11] =	ssyncadd.s32 $0xFFFFEC00  }
0x1b: {  	[spmem:s2] =	stream.indirect.scatter.add.f32 [tilespmem:s10], [sflag:$0x1], $0x80, s16, s14, $0xb8;
	[tilespmem:$0x19400] =	vst v63  }
0x1c: {  	_ =	swait.ge [sflag:s11], $0x4000  }
0x1d: {  	s16 =	simm.s32 $0x200;
	[sflag:s11] =	ssyncset.done $0x0  }
.LBB2_2:
0x1e: {  	s17 =	sshra.s32 s16, $0x2;
	[sflag:s11] =	ssyncadd.s32 $0xFFFFC000;
	p0 =	sne.s32 s16, $0x4E00  }
0x1f: {  	[spmem:s2] =	stream.indirect.scatter.add.f32 [tilespmem:s10], [sflag:$0x1], $0x80, s17, s14, $0xb8;
	[tilespmem:$0x19400] =	vst v63  }
.Ltmp0:
0x20: {  	_ = 	snop;
	(pc) =	sbr.rel @p0 .LBB2_2-.Ltmp0, $4  }
0x21: {  	_ = 	snop  }
0x22: {  	s16 =	sadd.s32 $0x200, s16  }
0x23: {  	_ =	swait.ge [sflag:s11], $0x4000  }
0x24: {  	[sflag:s11] =	ssyncset.done $0x0  }
0x25: {  	[sflag:s11] =	ssyncadd.s32 $0xFFFFC000;
	s16 =	simm.s32 $0x0  }
0x26: {  	[tilespmem:s16], [sflag:$0x1] =	stream.linear.gather [hbm4b:s9+s16], $0x1400, $0x38;
	[tilespmem:$0x19400] =	vst v63  }
0x27: {  	_ =	swait.ge [sflag:s11], $0x1400  }
0x28: {  	[sflag:s11] =	ssyncset.done $0x0  }
0x29: {  	s31 =	simm.s32 $0x0;
	[sflag:s11] =	ssyncadd.s32 $0xFFFFEC00  }
0x2a: {  	[spmem:s2] =	stream.indirect.scatter.add.f32 [tilespmem:s10], [sflag:$0x1], $0x80, s31, s14, $0xb8;
	[tilespmem:$0x19400] =	vst v63  }
0x2b: {  	_ =	swait.ge [sflag:s11], $0x4000  }
0x2c: {  	s16 =	simm.s32 $0x200;
	[sflag:s11] =	ssyncset.done $0x0  }
.LBB2_4:
0x2d: {  	s17 =	sshra.s32 s16, $0x2;
	[sflag:s11] =	ssyncadd.s32 $0xFFFFC000;
	p0 =	sne.s32 s16, $0x4E00  }
0x2e: {  	[spmem:s2] =	stream.indirect.scatter.add.f32 [tilespmem:s10], [sflag:$0x1], $0x80, s17, s14, $0xb8;
	[tilespmem:$0x19400] =	vst v63  }
.Ltmp1:
0x2f: {  	_ = 	snop;
	(pc) =	sbr.rel @p0 .LBB2_4-.Ltmp1, $4  }
0x30: {  	_ = 	snop  }
0x31: {  	s16 =	sadd.s32 $0x200, s16  }
0x32: {  	_ =	swait.ge [sflag:s11], $0x4000  }
0x33: {  	[sflag:s11] =	ssyncset.done $0x0  }
0x34: {  	s15 =	sadd.s32 $0x1, s15  }
0x35: {  	[sflag:s11] =	ssyncadd.s32 $0xFFFFC000;
	p0 =	sne.s32 s15, s7  }
.Ltmp2:
0x36: {  	[bflag:$0x0] =	sbarrier.arrive $0xFFFF;
	(pc) =	sbr.rel @p0 .LBB2_1-.Ltmp2, $4  }
0x37: {  	[hbm:s6], [sflag:s12] =	dma.local [spmem:s13], $0x2800  }
0x38: {  	_ =	swait.ge [sflag:s11], $0x2800  }
0x39: {  	[sflag:s11] =	ssyncset.done $0x0  }
0x3a: {  	[sflag:s11] =	ssyncadd.s32 $0xFFFFD800  }
0x3b: {  	_ =	sfence.sel $0x180000  }
0x3c: {  	[bflag:$0x0] =	sbarrier.arrive $0xFFFF  }
0x3d: {  	p0 =	sne.s32 s0, $0x0;
	_ =	strace $0x90000047  }
0x3e: {  	s0 =	sadd.s32 @!p0 $0x100000, s1;
	[bflag:$0x2] =	sbarrier.arrive $0xFFFF  }
0x3f: {  	[sflag:s0] =	ssyncadd.tile.s32 @!p0 $0x1;
	_ =	shalt  }
.Lfunc_end2:
_tile_overlayer_lowered:
.L_overlay_start_2:
0x40: {  	(tag) =	ssettag $0x2  }
0x41: {  	s0 =	rddreg [dreg:$0x0];
	s2 =	stileid.u32  }
0x42: {  	s1 =	rddreg [dreg:$0x1];
	p0 =	sne.s32 s2, $0x0  }
0x43: {  	s3 =	rddreg [dreg:$0x2];
	[bflag:$0x3] =	sbarrier.arrive $0xFFFF;
	s2 =	simm.s32 @!p0 $0x1C01  }
0x44: {  	[timem:s3], [sflag:s2] =	dma.local @!p0 [hbm:s0], s1  }
0x45: {  	s0 =	simm.s32 @!p0 $0x1  }
0x46: {  	_ =	swait.ge @!p0 [sflag:s0], s1  }
0x47: {  	s1 =	ssub.s32 @!p0 $0x0, s1;
	[sflag:s0] =	ssyncset.done @!p0 $0x0  }
0x48: {  	[sflag:s0] =	ssyncadd.s32 @!p0 s1  }
0x49: {  	[bflag:$0x3] =	sbarrier.arrive $0xFFFF  }
0x4a: {  	_ =	shalt  }

// kernel: kernel.17.cloned.1.call-start
scs
__scs_entry_jumppad:
0x0: {  	(pc) =	sbr.rel $0x88, $3  }
0x1: {  	(tag) =	ssettag $0x0;
	lr =	simm.s32 $0x1  }
0x2: {  	[smem:$0x3F8F] =	sst lr;
	_ =	strace $0xD0000000  }
0x3: {  	_ = 	snop  }
0x4: {  	_ = 	snop  }
0x5: {  	_ = 	snop  }
0x6: {  	_ = 	snop  }
0x7: {  	_ = 	snop  }
__scs_overlays_trampoline_lowered:
0x8: {  	[smem:$0x3F9E] =	sst s0  }
0x9: {  	[smem:$0x3F9F] =	sst s1  }
0xa: {  	[smem:$0x3FA0] =	sst s2  }
0xb: {  	[smem:$0x3FA1] =	sst s3  }
0xc: {  	[smem:$0x3FA2] =	sst s4  }
0xd: {  	[smem:$0x3FA3] =	sst s5  }
0xe: {  	[smem:$0x3FA4] =	sst s6  }
0xf: {  	[smem:$0x3FA5] =	sst s7  }
0x10: {  	[smem:$0x3FA6] =	sst s8  }
0x11: {  	[smem:$0x3FA7] =	sst s9;
	s0 =	simm.s32 @!p0 $0x0  }
0x12: {  	s1 =	sld [smem:$0x3F8D];
	s0 =	simm.s32 @p0 $0x1  }
0x13: {  	[smem:$0x3FA8] =	sst s0;
	s0 =	simm.s32 @!p1 $0x0  }
0x14: {  	s2 =	sld [smem:$0x3F8C];
	s0 =	simm.s32 @p1 $0x1  }
0x15: {  	[smem:$0x3FA9] =	sst s0;
	s0 =	simm.s32 @!p2 $0x0  }
0x16: {  	s3 =	sld [smem:$0x3FDB];
	s0 =	simm.s32 @p2 $0x1  }
0x17: {  	s4 =	simm.s32 $0x1BF5;
	[smem:$0x3FAB] =	sst s0  }
0x18: {  	s0 =	sld [smem:$0x3F8E];
	_ =	swait.ge [sflag:s4], $0x0  }
0x19: {  	s7 =	sld [smem:$0x3F8F]  }
0x1a: {  	s8 =	sadd.s32 $0xFFFFE003, lr  }
0x1b: {  	s9 =	sadd.s32 $0xFFFFFEF7, lr;
	s5 =	simm.s32 $0xFFFFFFFF;
	p2 =	slt.u32 s8, $0xFFFFF086  }
0x1c: {  	p1 =	slt.u32 s9, $0xF7A;
	s5 =	simm.s32 @!p2 $0x0  }
0x1d: {  	s5 =	simm.s32 @p1 $0x1;
	p0 =	seq.s32 s7, s2  }
0x1e: {  	s7 =	smul.u32 @!p0 $0xF7A, s2;
	p2 =	seq.s32 @!p0 s5, $0x0  }
0x1f: {  	s9 =	smul.u32 $0xF7A, s1;
	s8 =	simm.s32 @!p0 $0x1BF5;
	p2 =	por !p2, p0  }
0x20: {  	[sflag:s8] =	ssyncset.s32 @!p0 $0xFFFFF086;
	s6 =	sadd.s32 @!p0 s3, s7;
	s7 =	simm.s32 @!p0 $0x108  }
0x21: {  	s3 =	sadd.s32 s3, s9;
	s6 =	sadd.s32 @!p0 $0x88, s6;
	s7 =	simm.s32 @p2 $0x1082  }
0x22: {  	[simem:s7], [sflag:s8] =	dma.local @!p0 [hbm:s6], $0xF7A  }
0x23: {  	s9 =	sor.u32 $0xD0000000, s2;
	s6 =	simm.s32 $0x108;
	_ =	swait.ge @!p0 [sflag:s8], $0x0  }
0x24: {  	s3 =	sadd.s32 $0x88, s3;
	s6 =	simm.s32 @!p1 $0x1082;
	[sflag:s4] =	ssyncset.s32 $0xFFFFF086  }
0x25: {  	[simem:s6], [sflag:s4] =	dma.local [hbm:s3], $0xF7A  }
0x26: {  	[smem:$0x3F8F] =	sst s1;
	(tag) =	ssettag s2;
	_ =	strace s9  }
0x27: {  	s1 =	sld [smem:$0x3F9F]  }
0x28: {  	s2 =	sld [smem:$0x3FA0]  }
0x29: {  	s4 =	sld [smem:$0x3FA2]  }
0x2a: {  	p0 =	seq.s32 s5, $0x0;
	s5 =	sld [smem:$0x3FA3]  }
0x2b: {  	s6 =	sld [smem:$0x3FA4]  }
0x2c: {  	s7 =	sld [smem:$0x3FA5]  }
0x2d: {  	s3 =	simm.s32 $0x108;
	s8 =	sld [smem:$0x3FA6]  }
0x2e: {  	s3 =	simm.s32 @!p0 $0x1082;
	s9 =	sld [smem:$0x3FA7]  }
0x2f: {  	lr =	sadd.s32 s0, s3;
	s0 =	sld [smem:$0x3F9E]  }
0x30: {  	s3 =	sld [smem:$0x3FA1]  }
0x31: {  	[smem:$0x3FAA] =	sst s10  }
0x32: {  	s10 =	sld [smem:$0x3FA8];
	_ =	sdelay $0x3  }
0x33: {  	p0 =	seq.s32 s10, $0x1;
	s10 =	sld [smem:$0x3FAA];
	_ =	sdelay $0x3  }
0x34: {  	[smem:$0x3FAA] =	sst s10  }
0x35: {  	s10 =	sld [smem:$0x3FA9];
	_ =	sdelay $0x3  }
0x36: {  	p1 =	seq.s32 s10, $0x1;
	s10 =	sld [smem:$0x3FAA];
	_ =	sdelay $0x3  }
0x37: {  	[smem:$0x3FAA] =	sst s10  }
0x38: {  	s10 =	sld [smem:$0x3FAB]  }
0x39: {  	_ = 	snop;
	(pc) =	sbr.ind lr, $3  }
0x3a: {  	_ = 	snop  }
0x3b: {  	_ = 	snop  }
0x3c: {  	p2 =	seq.s32 s10, $0x1;
	s10 =	sld [smem:$0x3FAA]  }
0x3d: {  	_ =	shalt  }
0x3e: {  	_ =	shalt  }
0x3f: {  	_ =	shalt  }
0x40: {  	_ =	shalt  }
0x41: {  	_ =	shalt  }
0x42: {  	_ =	shalt  }
0x43: {  	_ =	shalt  }
0x44: {  	_ =	shalt  }
0x45: {  	_ =	shalt  }
0x46: {  	_ =	shalt  }
0x47: {  	_ =	shalt  }
0x48: {  	_ =	shalt  }
0x49: {  	_ =	shalt  }
0x4a: {  	_ =	shalt  }
0x4b: {  	_ =	shalt  }
0x4c: {  	_ =	shalt  }
0x4d: {  	_ =	shalt  }
0x4e: {  	_ =	shalt  }
0x4f: {  	_ =	shalt  }
0x50: {  	_ =	shalt  }
0x51: {  	_ =	shalt  }
0x52: {  	_ =	shalt  }
0x53: {  	_ =	shalt  }
0x54: {  	_ =	shalt  }
0x55: {  	_ =	shalt  }
0x56: {  	_ =	shalt  }
0x57: {  	_ =	shalt  }
0x58: {  	_ =	shalt  }
0x59: {  	_ =	shalt  }
0x5a: {  	_ =	shalt  }
0x5b: {  	_ =	shalt  }
0x5c: {  	_ =	shalt  }
0x5d: {  	_ =	shalt  }
0x5e: {  	_ =	shalt  }
0x5f: {  	_ =	shalt  }
0x60: {  	_ =	shalt  }
0x61: {  	_ =	shalt  }
0x62: {  	_ =	shalt  }
0x63: {  	_ =	shalt  }
0x64: {  	_ =	shalt  }
0x65: {  	_ =	shalt  }
0x66: {  	_ =	shalt  }
0x67: {  	_ =	shalt  }
0x68: {  	_ =	shalt  }
0x69: {  	_ =	shalt  }
0x6a: {  	_ =	shalt  }
0x6b: {  	_ =	shalt  }
0x6c: {  	_ =	shalt  }
0x6d: {  	_ =	shalt  }
0x6e: {  	_ =	shalt  }
0x6f: {  	_ =	shalt  }
0x70: {  	_ =	shalt  }
0x71: {  	_ =	shalt  }
0x72: {  	_ =	shalt  }
0x73: {  	_ =	shalt  }
0x74: {  	_ =	shalt  }
0x75: {  	_ =	shalt  }
0x76: {  	_ =	shalt  }
0x77: {  	_ =	shalt  }
0x78: {  	_ =	shalt  }
0x79: {  	_ =	shalt  }
0x7a: {  	_ =	shalt  }
0x7b: {  	_ =	shalt  }
0x7c: {  	_ =	shalt  }
0x7d: {  	_ =	shalt  }
0x7e: {  	_ =	shalt  }
0x7f: {  	_ =	shalt  }
0x80: {  	_ =	shalt  }
0x81: {  	_ =	shalt  }
0x82: {  	_ =	shalt  }
0x83: {  	_ =	shalt  }
0x84: {  	_ =	shalt  }
0x85: {  	_ =	shalt  }
0x86: {  	_ =	shalt  }
0x87: {  	_ =	shalt  }
.Lfunc_end0:
.L_simem_size_0:
called_computation.1_lowered:
.L_overlay_start_0:
0x88: {  	s2 =	sld [smem:$0x3FD9]  }
0x89: {  	s3 =	sld [smem:$0x3FFE];
	_ =	sdelay $0x1  }
0x8a: {  	s1 =	srdreg.scid  }
0x8b: {  	s0 =	sand.u32 $0x1, s1  }
0x8c: {  	s14 =	sshll.u32 s0, $0xA;
	s2 =	sadd.s32 s3, s2  }
0x8d: {  	s2 =	sadd.s32 s2, s14  }
0x8e: {  	[smem:$0x3FB6] =	sst s2  }
0x8f: {  	_ = 	snop  }
0x90: {  	s2 =	sld [smem:$0x3FD0];
	_ =	sdelay $0x2  }
0x91: {  	s15 =	simm.s32 $0xA;
	s4 =	simm.s32 $0x10  }
0x92: {  	[smem:s4], [sflag:s15] =	dma.local [hbm:s2], $0x1  }
0x93: {  	_ =	swait.eq [sflag:s15], $0x1  }
0x94: {  	[sflag:s15] =	ssyncset.done $0x0  }
0x95: {  	[sflag:s15] =	ssyncadd.s32 $0xFFFFFFFF  }
0x96: {  	s16 =	sld [smem:$0x10];
	(tm) =	ssettm $0x1  }
0x97: {  	s17 =	sld [smem:$0x3FFB];
	_ =	sdelay $0x3  }
0x98: {  	_ =	strace s17  }
0x99: {  	s3 =	sld [smem:$0x3FFC];
	_ =	sdelay $0x3  }
0x9a: {  	_ =	strace s3  }
0x9b: {  	s3 =	sld [smem:$0x3FFD];
	_ =	sdelay $0x3  }
0x9c: {  	_ =	strace s3  }
0x9d: {  	_ =	strace $0x8FFFFFFF  }
0x9e: {  	s18 =	sld [smem:$0x3FDB];
	_ =	sdelay $0x1  }
0x9f: {  	s19 =	simm.s32 $_scs_section_size  }
0xa0: {  	s5 =	simm.s32 $_size__tile_overlayer_lowered;
	s6 =	simm.s32 $_tile_overlayer_lowered  }
0xa1: {  	s22 =	simm.s32 $0x1BFF;
	s21 =	sshll.u32 s6, $0x1;
	s3 =	sadd.s32 s19, s18  }
0xa2: {  	s7 =	simm.s32 $0x0;
	s20 =	sshll.u32 s5, $0x1;
	s5 =	sadd.s32 s21, s3  }
0xa3: {  	[timem:s7], [sflag:s22] =	dma.local [hbm:s5], s20  }
0xa4: {  	_ =	swait.ge [sflag:s22], s20  }
0xa5: {  	s4 =	ssub.s32 $0x0, s20;
	[sflag:s22] =	ssyncset.done $0x0  }
0xa6: {  	[sflag:s22] =	ssyncadd.s32 s4;
	_ =	sdelay $0x1  }
0xa7: {  	s23 =	simm.s32 $0x1B8B  }
0xa8: {  	_ =	swait.ge [sflag:s23], $0x1  }
0xa9: {  	[sflag:s23] =	ssyncset.done $0x0  }
0xaa: {  	s25 =	simm.s32 $0x1B8E;
	s24 =	sld [smem:$0x3FFE];
	[sflag:s23] =	ssyncadd.s32 $0xFFFFFFFF  }
0xab: {  	s26 =	simm.s32 $execute0_lowered;
	[smem:$0x3FD2] =	sst s25  }
0xac: {  	s5 =	sshll.u32 s26, $0x1;
	_ =	strace $0x80000049;
	[dreg:$0x1] =	wrdreg $0xFFFFFFFF  }
0xad: {  	s28 =	simm.s32 $_size_execute0_lowered;
	s3 =	sadd.s32 s3, s5;
	[dreg:$0x0] =	wrdreg $0x0  }
0xae: {  	s5 =	sshll.u32 s28, $0x1;
	[dreg:$0x2] =	wrdreg s3  }
0xaf: {  	[dreg:$0x3] =	wrdreg s5  }
0xb0: {  	[dreg:$0x4] =	wrdreg $0xC0  }
0xb1: {  	_ =	task [dreg:s7], $0x5FFFF  }
0xb2: {  	[dreg:$0x1] =	wrdreg $0xFFFFFFFF  }
0xb3: {  	[dreg:$0x0] =	wrdreg $0x60  }
0xb4: {  	[dreg:$0x2] =	wrdreg s24  }
0xb5: {  	[dreg:$0x3] =	wrdreg s16  }
0xb6: {  	[dreg:$0x4] =	wrdreg $0xA8000  }
0xb7: {  	[dreg:$0x5] =	wrdreg $0x9  }
0xb8: {  	_ =	task.clear_ibuf [dreg:s7], $0x6FFFF;
	_ =	strace $0x90000049  }
0xb9: {  	s29 =	simm.s32 $0x9;
	_ =	strace $0x8000004B  }
0xba: {  	_ =	swait.ge [sflag:s29], $0x1  }
0xbb: {  	[sflag:s29] =	ssyncadd.s32 $0xFFFFFFFF  }
0xbc: {  	_ =	strace $0x9000004B  }
0xbd: {  	_ =	sfence  }
0xbe: {  	s30 =	sld [smem:$0x0];
	_ =	sdelay $0x2  }
0xbf: {  	s31 =	sshll.u32 s1, $0xD;
	s1 =	sshrl.u32 s1, $0x2  }
0xc0: {  	s3 =	sand.u32 $0x4000, s31;
	s1 =	sadd.s32 s1, s30  }
0xc1: {  	s0 =	sor.u32 s3, s0;
	s1 =	sshll.u32 s1, $0x11  }
0xc2: {  	s0 =	sor.u32 s1, s0  }
0xc3: {  	s0 =	sadd.s32 $0x8F2B, s0  }
0xc4: {  	[sflag:s0] =	ssyncadd.remote.s32 $0x1  }
0xc5: {  	_ =	sfence.sel $0xFFFF  }
0xc6: {  	[dreg:$0x0] =	wrdreg $0xFFFFFFFF;
	(pc) =	sbr.abs _section_cstart, $3  }
0xc7: {  	[dreg:$0x1] =	wrdreg $0xFFFFFFFF  }
0xc8: {  	_ =	task.clear_ibuf [dreg:s7], $0x2FFFF;
	_ =	strace $0x9FFFFFFF  }
0xc9: {  	(tm) =	ssettm $0x7FFFFFFF  }
tec
execute0_lowered:
.L_overlay_start_1:
0x0: {  	(tag) =	ssettag $0x1  }
0x1: {  	s9 =	rddreg [dreg:$0x0]  }
0x2: {  	s2 =	rddreg [dreg:$0x1]  }
0x3: {  	s3 =	rddreg [dreg:$0x2]  }
0x4: {  	s0 =	rddreg [dreg:$0x3]  }
0x5: {  	s5 =	srdreg.scid;
	s1 =	stileid.u32  }
0x6: {  	s4 =	simm.s32 $0x0;
	s16 =	simm.s32 $0x5;
	s17 =	simm.s32 $0x80  }
0x7: {  	s18 =	simm.s32 $0x2800;
	s19 =	simm.s32 $0x6800;
	s20 =	simm.s32 $0x3  }
0x8: {  	s21 =	simm.s32 $0x4;
	s5 =	sand.u32 $0x1, s5;
	s13 =	smul.u32 $0x2800, s1  }
0x9: {  	[smem:$0x7FF] =	sst s4;
	s6 =	sadd.s32 $0x87800, s9;
	s12 =	smul.u32 $0x50000, s1  }
0xa: {  	s7 =	sadd.s32 $0xAF800, s9;
	s31 =	sshll.u32 s1, $0x6;
	s8 =	smul.u32 $0x28000, s5  }
0xb: {  	_ =	strace $0x8000004A;
	s11 =	ssub.s32 $0x2, s5;
	p0 =	seq.s32 s5, $0x0  }
0xc: {  	s29 =	sshrl.u32 s11, $0x1;
	s30 =	sshrl.u32 s12, $0x2;
	s10 =	sadd.s32 s13, s8  }
0xd: {  	s8 =	sadd.s32 $0x5000, s9;
	s14 =	ssub.s32 s11, s29;
	s15 =	sadd.s32 s30, s3  }
0xe: {  	s11 =	smov.u32 s7;
	s10 =	sadd.s32 s10, s9;
	s9 =	smul.u32 $0xA0, s1  }
0xf: {  	s12 =	smax.u32 s14, $0x1;
	s11 =	smov.u32 @p0 s6;
	s14 =	sor.u32 $0x1C05, s31  }
0x10: {  	s15 =	sshrl.u32 s15, $0x3;
	s10 =	sadd.s32 $0xD7800, s10;
	s13 =	sadd.s32 s11, s13  }
.LBB2_1:
0x11: {  	[spmem:s15], [sflag:s14] =	dma.local [hbm:s13], $0x2800  }
0x12: {  	_ =	swait.ge [sflag:s16], $0x2800  }
0x13: {  	[sflag:s16] =	ssyncset.done $0x0  }
0x14: {  	[sflag:s16] =	ssyncadd.s32 $0xFFFFD800  }
0x15: {  	s22 =	simm.s32 $0x0;
	[bflag:$0x0] =	sbarrier.arrive $0xFFFF  }
.LBB2_2:
0x16: {  	s23 =	smul.u32 $0x28, s22;
	_ =	sdelay $0x1  }
0x17: {  	s23 =	sadd.s32 s9, s23  }
0x18: {  	s23 =	sshll.u32 s23, $0x4  }
0x19: {  	s25 =	simm.s32 $0x0;
	s24 =	sadd.s32 s2, s23  }
0x1a: {  	[tilespmem:s25], [sflag:$0x5] =	stream.linear.gather [hbm4b:s24+s25], $0x1400, $0x38;
	[tilespmem:$0x1E800] =	vst v63  }
0x1b: {  	_ =	swait.ge [sflag:s16], $0x1400  }
0x1c: {  	[sflag:s16] =	ssyncset.done $0x0  }
0x1d: {  	s26 =	simm.s32 $0x1400;
	s23 =	sadd.s32 s8, s23;
	[sflag:s16] =	ssyncadd.s32 $0xFFFFEC00  }
0x1e: {  	[tilespmem:s26], [sflag:$0x5] =	stream.linear.gather [hbm4b:s23+s25], $0x1400, $0x38;
	[tilespmem:$0x1E800] =	vst v63  }
0x1f: {  	_ =	swait.ge [sflag:s16], $0x1400  }
0x20: {  	[sflag:s16] =	ssyncset.done $0x0  }
0x21: {  	[sflag:s16] =	ssyncadd.s32 $0xFFFFEC00  }
0x22: {  	[tilespmem:s18], [sflag:$0x1] =	stream.indirect.gather [hbm4b:s11+s17], $0x80, s25, s17, $0xb8;
	[tilespmem:$0x1E800] =	vst v63  }
0x23: {  	s25 =	sand.u32 $0x1, s25  }
0x24: {  	p0 =	seq.s32 s25, $0x1  }
0x25: {  	[tilespmem:s19], [sflag:$0x2] =	stream.indirect.gather [hbm4b:s11+s17], $0x80, s17, s17, $0xb8;
	[tilespmem:$0x1E800] =	vst v63  }
0x26: {  	s24 =	simm.s32 @p0 $0x2  }
0x27: {  	s23 =	simm.s32 $0x100;
	p2 =	por @p0 $0x0, $0x0;
	_ =	swait.ge @p0 [sflag:s24], $0x4000  }
0x28: {  	s25 =	simm.s32 @p0 $0x6800;
	p3 =	por p2, !p0;
	[sflag:s24] =	ssyncset.done @p0 $0x0  }
0x29: {  	s28 =	simm.s32 @!p3 $0x4;
	[sflag:s24] =	ssyncadd.s32 @p0 $0xFFFFC000;
	s24 =	simm.s32 @p0 $0x80  }
0x2a: {  	[spmem:s3] =	stream.indirect.scatter.add.f32 @p0 [tilespmem:s25], [sflag:$0x4], $0x80, s26, s24, $0xb8;
	[tilespmem:$0x1E800] =	vst v63  }
0x2b: {  	p1 =	por @!p0 $0x0, $0x0;
	p4 =	sne.s32 @!p3 s5, $0x0;
	_ =	swait.ge @!p3 [sflag:s28], $0x4000  }
0x2c: {  	s29 =	simm.s32 @!p0 $0x1;
	p5 =	por @p0 !p4, p2;
	[sflag:s28] =	ssyncset.done @!p3 $0x0  }
0x2d: {  	p2 =	por @p0 p4, p2;
	[sflag:s28] =	ssyncadd.s32 @!p3 $0xFFFFC000;
	p3 =	por p5, !p0  }
0x2e: {  	p2 =	por p2, !p0;
	s25 =	simm.s32 @!p3 $0x80;
	s28 =	simm.s32 @!p3 $0x6800  }
0x2f: {  	[tilespmem:s28], [sflag:$0x2] =	stream.indirect.gather @!p3 [hbm4b:s7+s25], $0x80, s23, s25, $0xb8;
	[tilespmem:$0x1E800] =	vst v63  }
0x30: {  	s30 =	simm.s32 @!p0 $0x2800;
	s25 =	simm.s32 @!p2 $0x6800;
	s28 =	simm.s32 @!p2 $0x80  }
0x31: {  	[tilespmem:s25], [sflag:$0x2] =	stream.indirect.gather @!p2 [hbm4b:s6+s28], $0x80, s23, s28, $0xb8;
	[tilespmem:$0x1E800] =	vst v63  }
0x32: {  	s24 =	simm.s32 $0x1;
	p3 =	por p1, p0;
	s25 =	simm.s32 $0x1480  }
0x33: {  	s28 =	simm.s32 @!p0 $0x80;
	p2 =	sne.s32 @!p3 s5, $0x0;
	_ =	swait.ge @!p0 [sflag:s29], $0x4000  }
0x34: {  	p4 =	por @!p0 !p2, p1;
	p1 =	por @!p0 p2, p1;
	[sflag:s29] =	ssyncset.done @!p0 $0x0  }
0x35: {  	p2 =	por p4, p0;
	[sflag:s29] =	ssyncadd.s32 @!p0 $0xFFFFC000;
	s29 =	simm.s32 @!p3 $0x3  }
0x36: {  	[spmem:s3] =	stream.indirect.scatter.add.f32 @!p0 [tilespmem:s30], [sflag:$0x3], $0x80, s26, s28, $0xb8;
	[tilespmem:$0x1E800] =	vst v63  }
0x37: {  	p1 =	por p1, p0;
	s31 =	simm.s32 @!p2 $0x2800;
	_ =	swait.ge @!p3 [sflag:s29], $0x4000  }
0x38: {  	s28 =	simm.s32 @!p1 $0x2800;
	s30 =	simm.s32 @!p1 $0x80;
	[sflag:s29] =	ssyncset.done @!p3 $0x0  }
0x39: {  	s26 =	simm.s32 $0x180;
	[sflag:s29] =	ssyncadd.s32 @!p3 $0xFFFFC000;
	s29 =	simm.s32 @!p2 $0x80  }
.LBB2_3:
0x3a: {  	[tilespmem:s31], [sflag:$0x1] =	stream.indirect.gather @!p2 [hbm4b:s7+s29], $0x80, s23, s29, $0xb8;
	[tilespmem:$0x1E800] =	vst v63  }
0x3b: {  	s29 =	sand.u32 $0x1, s24;
	s31 =	smov.u32 s24;
	s24 =	sadd.s32 $0x1, s24  }
0x3c: {  	[tilespmem:s28], [sflag:$0x1] =	stream.indirect.gather @!p1 [hbm4b:s6+s30], $0x80, s23, s30, $0xb8;
	[tilespmem:$0x1E800] =	vst v63  }
0x3d: {  	p0 =	sne.s32 s24, $0x28;
	p1 =	seq.s32 s29, $0x1;
	s28 =	smov.u32 s25  }
0x3e: {  	p3 =	sgt.u32 @p1 s31, $0x25;
	s29 =	simm.s32 @p1 $0x2;
	p2 =	sgt.u32 @!p1 s31, $0x25  }
0x3f: {  	s23 =	smov.u32 s26;
	_ =	swait.ge @p1 [sflag:s29], $0x4000  }
0x40: {  	s30 =	simm.s32 @p1 $0x6800;
	p4 =	por p3, !p1;
	[sflag:s29] =	ssyncset.done @p1 $0x0  }
0x41: {  	s31 =	simm.s32 @!p4 $0x4;
	[sflag:s29] =	ssyncadd.s32 @p1 $0xFFFFC000;
	s29 =	simm.s32 @p1 $0x80  }
0x42: {  	[spmem:s3] =	stream.indirect.scatter.add.f32 @p1 [tilespmem:s30], [sflag:$0x4], $0x80, s25, s29, $0xb8;
	[tilespmem:$0x1E800] =	vst v63  }
0x43: {  	p5 =	sne.s32 @!p4 s5, $0x0;
	_ =	swait.ge @!p4 [sflag:s31], $0x4000  }
0x44: {  	p6 =	por @p1 !p5, p3;
	p3 =	por @p1 p5, p3;
	[sflag:s31] =	ssyncset.done @!p4 $0x0  }
0x45: {  	p3 =	por p3, !p1;
	[sflag:s31] =	ssyncadd.s32 @!p4 $0xFFFFC000;
	p4 =	por p6, !p1  }
0x46: {  	s31 =	simm.s32 @!p3 $0x6800;
	s29 =	simm.s32 @!p4 $0x80;
	s30 =	simm.s32 @!p4 $0x6800  }
0x47: {  	[tilespmem:s30], [sflag:$0x2] =	stream.indirect.gather @!p4 [hbm4b:s7+s29], $0x80, s26, s29, $0xb8;
	[tilespmem:$0x1E800] =	vst v63  }
0x48: {  	s29 =	simm.s32 @!p3 $0x80;
	s30 =	simm.s32 @!p1 $0x1  }
0x49: {  	[tilespmem:s31], [sflag:$0x2] =	stream.indirect.gather @!p3 [hbm4b:s6+s29], $0x80, s26, s29, $0xb8;
	[tilespmem:$0x1E800] =	vst v63  }
0x4a: {  	s25 =	sadd.s32 $0x80, s25;
	p3 =	por p2, p1;
	_ =	swait.ge @!p1 [sflag:s30], $0x4000  }
0x4b: {  	s29 =	simm.s32 @!p1 $0x80;
	s31 =	simm.s32 @!p1 $0x2800;
	[sflag:s30] =	ssyncset.done @!p1 $0x0  }
0x4c: {  	p4 =	sne.s32 @!p3 s5, $0x0;
	[sflag:s30] =	ssyncadd.s32 @!p1 $0xFFFFC000;
	s30 =	simm.s32 @!p3 $0x3  }
0x4d: {  	[spmem:s3] =	stream.indirect.scatter.add.f32 @!p1 [tilespmem:s31], [sflag:$0x3], $0x80, s28, s29, $0xb8;
	[tilespmem:$0x1E800] =	vst v63  }
.Ltmp0:
0x4e: {  	_ = 	snop;
	(pc) =	sbr.rel @p0 .LBB2_3-.Ltmp0, $4  }
0x4f: {  	p5 =	por @!p1 !p4, p2;
	p4 =	por @!p1 p4, p2;
	_ =	swait.ge @!p3 [sflag:s30], $0x4000  }
0x50: {  	p2 =	por p5, p1;
	p1 =	por p4, p1;
	[sflag:s30] =	ssyncset.done @!p3 $0x0  }
0x51: {  	s29 =	simm.s32 @!p2 $0x80;
	s28 =	simm.s32 @!p1 $0x2800;
	[sflag:s30] =	ssyncadd.s32 @!p3 $0xFFFFC000  }
0x52: {  	s26 =	sadd.s32 $0x80, s26;
	s31 =	simm.s32 @!p2 $0x2800;
	s30 =	simm.s32 @!p1 $0x80  }
0x53: {  	[tilespmem:s31], [sflag:$0x1] =	stream.indirect.gather @!p2 [hbm4b:s7+s29], $0x80, s23, s29, $0xb8;
	[tilespmem:$0x1E800] =	vst v63  }
0x54: {  	s22 =	sadd.s32 $0x1, s22  }
0x55: {  	[tilespmem:s28], [sflag:$0x1] =	stream.indirect.gather @!p1 [hbm4b:s6+s30], $0x80, s23, s30, $0xb8;
	[tilespmem:$0x1E800] =	vst v63  }
0x56: {  	p0 =	sne.s32 s22, $0x4;
	_ =	swait.ge [sflag:s20], $0x4000  }
.Ltmp1:
0x57: {  	[sflag:s20] =	ssyncset.done $0x0;
	(pc) =	sbr.rel @p0 .LBB2_2-.Ltmp1, $4  }
0x58: {  	[sflag:s20] =	ssyncadd.s32 $0xFFFFC000  }
0x59: {  	_ =	swait.ge [sflag:s21], $0x4000  }
0x5a: {  	[sflag:s21] =	ssyncset.done $0x0  }
0x5b: {  	[sflag:s21] =	ssyncadd.s32 $0xFFFFC000  }
0x5c: {  	s4 =	sadd.s32 $0x1, s4  }
0x5d: {  	p0 =	sne.s32 s4, s12  }
.Ltmp2:
0x5e: {  	[bflag:$0x0] =	sbarrier.arrive $0xFFFF;
	(pc) =	sbr.rel @p0 .LBB2_1-.Ltmp2, $4  }
0x5f: {  	[hbm:s10], [sflag:s14] =	dma.local [spmem:s15], $0x2800  }
0x60: {  	_ =	swait.ge [sflag:s16], $0x2800  }
0x61: {  	[sflag:s16] =	ssyncset.done $0x0  }
0x62: {  	[sflag:s16] =	ssyncadd.s32 $0xFFFFD800  }
0x63: {  	_ =	sfence.sel $0x180000  }
0x64: {  	[bflag:$0x0] =	sbarrier.arrive $0xFFFF  }
0x65: {  	p0 =	sne.s32 s1, $0x0;
	_ =	strace $0x9000004A  }
0x66: {  	s0 =	sadd.s32 @!p0 $0x100000, s0;
	[bflag:$0x2] =	sbarrier.arrive $0xFFFF  }
0x67: {  	[sflag:s0] =	ssyncadd.tile.s32 @!p0 $0x1;
	_ =	shalt  }
.Lfunc_end2:
_tile_overlayer_lowered:
.L_overlay_start_2:
0x68: {  	(tag) =	ssettag $0x2  }
0x69: {  	s0 =	rddreg [dreg:$0x0];
	s2 =	stileid.u32  }
0x6a: {  	s1 =	rddreg [dreg:$0x1];
	p0 =	sne.s32 s2, $0x0  }
0x6b: {  	s3 =	rddreg [dreg:$0x2];
	[bflag:$0x3] =	sbarrier.arrive $0xFFFF;
	s2 =	simm.s32 @!p0 $0x1C05  }
0x6c: {  	[timem:s3], [sflag:s2] =	dma.local @!p0 [hbm:s0], s1  }
0x6d: {  	s0 =	simm.s32 @!p0 $0x5  }
0x6e: {  	_ =	swait.ge @!p0 [sflag:s0], s1  }
0x6f: {  	s1 =	ssub.s32 @!p0 $0x0, s1;
	[sflag:s0] =	ssyncset.done @!p0 $0x0  }
0x70: {  	[sflag:s0] =	ssyncadd.s32 @!p0 s1  }
0x71: {  	[bflag:$0x3] =	sbarrier.arrive $0xFFFF  }
0x72: {  	_ =	shalt  }

// kernel: kernel.20.cloned.1.call-start
scs
__scs_entry_jumppad:
0x0: {  	(pc) =	sbr.rel $0x88, $3  }
0x1: {  	(tag) =	ssettag $0x0;
	lr =	simm.s32 $0x1  }
0x2: {  	[smem:$0x3F8F] =	sst lr;
	_ =	strace $0xD0000000  }
0x3: {  	_ = 	snop  }
0x4: {  	_ = 	snop  }
0x5: {  	_ = 	snop  }
0x6: {  	_ = 	snop  }
0x7: {  	_ = 	snop  }
__scs_overlays_trampoline_lowered:
0x8: {  	[smem:$0x3F9E] =	sst s0  }
0x9: {  	[smem:$0x3F9F] =	sst s1  }
0xa: {  	[smem:$0x3FA0] =	sst s2  }
0xb: {  	[smem:$0x3FA1] =	sst s3  }
0xc: {  	[smem:$0x3FA2] =	sst s4  }
0xd: {  	[smem:$0x3FA3] =	sst s5  }
0xe: {  	[smem:$0x3FA4] =	sst s6  }
0xf: {  	[smem:$0x3FA5] =	sst s7  }
0x10: {  	[smem:$0x3FA6] =	sst s8  }
0x11: {  	[smem:$0x3FA7] =	sst s9;
	s0 =	simm.s32 @!p0 $0x0  }
0x12: {  	s1 =	sld [smem:$0x3F8D];
	s0 =	simm.s32 @p0 $0x1  }
0x13: {  	[smem:$0x3FA8] =	sst s0;
	s0 =	simm.s32 @!p1 $0x0  }
0x14: {  	s2 =	sld [smem:$0x3F8C];
	s0 =	simm.s32 @p1 $0x1  }
0x15: {  	[smem:$0x3FA9] =	sst s0;
	s0 =	simm.s32 @!p2 $0x0  }
0x16: {  	s3 =	sld [smem:$0x3FDB];
	s0 =	simm.s32 @p2 $0x1  }
0x17: {  	s4 =	simm.s32 $0x1BF5;
	[smem:$0x3FAB] =	sst s0  }
0x18: {  	s0 =	sld [smem:$0x3F8E];
	_ =	swait.ge [sflag:s4], $0x0  }
0x19: {  	s7 =	sld [smem:$0x3F8F]  }
0x1a: {  	s8 =	sadd.s32 $0xFFFFE003, lr  }
0x1b: {  	s9 =	sadd.s32 $0xFFFFFEF7, lr;
	s5 =	simm.s32 $0xFFFFFFFF;
	p2 =	slt.u32 s8, $0xFFFFF086  }
0x1c: {  	p1 =	slt.u32 s9, $0xF7A;
	s5 =	simm.s32 @!p2 $0x0  }
0x1d: {  	s5 =	simm.s32 @p1 $0x1;
	p0 =	seq.s32 s7, s2  }
0x1e: {  	s7 =	smul.u32 @!p0 $0xF7A, s2;
	p2 =	seq.s32 @!p0 s5, $0x0  }
0x1f: {  	s9 =	smul.u32 $0xF7A, s1;
	s8 =	simm.s32 @!p0 $0x1BF5;
	p2 =	por !p2, p0  }
0x20: {  	[sflag:s8] =	ssyncset.s32 @!p0 $0xFFFFF086;
	s6 =	sadd.s32 @!p0 s3, s7;
	s7 =	simm.s32 @!p0 $0x108  }
0x21: {  	s3 =	sadd.s32 s3, s9;
	s6 =	sadd.s32 @!p0 $0x88, s6;
	s7 =	simm.s32 @p2 $0x1082  }
0x22: {  	[simem:s7], [sflag:s8] =	dma.local @!p0 [hbm:s6], $0xF7A  }
0x23: {  	s9 =	sor.u32 $0xD0000000, s2;
	s6 =	simm.s32 $0x108;
	_ =	swait.ge @!p0 [sflag:s8], $0x0  }
0x24: {  	s3 =	sadd.s32 $0x88, s3;
	s6 =	simm.s32 @!p1 $0x1082;
	[sflag:s4] =	ssyncset.s32 $0xFFFFF086  }
0x25: {  	[simem:s6], [sflag:s4] =	dma.local [hbm:s3], $0xF7A  }
0x26: {  	[smem:$0x3F8F] =	sst s1;
	(tag) =	ssettag s2;
	_ =	strace s9  }
0x27: {  	s1 =	sld [smem:$0x3F9F]  }
0x28: {  	s2 =	sld [smem:$0x3FA0]  }
0x29: {  	s4 =	sld [smem:$0x3FA2]  }
0x2a: {  	p0 =	seq.s32 s5, $0x0;
	s5 =	sld [smem:$0x3FA3]  }
0x2b: {  	s6 =	sld [smem:$0x3FA4]  }
0x2c: {  	s7 =	sld [smem:$0x3FA5]  }
0x2d: {  	s3 =	simm.s32 $0x108;
	s8 =	sld [smem:$0x3FA6]  }
0x2e: {  	s3 =	simm.s32 @!p0 $0x1082;
	s9 =	sld [smem:$0x3FA7]  }
0x2f: {  	lr =	sadd.s32 s0, s3;
	s0 =	sld [smem:$0x3F9E]  }
0x30: {  	s3 =	sld [smem:$0x3FA1]  }
0x31: {  	[smem:$0x3FAA] =	sst s10  }
0x32: {  	s10 =	sld [smem:$0x3FA8];
	_ =	sdelay $0x3  }
0x33: {  	p0 =	seq.s32 s10, $0x1;
	s10 =	sld [smem:$0x3FAA];
	_ =	sdelay $0x3  }
0x34: {  	[smem:$0x3FAA] =	sst s10  }
0x35: {  	s10 =	sld [smem:$0x3FA9];
	_ =	sdelay $0x3  }
0x36: {  	p1 =	seq.s32 s10, $0x1;
	s10 =	sld [smem:$0x3FAA];
	_ =	sdelay $0x3  }
0x37: {  	[smem:$0x3FAA] =	sst s10  }
0x38: {  	s10 =	sld [smem:$0x3FAB]  }
0x39: {  	_ = 	snop;
	(pc) =	sbr.ind lr, $3  }
0x3a: {  	_ = 	snop  }
0x3b: {  	_ = 	snop  }
0x3c: {  	p2 =	seq.s32 s10, $0x1;
	s10 =	sld [smem:$0x3FAA]  }
0x3d: {  	_ =	shalt  }
0x3e: {  	_ =	shalt  }
0x3f: {  	_ =	shalt  }
0x40: {  	_ =	shalt  }
0x41: {  	_ =	shalt  }
0x42: {  	_ =	shalt  }
0x43: {  	_ =	shalt  }
0x44: {  	_ =	shalt  }
0x45: {  	_ =	shalt  }
0x46: {  	_ =	shalt  }
0x47: {  	_ =	shalt  }
0x48: {  	_ =	shalt  }
0x49: {  	_ =	shalt  }
0x4a: {  	_ =	shalt  }
0x4b: {  	_ =	shalt  }
0x4c: {  	_ =	shalt  }
0x4d: {  	_ =	shalt  }
0x4e: {  	_ =	shalt  }
0x4f: {  	_ =	shalt  }
0x50: {  	_ =	shalt  }
0x51: {  	_ =	shalt  }
0x52: {  	_ =	shalt  }
0x53: {  	_ =	shalt  }
0x54: {  	_ =	shalt  }
0x55: {  	_ =	shalt  }
0x56: {  	_ =	shalt  }
0x57: {  	_ =	shalt  }
0x58: {  	_ =	shalt  }
0x59: {  	_ =	shalt  }
0x5a: {  	_ =	shalt  }
0x5b: {  	_ =	shalt  }
0x5c: {  	_ =	shalt  }
0x5d: {  	_ =	shalt  }
0x5e: {  	_ =	shalt  }
0x5f: {  	_ =	shalt  }
0x60: {  	_ =	shalt  }
0x61: {  	_ =	shalt  }
0x62: {  	_ =	shalt  }
0x63: {  	_ =	shalt  }
0x64: {  	_ =	shalt  }
0x65: {  	_ =	shalt  }
0x66: {  	_ =	shalt  }
0x67: {  	_ =	shalt  }
0x68: {  	_ =	shalt  }
0x69: {  	_ =	shalt  }
0x6a: {  	_ =	shalt  }
0x6b: {  	_ =	shalt  }
0x6c: {  	_ =	shalt  }
0x6d: {  	_ =	shalt  }
0x6e: {  	_ =	shalt  }
0x6f: {  	_ =	shalt  }
0x70: {  	_ =	shalt  }
0x71: {  	_ =	shalt  }
0x72: {  	_ =	shalt  }
0x73: {  	_ =	shalt  }
0x74: {  	_ =	shalt  }
0x75: {  	_ =	shalt  }
0x76: {  	_ =	shalt  }
0x77: {  	_ =	shalt  }
0x78: {  	_ =	shalt  }
0x79: {  	_ =	shalt  }
0x7a: {  	_ =	shalt  }
0x7b: {  	_ =	shalt  }
0x7c: {  	_ =	shalt  }
0x7d: {  	_ =	shalt  }
0x7e: {  	_ =	shalt  }
0x7f: {  	_ =	shalt  }
0x80: {  	_ =	shalt  }
0x81: {  	_ =	shalt  }
0x82: {  	_ =	shalt  }
0x83: {  	_ =	shalt  }
0x84: {  	_ =	shalt  }
0x85: {  	_ =	shalt  }
0x86: {  	_ =	shalt  }
0x87: {  	_ =	shalt  }
.Lfunc_end0:
.L_simem_size_0:
called_computation.2_lowered:
.L_overlay_start_0:
0x88: {  	s2 =	sld [smem:$0x3FD9]  }
0x89: {  	s3 =	sld [smem:$0x3FFE];
	_ =	sdelay $0x1  }
0x8a: {  	s1 =	srdreg.scid  }
0x8b: {  	s0 =	sand.u32 $0x1, s1  }
0x8c: {  	s14 =	sshll.u32 s0, $0xA;
	s2 =	sadd.s32 s3, s2  }
0x8d: {  	s2 =	sadd.s32 s2, s14  }
0x8e: {  	[smem:$0x3FB6] =	sst s2  }
0x8f: {  	_ = 	snop  }
0x90: {  	s2 =	sld [smem:$0x3FD0];
	_ =	sdelay $0x2  }
0x91: {  	s15 =	simm.s32 $0xA;
	s4 =	simm.s32 $0x10  }
0x92: {  	[smem:s4], [sflag:s15] =	dma.local [hbm:s2], $0x1  }
0x93: {  	_ =	swait.eq [sflag:s15], $0x1  }
0x94: {  	[sflag:s15] =	ssyncset.done $0x0  }
0x95: {  	[sflag:s15] =	ssyncadd.s32 $0xFFFFFFFF  }
0x96: {  	s16 =	sld [smem:$0x10];
	(tm) =	ssettm $0x1  }
0x97: {  	s17 =	sld [smem:$0x3FFB];
	_ =	sdelay $0x3  }
0x98: {  	_ =	strace s17  }
0x99: {  	s3 =	sld [smem:$0x3FFC];
	_ =	sdelay $0x3  }
0x9a: {  	_ =	strace s3  }
0x9b: {  	s3 =	sld [smem:$0x3FFD];
	_ =	sdelay $0x3  }
0x9c: {  	_ =	strace s3  }
0x9d: {  	_ =	strace $0x8FFFFFFF  }
0x9e: {  	s18 =	sld [smem:$0x3FDB];
	_ =	sdelay $0x1  }
0x9f: {  	s19 =	simm.s32 $_scs_section_size  }
0xa0: {  	s5 =	simm.s32 $_size__tile_overlayer_lowered;
	s6 =	simm.s32 $_tile_overlayer_lowered  }
0xa1: {  	s22 =	simm.s32 $0x1BFF;
	s21 =	sshll.u32 s6, $0x1;
	s3 =	sadd.s32 s19, s18  }
0xa2: {  	s7 =	simm.s32 $0x0;
	s20 =	sshll.u32 s5, $0x1;
	s5 =	sadd.s32 s21, s3  }
0xa3: {  	[timem:s7], [sflag:s22] =	dma.local [hbm:s5], s20  }
0xa4: {  	_ =	swait.ge [sflag:s22], s20  }
0xa5: {  	s4 =	ssub.s32 $0x0, s20;
	[sflag:s22] =	ssyncset.done $0x0  }
0xa6: {  	[sflag:s22] =	ssyncadd.s32 s4;
	_ =	sdelay $0x1  }
0xa7: {  	s23 =	simm.s32 $0x1B8B  }
0xa8: {  	_ =	swait.ge [sflag:s23], $0x1  }
0xa9: {  	[sflag:s23] =	ssyncset.done $0x0  }
0xaa: {  	s25 =	simm.s32 $0x1B8E;
	s24 =	sld [smem:$0x3FFE];
	[sflag:s23] =	ssyncadd.s32 $0xFFFFFFFF  }
0xab: {  	s26 =	simm.s32 $execute0_lowered;
	[smem:$0x3FD2] =	sst s25  }
0xac: {  	s5 =	sshll.u32 s26, $0x1;
	_ =	strace $0x8000004C;
	[dreg:$0x1] =	wrdreg $0xFFFFFFFF  }
0xad: {  	s28 =	simm.s32 $_size_execute0_lowered;
	s3 =	sadd.s32 s3, s5;
	[dreg:$0x0] =	wrdreg $0x0  }
0xae: {  	s5 =	sshll.u32 s28, $0x1;
	[dreg:$0x2] =	wrdreg s3  }
0xaf: {  	[dreg:$0x3] =	wrdreg s5  }
0xb0: {  	[dreg:$0x4] =	wrdreg $0xC0  }
0xb1: {  	_ =	task [dreg:s7], $0x5FFFF  }
0xb2: {  	[dreg:$0x1] =	wrdreg $0xFFFFFFFF  }
0xb3: {  	[dreg:$0x0] =	wrdreg $0x60  }
0xb4: {  	[dreg:$0x2] =	wrdreg s24  }
0xb5: {  	[dreg:$0x3] =	wrdreg s16  }
0xb6: {  	[dreg:$0x4] =	wrdreg $0xA8000  }
0xb7: {  	[dreg:$0x5] =	wrdreg $0x9  }
0xb8: {  	_ =	task.clear_ibuf [dreg:s7], $0x6FFFF;
	_ =	strace $0x9000004C  }
0xb9: {  	s29 =	simm.s32 $0x9;
	_ =	strace $0x8000004E  }
0xba: {  	_ =	swait.ge [sflag:s29], $0x1  }
0xbb: {  	[sflag:s29] =	ssyncadd.s32 $0xFFFFFFFF  }
0xbc: {  	_ =	strace $0x9000004E  }
0xbd: {  	_ =	sfence  }
0xbe: {  	s30 =	sld [smem:$0x0];
	_ =	sdelay $0x2  }
0xbf: {  	s31 =	sshll.u32 s1, $0xD;
	s1 =	sshrl.u32 s1, $0x2  }
0xc0: {  	s3 =	sand.u32 $0x4000, s31;
	s1 =	sadd.s32 s1, s30  }
0xc1: {  	s0 =	sor.u32 s3, s0;
	s1 =	sshll.u32 s1, $0x11  }
0xc2: {  	s0 =	sor.u32 s1, s0  }
0xc3: {  	s0 =	sadd.s32 $0x8F2B, s0  }
0xc4: {  	[sflag:s0] =	ssyncadd.remote.s32 $0x1  }
0xc5: {  	_ =	sfence.sel $0xFFFF  }
0xc6: {  	[dreg:$0x0] =	wrdreg $0xFFFFFFFF;
	(pc) =	sbr.abs _section_cstart, $3  }
0xc7: {  	[dreg:$0x1] =	wrdreg $0xFFFFFFFF  }
0xc8: {  	_ =	task.clear_ibuf [dreg:s7], $0x2FFFF;
	_ =	strace $0x9FFFFFFF  }
0xc9: {  	(tm) =	ssettm $0x7FFFFFFF  }
tec
execute0_lowered:
.L_overlay_start_1:
0x0: {  	(tag) =	ssettag $0x1  }
0x1: {  	s9 =	rddreg [dreg:$0x0]  }
0x2: {  	s2 =	rddreg [dreg:$0x1]  }
0x3: {  	s3 =	rddreg [dreg:$0x2]  }
0x4: {  	s0 =	rddreg [dreg:$0x3]  }
0x5: {  	s5 =	srdreg.scid;
	s1 =	stileid.u32  }
0x6: {  	s4 =	simm.s32 $0x0;
	s16 =	simm.s32 $0x5;
	s17 =	simm.s32 $0x80  }
0x7: {  	s18 =	simm.s32 $0x2800;
	s19 =	simm.s32 $0x6800;
	s20 =	simm.s32 $0x3  }
0x8: {  	s21 =	simm.s32 $0x4;
	s5 =	sand.u32 $0x1, s5;
	s13 =	smul.u32 $0x2800, s1  }
0x9: {  	[smem:$0x7FF] =	sst s4;
	s6 =	sadd.s32 $0x87800, s9;
	s12 =	smul.u32 $0x50000, s1  }
0xa: {  	s7 =	sadd.s32 $0xAF800, s9;
	s31 =	sshll.u32 s1, $0x6;
	s8 =	smul.u32 $0x28000, s5  }
0xb: {  	_ =	strace $0x8000004D;
	s11 =	ssub.s32 $0x2, s5;
	p0 =	seq.s32 s5, $0x0  }
0xc: {  	s29 =	sshrl.u32 s11, $0x1;
	s30 =	sshrl.u32 s12, $0x2;
	s10 =	sadd.s32 s13, s8  }
0xd: {  	s8 =	sadd.s32 $0x5000, s9;
	s14 =	ssub.s32 s11, s29;
	s15 =	sadd.s32 s30, s3  }
0xe: {  	s11 =	smov.u32 s7;
	s10 =	sadd.s32 s10, s9;
	s9 =	smul.u32 $0xA0, s1  }
0xf: {  	s12 =	smax.u32 s14, $0x1;
	s11 =	smov.u32 @p0 s6;
	s14 =	sor.u32 $0x1C05, s31  }
0x10: {  	s15 =	sshrl.u32 s15, $0x3;
	s10 =	sadd.s32 $0xD7800, s10;
	s13 =	sadd.s32 s11, s13  }
.LBB2_1:
0x11: {  	[spmem:s15], [sflag:s14] =	dma.local [hbm:s13], $0x2800  }
0x12: {  	_ =	swait.ge [sflag:s16], $0x2800  }
0x13: {  	[sflag:s16] =	ssyncset.done $0x0  }
0x14: {  	[sflag:s16] =	ssyncadd.s32 $0xFFFFD800  }
0x15: {  	s22 =	simm.s32 $0x0;
	[bflag:$0x0] =	sbarrier.arrive $0xFFFF  }
.LBB2_2:
0x16: {  	s23 =	smul.u32 $0x28, s22;
	_ =	sdelay $0x1  }
0x17: {  	s23 =	sadd.s32 s9, s23  }
0x18: {  	s23 =	sshll.u32 s23, $0x4  }
0x19: {  	s25 =	simm.s32 $0x0;
	s24 =	sadd.s32 s2, s23  }
0x1a: {  	[tilespmem:s25], [sflag:$0x5] =	stream.linear.gather [hbm4b:s24+s25], $0x1400, $0x38;
	[tilespmem:$0x1E800] =	vst v63  }
0x1b: {  	_ =	swait.ge [sflag:s16], $0x1400  }
0x1c: {  	[sflag:s16] =	ssyncset.done $0x0  }
0x1d: {  	s26 =	simm.s32 $0x1400;
	s23 =	sadd.s32 s8, s23;
	[sflag:s16] =	ssyncadd.s32 $0xFFFFEC00  }
0x1e: {  	[tilespmem:s26], [sflag:$0x5] =	stream.linear.gather [hbm4b:s23+s25], $0x1400, $0x38;
	[tilespmem:$0x1E800] =	vst v63  }
0x1f: {  	_ =	swait.ge [sflag:s16], $0x1400  }
0x20: {  	[sflag:s16] =	ssyncset.done $0x0  }
0x21: {  	[sflag:s16] =	ssyncadd.s32 $0xFFFFEC00  }
0x22: {  	[tilespmem:s18], [sflag:$0x1] =	stream.indirect.gather [hbm4b:s11+s17], $0x80, s25, s17, $0xb8;
	[tilespmem:$0x1E800] =	vst v63  }
0x23: {  	s25 =	sand.u32 $0x1, s25  }
0x24: {  	p0 =	seq.s32 s25, $0x1  }
0x25: {  	[tilespmem:s19], [sflag:$0x2] =	stream.indirect.gather [hbm4b:s11+s17], $0x80, s17, s17, $0xb8;
	[tilespmem:$0x1E800] =	vst v63  }
0x26: {  	s24 =	simm.s32 @p0 $0x2  }
0x27: {  	s23 =	simm.s32 $0x100;
	p2 =	por @p0 $0x0, $0x0;
	_ =	swait.ge @p0 [sflag:s24], $0x4000  }
0x28: {  	s25 =	simm.s32 @p0 $0x6800;
	p3 =	por p2, !p0;
	[sflag:s24] =	ssyncset.done @p0 $0x0  }
0x29: {  	s28 =	simm.s32 @!p3 $0x4;
	[sflag:s24] =	ssyncadd.s32 @p0 $0xFFFFC000;
	s24 =	simm.s32 @p0 $0x80  }
0x2a: {  	[spmem:s3] =	stream.indirect.scatter.add.f32 @p0 [tilespmem:s25], [sflag:$0x4], $0x80, s26, s24, $0xb8;
	[tilespmem:$0x1E800] =	vst v63  }
0x2b: {  	p1 =	por @!p0 $0x0, $0x0;
	p4 =	sne.s32 @!p3 s5, $0x0;
	_ =	swait.ge @!p3 [sflag:s28], $0x4000  }
0x2c: {  	s29 =	simm.s32 @!p0 $0x1;
	p5 =	por @p0 !p4, p2;
	[sflag:s28] =	ssyncset.done @!p3 $0x0  }
0x2d: {  	p2 =	por @p0 p4, p2;
	[sflag:s28] =	ssyncadd.s32 @!p3 $0xFFFFC000;
	p3 =	por p5, !p0  }
0x2e: {  	p2 =	por p2, !p0;
	s25 =	simm.s32 @!p3 $0x80;
	s28 =	simm.s32 @!p3 $0x6800  }
0x2f: {  	[tilespmem:s28], [sflag:$0x2] =	stream.indirect.gather @!p3 [hbm4b:s7+s25], $0x80, s23, s25, $0xb8;
	[tilespmem:$0x1E800] =	vst v63  }
0x30: {  	s30 =	simm.s32 @!p0 $0x2800;
	s25 =	simm.s32 @!p2 $0x6800;
	s28 =	simm.s32 @!p2 $0x80  }
0x31: {  	[tilespmem:s25], [sflag:$0x2] =	stream.indirect.gather @!p2 [hbm4b:s6+s28], $0x80, s23, s28, $0xb8;
	[tilespmem:$0x1E800] =	vst v63  }
0x32: {  	s24 =	simm.s32 $0x1;
	p3 =	por p1, p0;
	s25 =	simm.s32 $0x1480  }
0x33: {  	s28 =	simm.s32 @!p0 $0x80;
	p2 =	sne.s32 @!p3 s5, $0x0;
	_ =	swait.ge @!p0 [sflag:s29], $0x4000  }
0x34: {  	p4 =	por @!p0 !p2, p1;
	p1 =	por @!p0 p2, p1;
	[sflag:s29] =	ssyncset.done @!p0 $0x0  }
0x35: {  	p2 =	por p4, p0;
	[sflag:s29] =	ssyncadd.s32 @!p0 $0xFFFFC000;
	s29 =	simm.s32 @!p3 $0x3  }
0x36: {  	[spmem:s3] =	stream.indirect.scatter.add.f32 @!p0 [tilespmem:s30], [sflag:$0x3], $0x80, s26, s28, $0xb8;
	[tilespmem:$0x1E800] =	vst v63  }
0x37: {  	p1 =	por p1, p0;
	s31 =	simm.s32 @!p2 $0x2800;
	_ =	swait.ge @!p3 [sflag:s29], $0x4000  }
0x38: {  	s28 =	simm.s32 @!p1 $0x2800;
	s30 =	simm.s32 @!p1 $0x80;
	[sflag:s29] =	ssyncset.done @!p3 $0x0  }
0x39: {  	s26 =	simm.s32 $0x180;
	[sflag:s29] =	ssyncadd.s32 @!p3 $0xFFFFC000;
	s29 =	simm.s32 @!p2 $0x80  }
.LBB2_3:
0x3a: {  	[tilespmem:s31], [sflag:$0x1] =	stream.indirect.gather @!p2 [hbm4b:s7+s29], $0x80, s23, s29, $0xb8;
	[tilespmem:$0x1E800] =	vst v63  }
0x3b: {  	s29 =	sand.u32 $0x1, s24;
	s31 =	smov.u32 s24;
	s24 =	sadd.s32 $0x1, s24  }
0x3c: {  	[tilespmem:s28], [sflag:$0x1] =	stream.indirect.gather @!p1 [hbm4b:s6+s30], $0x80, s23, s30, $0xb8;
	[tilespmem:$0x1E800] =	vst v63  }
0x3d: {  	p0 =	sne.s32 s24, $0x28;
	p1 =	seq.s32 s29, $0x1;
	s28 =	smov.u32 s25  }
0x3e: {  	p3 =	sgt.u32 @p1 s31, $0x25;
	s29 =	simm.s32 @p1 $0x2;
	p2 =	sgt.u32 @!p1 s31, $0x25  }
0x3f: {  	s23 =	smov.u32 s26;
	_ =	swait.ge @p1 [sflag:s29], $0x4000  }
0x40: {  	s30 =	simm.s32 @p1 $0x6800;
	p4 =	por p3, !p1;
	[sflag:s29] =	ssyncset.done @p1 $0x0  }
0x41: {  	s31 =	simm.s32 @!p4 $0x4;
	[sflag:s29] =	ssyncadd.s32 @p1 $0xFFFFC000;
	s29 =	simm.s32 @p1 $0x80  }
0x42: {  	[spmem:s3] =	stream.indirect.scatter.add.f32 @p1 [tilespmem:s30], [sflag:$0x4], $0x80, s25, s29, $0xb8;
	[tilespmem:$0x1E800] =	vst v63  }
0x43: {  	p5 =	sne.s32 @!p4 s5, $0x0;
	_ =	swait.ge @!p4 [sflag:s31], $0x4000  }
0x44: {  	p6 =	por @p1 !p5, p3;
	p3 =	por @p1 p5, p3;
	[sflag:s31] =	ssyncset.done @!p4 $0x0  }
0x45: {  	p3 =	por p3, !p1;
	[sflag:s31] =	ssyncadd.s32 @!p4 $0xFFFFC000;
	p4 =	por p6, !p1  }
0x46: {  	s31 =	simm.s32 @!p3 $0x6800;
	s29 =	simm.s32 @!p4 $0x80;
	s30 =	simm.s32 @!p4 $0x6800  }
0x47: {  	[tilespmem:s30], [sflag:$0x2] =	stream.indirect.gather @!p4 [hbm4b:s7+s29], $0x80, s26, s29, $0xb8;
	[tilespmem:$0x1E800] =	vst v63  }
0x48: {  	s29 =	simm.s32 @!p3 $0x80;
	s30 =	simm.s32 @!p1 $0x1  }
0x49: {  	[tilespmem:s31], [sflag:$0x2] =	stream.indirect.gather @!p3 [hbm4b:s6+s29], $0x80, s26, s29, $0xb8;
	[tilespmem:$0x1E800] =	vst v63  }
0x4a: {  	s25 =	sadd.s32 $0x80, s25;
	p3 =	por p2, p1;
	_ =	swait.ge @!p1 [sflag:s30], $0x4000  }
0x4b: {  	s29 =	simm.s32 @!p1 $0x80;
	s31 =	simm.s32 @!p1 $0x2800;
	[sflag:s30] =	ssyncset.done @!p1 $0x0  }
0x4c: {  	p4 =	sne.s32 @!p3 s5, $0x0;
	[sflag:s30] =	ssyncadd.s32 @!p1 $0xFFFFC000;
	s30 =	simm.s32 @!p3 $0x3  }
0x4d: {  	[spmem:s3] =	stream.indirect.scatter.add.f32 @!p1 [tilespmem:s31], [sflag:$0x3], $0x80, s28, s29, $0xb8;
	[tilespmem:$0x1E800] =	vst v63  }
.Ltmp0:
0x4e: {  	_ = 	snop;
	(pc) =	sbr.rel @p0 .LBB2_3-.Ltmp0, $4  }
0x4f: {  	p5 =	por @!p1 !p4, p2;
	p4 =	por @!p1 p4, p2;
	_ =	swait.ge @!p3 [sflag:s30], $0x4000  }
0x50: {  	p2 =	por p5, p1;
	p1 =	por p4, p1;
	[sflag:s30] =	ssyncset.done @!p3 $0x0  }
0x51: {  	s29 =	simm.s32 @!p2 $0x80;
	s28 =	simm.s32 @!p1 $0x2800;
	[sflag:s30] =	ssyncadd.s32 @!p3 $0xFFFFC000  }
0x52: {  	s26 =	sadd.s32 $0x80, s26;
	s31 =	simm.s32 @!p2 $0x2800;
	s30 =	simm.s32 @!p1 $0x80  }
0x53: {  	[tilespmem:s31], [sflag:$0x1] =	stream.indirect.gather @!p2 [hbm4b:s7+s29], $0x80, s23, s29, $0xb8;
	[tilespmem:$0x1E800] =	vst v63  }
0x54: {  	s22 =	sadd.s32 $0x1, s22  }
0x55: {  	[tilespmem:s28], [sflag:$0x1] =	stream.indirect.gather @!p1 [hbm4b:s6+s30], $0x80, s23, s30, $0xb8;
	[tilespmem:$0x1E800] =	vst v63  }
0x56: {  	p0 =	sne.s32 s22, $0x4;
	_ =	swait.ge [sflag:s20], $0x4000  }
.Ltmp1:
0x57: {  	[sflag:s20] =	ssyncset.done $0x0;
	(pc) =	sbr.rel @p0 .LBB2_2-.Ltmp1, $4  }
0x58: {  	[sflag:s20] =	ssyncadd.s32 $0xFFFFC000  }
0x59: {  	_ =	swait.ge [sflag:s21], $0x4000  }
0x5a: {  	[sflag:s21] =	ssyncset.done $0x0  }
0x5b: {  	[sflag:s21] =	ssyncadd.s32 $0xFFFFC000  }
0x5c: {  	s4 =	sadd.s32 $0x1, s4  }
0x5d: {  	p0 =	sne.s32 s4, s12  }
.Ltmp2:
0x5e: {  	[bflag:$0x0] =	sbarrier.arrive $0xFFFF;
	(pc) =	sbr.rel @p0 .LBB2_1-.Ltmp2, $4  }
0x5f: {  	[hbm:s10], [sflag:s14] =	dma.local [spmem:s15], $0x2800  }
0x60: {  	_ =	swait.ge [sflag:s16], $0x2800  }
0x61: {  	[sflag:s16] =	ssyncset.done $0x0  }
0x62: {  	[sflag:s16] =	ssyncadd.s32 $0xFFFFD800  }
0x63: {  	_ =	sfence.sel $0x180000  }
0x64: {  	[bflag:$0x0] =	sbarrier.arrive $0xFFFF  }
0x65: {  	p0 =	sne.s32 s1, $0x0;
	_ =	strace $0x9000004D  }
0x66: {  	s0 =	sadd.s32 @!p0 $0x100000, s0;
	[bflag:$0x2] =	sbarrier.arrive $0xFFFF  }
0x67: {  	[sflag:s0] =	ssyncadd.tile.s32 @!p0 $0x1;
	_ =	shalt  }
.Lfunc_end2:
_tile_overlayer_lowered:
.L_overlay_start_2:
0x68: {  	(tag) =	ssettag $0x2  }
0x69: {  	s0 =	rddreg [dreg:$0x0];
	s2 =	stileid.u32  }
0x6a: {  	s1 =	rddreg [dreg:$0x1];
	p0 =	sne.s32 s2, $0x0  }
0x6b: {  	s3 =	rddreg [dreg:$0x2];
	[bflag:$0x3] =	sbarrier.arrive $0xFFFF;
	s2 =	simm.s32 @!p0 $0x1C05  }
0x6c: {  	[timem:s3], [sflag:s2] =	dma.local @!p0 [hbm:s0], s1  }
0x6d: {  	s0 =	simm.s32 @!p0 $0x5  }
0x6e: {  	_ =	swait.ge @!p0 [sflag:s0], s1  }
0x6f: {  	s1 =	ssub.s32 @!p0 $0x0, s1;
	[sflag:s0] =	ssyncset.done @!p0 $0x0  }
0x70: {  	[sflag:s0] =	ssyncadd.s32 @!p0 s1  }
0x71: {  	[bflag:$0x3] =	sbarrier.arrive $0xFFFF  }
0x72: {  	_ =	shalt  }

// kernel: kernel.23.cloned.1.call-start
scs
__scs_entry_jumppad:
0x0: {  	(pc) =	sbr.rel $0x88, $3  }
0x1: {  	(tag) =	ssettag $0x0;
	lr =	simm.s32 $0x1  }
0x2: {  	[smem:$0x3F8F] =	sst lr;
	_ =	strace $0xD0000000  }
0x3: {  	_ = 	snop  }
0x4: {  	_ = 	snop  }
0x5: {  	_ = 	snop  }
0x6: {  	_ = 	snop  }
0x7: {  	_ = 	snop  }
__scs_overlays_trampoline_lowered:
0x8: {  	[smem:$0x3F9E] =	sst s0  }
0x9: {  	[smem:$0x3F9F] =	sst s1  }
0xa: {  	[smem:$0x3FA0] =	sst s2  }
0xb: {  	[smem:$0x3FA1] =	sst s3  }
0xc: {  	[smem:$0x3FA2] =	sst s4  }
0xd: {  	[smem:$0x3FA3] =	sst s5  }
0xe: {  	[smem:$0x3FA4] =	sst s6  }
0xf: {  	[smem:$0x3FA5] =	sst s7  }
0x10: {  	[smem:$0x3FA6] =	sst s8  }
0x11: {  	[smem:$0x3FA7] =	sst s9;
	s0 =	simm.s32 @!p0 $0x0  }
0x12: {  	s1 =	sld [smem:$0x3F8D];
	s0 =	simm.s32 @p0 $0x1  }
0x13: {  	[smem:$0x3FA8] =	sst s0;
	s0 =	simm.s32 @!p1 $0x0  }
0x14: {  	s2 =	sld [smem:$0x3F8C];
	s0 =	simm.s32 @p1 $0x1  }
0x15: {  	[smem:$0x3FA9] =	sst s0;
	s0 =	simm.s32 @!p2 $0x0  }
0x16: {  	s3 =	sld [smem:$0x3FDB];
	s0 =	simm.s32 @p2 $0x1  }
0x17: {  	s4 =	simm.s32 $0x1BF5;
	[smem:$0x3FAB] =	sst s0  }
0x18: {  	s0 =	sld [smem:$0x3F8E];
	_ =	swait.ge [sflag:s4], $0x0  }
0x19: {  	s7 =	sld [smem:$0x3F8F]  }
0x1a: {  	s8 =	sadd.s32 $0xFFFFE003, lr  }
0x1b: {  	s9 =	sadd.s32 $0xFFFFFEF7, lr;
	s5 =	simm.s32 $0xFFFFFFFF;
	p2 =	slt.u32 s8, $0xFFFFF086  }
0x1c: {  	p1 =	slt.u32 s9, $0xF7A;
	s5 =	simm.s32 @!p2 $0x0  }
0x1d: {  	s5 =	simm.s32 @p1 $0x1;
	p0 =	seq.s32 s7, s2  }
0x1e: {  	s7 =	smul.u32 @!p0 $0xF7A, s2;
	p2 =	seq.s32 @!p0 s5, $0x0  }
0x1f: {  	s9 =	smul.u32 $0xF7A, s1;
	s8 =	simm.s32 @!p0 $0x1BF5;
	p2 =	por !p2, p0  }
0x20: {  	[sflag:s8] =	ssyncset.s32 @!p0 $0xFFFFF086;
	s6 =	sadd.s32 @!p0 s3, s7;
	s7 =	simm.s32 @!p0 $0x108  }
0x21: {  	s3 =	sadd.s32 s3, s9;
	s6 =	sadd.s32 @!p0 $0x88, s6;
	s7 =	simm.s32 @p2 $0x1082  }
0x22: {  	[simem:s7], [sflag:s8] =	dma.local @!p0 [hbm:s6], $0xF7A  }
0x23: {  	s9 =	sor.u32 $0xD0000000, s2;
	s6 =	simm.s32 $0x108;
	_ =	swait.ge @!p0 [sflag:s8], $0x0  }
0x24: {  	s3 =	sadd.s32 $0x88, s3;
	s6 =	simm.s32 @!p1 $0x1082;
	[sflag:s4] =	ssyncset.s32 $0xFFFFF086  }
0x25: {  	[simem:s6], [sflag:s4] =	dma.local [hbm:s3], $0xF7A  }
0x26: {  	[smem:$0x3F8F] =	sst s1;
	(tag) =	ssettag s2;
	_ =	strace s9  }
0x27: {  	s1 =	sld [smem:$0x3F9F]  }
0x28: {  	s2 =	sld [smem:$0x3FA0]  }
0x29: {  	s4 =	sld [smem:$0x3FA2]  }
0x2a: {  	p0 =	seq.s32 s5, $0x0;
	s5 =	sld [smem:$0x3FA3]  }
0x2b: {  	s6 =	sld [smem:$0x3FA4]  }
0x2c: {  	s7 =	sld [smem:$0x3FA5]  }
0x2d: {  	s3 =	simm.s32 $0x108;
	s8 =	sld [smem:$0x3FA6]  }
0x2e: {  	s3 =	simm.s32 @!p0 $0x1082;
	s9 =	sld [smem:$0x3FA7]  }
0x2f: {  	lr =	sadd.s32 s0, s3;
	s0 =	sld [smem:$0x3F9E]  }
0x30: {  	s3 =	sld [smem:$0x3FA1]  }
0x31: {  	[smem:$0x3FAA] =	sst s10  }
0x32: {  	s10 =	sld [smem:$0x3FA8];
	_ =	sdelay $0x3  }
0x33: {  	p0 =	seq.s32 s10, $0x1;
	s10 =	sld [smem:$0x3FAA];
	_ =	sdelay $0x3  }
0x34: {  	[smem:$0x3FAA] =	sst s10  }
0x35: {  	s10 =	sld [smem:$0x3FA9];
	_ =	sdelay $0x3  }
0x36: {  	p1 =	seq.s32 s10, $0x1;
	s10 =	sld [smem:$0x3FAA];
	_ =	sdelay $0x3  }
0x37: {  	[smem:$0x3FAA] =	sst s10  }
0x38: {  	s10 =	sld [smem:$0x3FAB]  }
0x39: {  	_ = 	snop;
	(pc) =	sbr.ind lr, $3  }
0x3a: {  	_ = 	snop  }
0x3b: {  	_ = 	snop  }
0x3c: {  	p2 =	seq.s32 s10, $0x1;
	s10 =	sld [smem:$0x3FAA]  }
0x3d: {  	_ =	shalt  }
0x3e: {  	_ =	shalt  }
0x3f: {  	_ =	shalt  }
0x40: {  	_ =	shalt  }
0x41: {  	_ =	shalt  }
0x42: {  	_ =	shalt  }
0x43: {  	_ =	shalt  }
0x44: {  	_ =	shalt  }
0x45: {  	_ =	shalt  }
0x46: {  	_ =	shalt  }
0x47: {  	_ =	shalt  }
0x48: {  	_ =	shalt  }
0x49: {  	_ =	shalt  }
0x4a: {  	_ =	shalt  }
0x4b: {  	_ =	shalt  }
0x4c: {  	_ =	shalt  }
0x4d: {  	_ =	shalt  }
0x4e: {  	_ =	shalt  }
0x4f: {  	_ =	shalt  }
0x50: {  	_ =	shalt  }
0x51: {  	_ =	shalt  }
0x52: {  	_ =	shalt  }
0x53: {  	_ =	shalt  }
0x54: {  	_ =	shalt  }
0x55: {  	_ =	shalt  }
0x56: {  	_ =	shalt  }
0x57: {  	_ =	shalt  }
0x58: {  	_ =	shalt  }
0x59: {  	_ =	shalt  }
0x5a: {  	_ =	shalt  }
0x5b: {  	_ =	shalt  }
0x5c: {  	_ =	shalt  }
0x5d: {  	_ =	shalt  }
0x5e: {  	_ =	shalt  }
0x5f: {  	_ =	shalt  }
0x60: {  	_ =	shalt  }
0x61: {  	_ =	shalt  }
0x62: {  	_ =	shalt  }
0x63: {  	_ =	shalt  }
0x64: {  	_ =	shalt  }
0x65: {  	_ =	shalt  }
0x66: {  	_ =	shalt  }
0x67: {  	_ =	shalt  }
0x68: {  	_ =	shalt  }
0x69: {  	_ =	shalt  }
0x6a: {  	_ =	shalt  }
0x6b: {  	_ =	shalt  }
0x6c: {  	_ =	shalt  }
0x6d: {  	_ =	shalt  }
0x6e: {  	_ =	shalt  }
0x6f: {  	_ =	shalt  }
0x70: {  	_ =	shalt  }
0x71: {  	_ =	shalt  }
0x72: {  	_ =	shalt  }
0x73: {  	_ =	shalt  }
0x74: {  	_ =	shalt  }
0x75: {  	_ =	shalt  }
0x76: {  	_ =	shalt  }
0x77: {  	_ =	shalt  }
0x78: {  	_ =	shalt  }
0x79: {  	_ =	shalt  }
0x7a: {  	_ =	shalt  }
0x7b: {  	_ =	shalt  }
0x7c: {  	_ =	shalt  }
0x7d: {  	_ =	shalt  }
0x7e: {  	_ =	shalt  }
0x7f: {  	_ =	shalt  }
0x80: {  	_ =	shalt  }
0x81: {  	_ =	shalt  }
0x82: {  	_ =	shalt  }
0x83: {  	_ =	shalt  }
0x84: {  	_ =	shalt  }
0x85: {  	_ =	shalt  }
0x86: {  	_ =	shalt  }
0x87: {  	_ =	shalt  }
.Lfunc_end0:
.L_simem_size_0:
called_computation.3_lowered:
.L_overlay_start_0:
0x88: {  	s2 =	sld [smem:$0x3FD9]  }
0x89: {  	s3 =	sld [smem:$0x3FFE];
	_ =	sdelay $0x1  }
0x8a: {  	s1 =	srdreg.scid  }
0x8b: {  	s0 =	sand.u32 $0x1, s1  }
0x8c: {  	s14 =	sshll.u32 s0, $0xA;
	s2 =	sadd.s32 s3, s2  }
0x8d: {  	s2 =	sadd.s32 s2, s14  }
0x8e: {  	[smem:$0x3FB6] =	sst s2  }
0x8f: {  	_ = 	snop  }
0x90: {  	s2 =	sld [smem:$0x3FD0];
	_ =	sdelay $0x2  }
0x91: {  	s15 =	simm.s32 $0xA;
	s4 =	simm.s32 $0x10  }
0x92: {  	[smem:s4], [sflag:s15] =	dma.local [hbm:s2], $0x1  }
0x93: {  	_ =	swait.eq [sflag:s15], $0x1  }
0x94: {  	[sflag:s15] =	ssyncset.done $0x0  }
0x95: {  	[sflag:s15] =	ssyncadd.s32 $0xFFFFFFFF  }
0x96: {  	s16 =	sld [smem:$0x10];
	(tm) =	ssettm $0x1  }
0x97: {  	s17 =	sld [smem:$0x3FFB];
	_ =	sdelay $0x3  }
0x98: {  	_ =	strace s17  }
0x99: {  	s3 =	sld [smem:$0x3FFC];
	_ =	sdelay $0x3  }
0x9a: {  	_ =	strace s3  }
0x9b: {  	s3 =	sld [smem:$0x3FFD];
	_ =	sdelay $0x3  }
0x9c: {  	_ =	strace s3  }
0x9d: {  	_ =	strace $0x8FFFFFFF  }
0x9e: {  	s18 =	sld [smem:$0x3FDB];
	_ =	sdelay $0x1  }
0x9f: {  	s19 =	simm.s32 $_scs_section_size  }
0xa0: {  	s5 =	simm.s32 $_size__tile_overlayer_lowered;
	s6 =	simm.s32 $_tile_overlayer_lowered  }
0xa1: {  	s22 =	simm.s32 $0x1BFF;
	s21 =	sshll.u32 s6, $0x1;
	s3 =	sadd.s32 s19, s18  }
0xa2: {  	s7 =	simm.s32 $0x0;
	s20 =	sshll.u32 s5, $0x1;
	s5 =	sadd.s32 s21, s3  }
0xa3: {  	[timem:s7], [sflag:s22] =	dma.local [hbm:s5], s20  }
0xa4: {  	_ =	swait.ge [sflag:s22], s20  }
0xa5: {  	s4 =	ssub.s32 $0x0, s20;
	[sflag:s22] =	ssyncset.done $0x0  }
0xa6: {  	[sflag:s22] =	ssyncadd.s32 s4;
	_ =	sdelay $0x1  }
0xa7: {  	s23 =	simm.s32 $0x1B8B  }
0xa8: {  	_ =	swait.ge [sflag:s23], $0x1  }
0xa9: {  	[sflag:s23] =	ssyncset.done $0x0  }
0xaa: {  	s25 =	simm.s32 $0x1B8E;
	s24 =	sld [smem:$0x3FFE];
	[sflag:s23] =	ssyncadd.s32 $0xFFFFFFFF  }
0xab: {  	s26 =	simm.s32 $execute0_lowered;
	[smem:$0x3FD2] =	sst s25  }
0xac: {  	s5 =	sshll.u32 s26, $0x1;
	_ =	strace $0x8000004F;
	[dreg:$0x1] =	wrdreg $0xFFFFFFFF  }
0xad: {  	s28 =	simm.s32 $_size_execute0_lowered;
	s3 =	sadd.s32 s3, s5;
	[dreg:$0x0] =	wrdreg $0x0  }
0xae: {  	s5 =	sshll.u32 s28, $0x1;
	[dreg:$0x2] =	wrdreg s3  }
0xaf: {  	[dreg:$0x3] =	wrdreg s5  }
0xb0: {  	[dreg:$0x4] =	wrdreg $0xC0  }
0xb1: {  	_ =	task [dreg:s7], $0x5FFFF  }
0xb2: {  	[dreg:$0x1] =	wrdreg $0xFFFFFFFF  }
0xb3: {  	[dreg:$0x0] =	wrdreg $0x60  }
0xb4: {  	[dreg:$0x2] =	wrdreg s24  }
0xb5: {  	[dreg:$0x3] =	wrdreg s16  }
0xb6: {  	[dreg:$0x4] =	wrdreg $0xA8000  }
0xb7: {  	[dreg:$0x5] =	wrdreg $0x9  }
0xb8: {  	_ =	task.clear_ibuf [dreg:s7], $0x6FFFF;
	_ =	strace $0x9000004F  }
0xb9: {  	s29 =	simm.s32 $0x9;
	_ =	strace $0x80000051  }
0xba: {  	_ =	swait.ge [sflag:s29], $0x1  }
0xbb: {  	[sflag:s29] =	ssyncadd.s32 $0xFFFFFFFF  }
0xbc: {  	_ =	strace $0x90000051  }
0xbd: {  	_ =	sfence  }
0xbe: {  	s30 =	sld [smem:$0x0];
	_ =	sdelay $0x2  }
0xbf: {  	s31 =	sshll.u32 s1, $0xD;
	s1 =	sshrl.u32 s1, $0x2  }
0xc0: {  	s3 =	sand.u32 $0x4000, s31;
	s1 =	sadd.s32 s1, s30  }
0xc1: {  	s0 =	sor.u32 s3, s0;
	s1 =	sshll.u32 s1, $0x11  }
0xc2: {  	s0 =	sor.u32 s1, s0  }
0xc3: {  	s0 =	sadd.s32 $0x8F2B, s0  }
0xc4: {  	[sflag:s0] =	ssyncadd.remote.s32 $0x1  }
0xc5: {  	_ =	sfence.sel $0xFFFF  }
0xc6: {  	[dreg:$0x0] =	wrdreg $0xFFFFFFFF;
	(pc) =	sbr.abs _section_cstart, $3  }
0xc7: {  	[dreg:$0x1] =	wrdreg $0xFFFFFFFF  }
0xc8: {  	_ =	task.clear_ibuf [dreg:s7], $0x2FFFF;
	_ =	strace $0x9FFFFFFF  }
0xc9: {  	(tm) =	ssettm $0x7FFFFFFF  }
tec
execute0_lowered:
.L_overlay_start_1:
0x0: {  	(tag) =	ssettag $0x1  }
0x1: {  	s5 =	rddreg [dreg:$0x0]  }
0x2: {  	s11 =	rddreg [dreg:$0x1]  }
0x3: {  	s2 =	rddreg [dreg:$0x2]  }
0x4: {  	s0 =	rddreg [dreg:$0x3];
	s1 =	stileid.u32  }
0x5: {  	s4 =	srdreg.scid;
	s3 =	simm.s32 $0x0;
	s15 =	simm.s32 $0x2800  }
0x6: {  	s16 =	simm.s32 $0x2;
	s17 =	simm.s32 $0x2780;
	s18 =	simm.s32 $0x6800  }
0x7: {  	s19 =	simm.s32 $0x80;
	s20 =	simm.s32 $0x0;
	s6 =	smul.u32 $0x2800, s1  }
0x8: {  	s7 =	sand.u32 $0x1, s4;
	[smem:$0x7FF] =	sst s3;
	s4 =	sadd.s32 $0x87800, s5  }
0x9: {  	s12 =	sadd.s32 $0x5000, s5;
	s13 =	smul.u32 $0x50000, s1;
	s29 =	sshll.u32 s1, $0x6  }
0xa: {  	s8 =	smul.u32 $0x28000, s7;
	_ =	strace $0x80000050;
	s25 =	ssub.s32 $0x2, s7  }
0xb: {  	s7 =	sshll.u32 s7, $0x4;
	s9 =	sadd.s32 s6, s5;
	s10 =	sshrl.u32 s25, $0x1  }
0xc: {  	s26 =	sor.u32 s1, s7;
	s28 =	sshrl.u32 s13, $0x2;
	s6 =	sadd.s32 s6, s8  }
0xd: {  	s8 =	ssub.s32 s25, s10;
	s30 =	smul.u32 $0x500, s26;
	s13 =	sadd.s32 s28, s2  }
0xe: {  	s14 =	sadd.s32 s6, s5;
	s5 =	sadd.s32 $0xF800, s9;
	s6 =	sor.u32 $0x1C03, s29  }
0xf: {  	s8 =	smax.u32 s8, $0x1;
	s13 =	sshrl.u32 s13, $0x3;
	s7 =	sadd.s32 $0xAF800, s14  }
0x10: {  	s31 =	sadd.s32 $0x280, s30;
	s9 =	sadd.s32 s11, s30;
	s10 =	sadd.s32 s12, s30  }
0x11: {  	s14 =	simm.s32 $0x3;
	s11 =	sadd.s32 s11, s31;
	s12 =	sadd.s32 s12, s31  }
.LBB2_1:
0x12: {  	[spmem:s13], [sflag:s6] =	dma.local [hbm:s5], $0x2800  }
0x13: {  	_ =	swait.ge [sflag:s14], $0x2800  }
0x14: {  	[sflag:s14] =	ssyncset.done $0x0  }
0x15: {  	[sflag:s14] =	ssyncadd.s32 $0xFFFFD800  }
0x16: {  	[bflag:$0x0] =	sbarrier.arrive $0xFFFF  }
0x17: {  	[tilespmem:s3], [sflag:$0x3] =	stream.linear.gather [hbm4b:s9+s3], $0x1400, $0x38;
	[tilespmem:$0x1E800] =	vst v63  }
0x18: {  	_ =	swait.ge [sflag:s14], $0x1400  }
0x19: {  	[sflag:s14] =	ssyncset.done $0x0  }
0x1a: {  	s21 =	simm.s32 $0x1400;
	[sflag:s14] =	ssyncadd.s32 $0xFFFFEC00  }
0x1b: {  	[tilespmem:s21], [sflag:$0x3] =	stream.linear.gather [hbm4b:s10+s3], $0x1400, $0x38;
	[tilespmem:$0x1E800] =	vst v63  }
0x1c: {  	s22 =	sand.u32 $0x1, s3;
	_ =	swait.ge [sflag:s14], $0x1400  }
0x1d: {  	p0 =	seq.s32 s22, $0x1;
	[sflag:s14] =	ssyncset.done $0x0  }
0x1e: {  	s22 =	simm.s32 @p0 $0x2;
	[sflag:s14] =	ssyncadd.s32 $0xFFFFEC00  }
0x1f: {  	[tilespmem:s15], [sflag:$0x1] =	stream.indirect.gather [hbm4b:s4+s19], $0x80, s3, s19, $0xb8;
	[tilespmem:$0x1E800] =	vst v63  }
0x20: {  	_ =	swait.ge @p0 [sflag:s22], $0x4000  }
0x21: {  	[sflag:s22] =	ssyncset.done @p0 $0x0  }
0x22: {  	s23 =	simm.s32 @p0 $0x2800;
	[sflag:s22] =	ssyncadd.s32 @p0 $0xFFFFC000;
	s22 =	simm.s32 @p0 $0x80  }
0x23: {  	[tilespmem:s23], [sflag:$0x1] =	stream.indirect.gather @p0 [hbm4b:s4+s22], $0x80, s19, s22, $0xb8;
	[tilespmem:$0x1E800] =	vst v63  }
0x24: {  	s24 =	simm.s32 @!p0 $0x1;
	s23 =	simm.s32 @p0 $0x6800  }
0x25: {  	[spmem:s2] =	stream.indirect.scatter.add.f32 @p0 [tilespmem:s23], [sflag:$0x3], $0x80, s21, s22, $0xb8;
	[tilespmem:$0x1E800] =	vst v63  }
0x26: {  	_ =	swait.ge @!p0 [sflag:s24], $0x4000  }
0x27: {  	s23 =	simm.s32 @!p0 $0x4;
	[sflag:s24] =	ssyncset.done @!p0 $0x0  }
0x28: {  	s22 =	simm.s32 @!p0 $0x80;
	[sflag:s24] =	ssyncadd.s32 @!p0 $0xFFFFC000;
	s24 =	simm.s32 @!p0 $0x6800  }
0x29: {  	[tilespmem:s24], [sflag:$0x2] =	stream.indirect.gather @!p0 [hbm4b:s4+s22], $0x80, s19, s22, $0xb8;
	[tilespmem:$0x1E800] =	vst v63  }
0x2a: {  	s25 =	simm.s32 $0x1;
	s23 =	simm.s32 @p0 $0x3;
	s24 =	simm.s32 @!p0 $0x2800  }
0x2b: {  	[spmem:s2] =	stream.indirect.scatter.add.f32 @!p0 [tilespmem:s24], [sflag:$0x4], $0x80, s21, s22, $0xb8;
	[tilespmem:$0x1E800] =	vst v63  }
0x2c: {  	s25 =	sand.u32 $0x1, s25;
	s24 =	simm.s32 $0x2;
	_ =	swait.ge [sflag:s23], $0x4000  }
0x2d: {  	s21 =	simm.s32 $0x100;
	s22 =	simm.s32 $0x1480;
	[sflag:s23] =	ssyncset.done $0x0  }
.LBB2_2:
0x2e: {  	p1 =	seq.s32 s25, $0x1  }
0x2f: {  	[sflag:s23] =	ssyncadd.s32 $0xFFFFC000;
	s25 =	smov.u32 s24;
	s24 =	sadd.s32 $0x1, s24  }
0x30: {  	p0 =	sne.s32 s24, $0x27;
	s26 =	simm.s32 @p1 $0x2;
	s23 =	simm.s32 @!p1 $0x4  }
0x31: {  	_ =	swait.ge @p1 [sflag:s26], $0x4000  }
0x32: {  	[sflag:s26] =	ssyncset.done @p1 $0x0  }
0x33: {  	s28 =	simm.s32 @p1 $0x2800;
	[sflag:s26] =	ssyncadd.s32 @p1 $0xFFFFC000;
	s26 =	simm.s32 @p1 $0x80  }
0x34: {  	[tilespmem:s28], [sflag:$0x1] =	stream.indirect.gather @p1 [hbm4b:s4+s26], $0x80, s21, s26, $0xb8;
	[tilespmem:$0x1E800] =	vst v63  }
0x35: {  	s29 =	simm.s32 @!p1 $0x1;
	s28 =	simm.s32 @p1 $0x6800  }
0x36: {  	[spmem:s2] =	stream.indirect.scatter.add.f32 @p1 [tilespmem:s28], [sflag:$0x3], $0x80, s22, s26, $0xb8;
	[tilespmem:$0x1E800] =	vst v63  }
0x37: {  	_ =	swait.ge @!p1 [sflag:s29], $0x4000  }
0x38: {  	[sflag:s29] =	ssyncset.done @!p1 $0x0  }
0x39: {  	s26 =	simm.s32 @!p1 $0x80;
	s28 =	simm.s32 @!p1 $0x6800;
	[sflag:s29] =	ssyncadd.s32 @!p1 $0xFFFFC000  }
0x3a: {  	[tilespmem:s28], [sflag:$0x2] =	stream.indirect.gather @!p1 [hbm4b:s4+s26], $0x80, s21, s26, $0xb8;
	[tilespmem:$0x1E800] =	vst v63  }
.Ltmp0:
0x3b: {  	_ = 	snop;
	(pc) =	sbr.rel @p0 .LBB2_2-.Ltmp0, $4  }
0x3c: {  	s23 =	simm.s32 @p1 $0x3;
	s28 =	simm.s32 @!p1 $0x2800  }
0x3d: {  	[spmem:s2] =	stream.indirect.scatter.add.f32 @!p1 [tilespmem:s28], [sflag:$0x4], $0x80, s22, s26, $0xb8;
	[tilespmem:$0x1E800] =	vst v63  }
0x3e: {  	s21 =	sadd.s32 $0x80, s21;
	_ =	swait.ge [sflag:s23], $0x4000  }
0x3f: {  	s25 =	sand.u32 $0x1, s25;
	s22 =	sadd.s32 $0x80, s22;
	[sflag:s23] =	ssyncset.done $0x0  }
0x40: {  	p0 =	seq.s32 s25, $0x1  }
0x41: {  	[sflag:s23] =	ssyncadd.s32 $0xFFFFC000;
	s23 =	simm.s32 @p0 $0x2  }
0x42: {  	_ =	swait.ge @p0 [sflag:s23], $0x4000  }
0x43: {  	[sflag:s23] =	ssyncset.done @p0 $0x0  }
0x44: {  	s24 =	simm.s32 @p0 $0x2800;
	[sflag:s23] =	ssyncadd.s32 @p0 $0xFFFFC000;
	s23 =	simm.s32 @p0 $0x80  }
0x45: {  	[tilespmem:s24], [sflag:$0x1] =	stream.indirect.gather @p0 [hbm4b:s4+s23], $0x80, s21, s23, $0xb8;
	[tilespmem:$0x1E800] =	vst v63  }
0x46: {  	s25 =	simm.s32 @!p0 $0x1;
	s24 =	simm.s32 @p0 $0x6800  }
0x47: {  	[spmem:s2] =	stream.indirect.scatter.add.f32 @p0 [tilespmem:s24], [sflag:$0x3], $0x80, s22, s23, $0xb8;
	[tilespmem:$0x1E800] =	vst v63  }
0x48: {  	_ =	swait.ge @!p0 [sflag:s25], $0x4000  }
0x49: {  	s23 =	simm.s32 @!p0 $0x4;
	[sflag:s25] =	ssyncset.done @!p0 $0x0  }
0x4a: {  	s24 =	simm.s32 @!p0 $0x80;
	[sflag:s25] =	ssyncadd.s32 @!p0 $0xFFFFC000;
	s25 =	simm.s32 @!p0 $0x6800  }
0x4b: {  	[tilespmem:s25], [sflag:$0x2] =	stream.indirect.gather @!p0 [hbm4b:s4+s24], $0x80, s21, s24, $0xb8;
	[tilespmem:$0x1E800] =	vst v63  }
0x4c: {  	s23 =	simm.s32 @p0 $0x3;
	s21 =	simm.s32 @!p0 $0x2800  }
0x4d: {  	[spmem:s2] =	stream.indirect.scatter.add.f32 @!p0 [tilespmem:s21], [sflag:$0x4], $0x80, s22, s24, $0xb8;
	[tilespmem:$0x1E800] =	vst v63  }
0x4e: {  	_ =	swait.ge [sflag:s23], $0x4000  }
0x4f: {  	[sflag:s23] =	ssyncset.done $0x0  }
0x50: {  	[sflag:s23] =	ssyncadd.s32 $0xFFFFC000  }
0x51: {  	_ =	swait.ge [sflag:s16], $0x4000  }
0x52: {  	[sflag:s16] =	ssyncset.done $0x0  }
0x53: {  	s21 =	simm.s32 $0x80;
	[sflag:s16] =	ssyncadd.s32 $0xFFFFC000  }
0x54: {  	[spmem:s2] =	stream.indirect.scatter.add.f32 [tilespmem:s18], [sflag:$0x3], $0x80, s17, s21, $0xb8;
	[tilespmem:$0x1E800] =	vst v63  }
0x55: {  	_ =	swait.ge [sflag:s14], $0x4000  }
0x56: {  	[sflag:s14] =	ssyncset.done $0x0  }
0x57: {  	s30 =	simm.s32 $0x0;
	[sflag:s14] =	ssyncadd.s32 $0xFFFFC000  }
0x58: {  	[tilespmem:s30], [sflag:$0x3] =	stream.linear.gather [hbm4b:s11+s30], $0x1400, $0x38;
	[tilespmem:$0x1E800] =	vst v63  }
0x59: {  	_ =	swait.ge [sflag:s14], $0x1400  }
0x5a: {  	[sflag:s14] =	ssyncset.done $0x0  }
0x5b: {  	s24 =	simm.s32 $0x1400;
	[sflag:s14] =	ssyncadd.s32 $0xFFFFEC00  }
0x5c: {  	[tilespmem:s24], [sflag:$0x3] =	stream.linear.gather [hbm4b:s12+s30], $0x1400, $0x38;
	[tilespmem:$0x1E800] =	vst v63  }
0x5d: {  	s22 =	sand.u32 $0x1, s30;
	_ =	swait.ge [sflag:s14], $0x1400  }
0x5e: {  	p0 =	seq.s32 s22, $0x0;
	[sflag:s14] =	ssyncset.done $0x0  }
0x5f: {  	s22 =	simm.s32 @p0 $0x1;
	[sflag:s14] =	ssyncadd.s32 $0xFFFFEC00  }
0x60: {  	[tilespmem:s15], [sflag:$0x1] =	stream.indirect.gather [hbm4b:s4+s21], $0x80, s30, s21, $0xb8;
	[tilespmem:$0x1E800] =	vst v63  }
0x61: {  	_ =	swait.ge @p0 [sflag:s22], $0x4000  }
0x62: {  	[sflag:s22] =	ssyncset.done @p0 $0x0  }
0x63: {  	s23 =	simm.s32 @p0 $0x6800;
	[sflag:s22] =	ssyncadd.s32 @p0 $0xFFFFC000;
	s22 =	simm.s32 @p0 $0x80  }
0x64: {  	[tilespmem:s23], [sflag:$0x2] =	stream.indirect.gather @p0 [hbm4b:s4+s22], $0x80, s21, s22, $0xb8;
	[tilespmem:$0x1E800] =	vst v63  }
0x65: {  	s25 =	simm.s32 @!p0 $0x2;
	s23 =	simm.s32 @p0 $0x2800  }
0x66: {  	[spmem:s2] =	stream.indirect.scatter.add.f32 @p0 [tilespmem:s23], [sflag:$0x4], $0x80, s24, s22, $0xb8;
	[tilespmem:$0x1E800] =	vst v63  }
0x67: {  	_ =	swait.ge @!p0 [sflag:s25], $0x4000  }
0x68: {  	s23 =	simm.s32 @!p0 $0x3;
	[sflag:s25] =	ssyncset.done @!p0 $0x0  }
0x69: {  	s22 =	simm.s32 @!p0 $0x80;
	[sflag:s25] =	ssyncadd.s32 @!p0 $0xFFFFC000;
	s25 =	simm.s32 @!p0 $0x2800  }
0x6a: {  	[tilespmem:s25], [sflag:$0x1] =	stream.indirect.gather @!p0 [hbm4b:s4+s22], $0x80, s21, s22, $0xb8;
	[tilespmem:$0x1E800] =	vst v63  }
0x6b: {  	s31 =	simm.s32 $0x1;
	s23 =	simm.s32 @p0 $0x4;
	s21 =	simm.s32 @!p0 $0x6800  }
0x6c: {  	[spmem:s2] =	stream.indirect.scatter.add.f32 @!p0 [tilespmem:s21], [sflag:$0x3], $0x80, s24, s22, $0xb8;
	[tilespmem:$0x1E800] =	vst v63  }
0x6d: {  	s25 =	sand.u32 $0x1, s31;
	s24 =	simm.s32 $0x2;
	_ =	swait.ge [sflag:s23], $0x4000  }
0x6e: {  	s21 =	simm.s32 $0x100;
	s22 =	simm.s32 $0x1480;
	[sflag:s23] =	ssyncset.done $0x0  }
.LBB2_4:
0x6f: {  	p1 =	seq.s32 s25, $0x0  }
0x70: {  	[sflag:s23] =	ssyncadd.s32 $0xFFFFC000;
	s25 =	smov.u32 s24;
	s24 =	sadd.s32 $0x1, s24  }
0x71: {  	p0 =	sne.s32 s24, $0x27;
	s26 =	simm.s32 @p1 $0x1;
	s23 =	simm.s32 @!p1 $0x3  }
0x72: {  	_ =	swait.ge @p1 [sflag:s26], $0x4000  }
0x73: {  	[sflag:s26] =	ssyncset.done @p1 $0x0  }
0x74: {  	s28 =	simm.s32 @p1 $0x6800;
	[sflag:s26] =	ssyncadd.s32 @p1 $0xFFFFC000;
	s26 =	simm.s32 @p1 $0x80  }
0x75: {  	[tilespmem:s28], [sflag:$0x2] =	stream.indirect.gather @p1 [hbm4b:s4+s26], $0x80, s21, s26, $0xb8;
	[tilespmem:$0x1E800] =	vst v63  }
0x76: {  	s29 =	simm.s32 @!p1 $0x2;
	s28 =	simm.s32 @p1 $0x2800  }
0x77: {  	[spmem:s2] =	stream.indirect.scatter.add.f32 @p1 [tilespmem:s28], [sflag:$0x4], $0x80, s22, s26, $0xb8;
	[tilespmem:$0x1E800] =	vst v63  }
0x78: {  	_ =	swait.ge @!p1 [sflag:s29], $0x4000  }
0x79: {  	[sflag:s29] =	ssyncset.done @!p1 $0x0  }
0x7a: {  	s26 =	simm.s32 @!p1 $0x80;
	s28 =	simm.s32 @!p1 $0x2800;
	[sflag:s29] =	ssyncadd.s32 @!p1 $0xFFFFC000  }
0x7b: {  	[tilespmem:s28], [sflag:$0x1] =	stream.indirect.gather @!p1 [hbm4b:s4+s26], $0x80, s21, s26, $0xb8;
	[tilespmem:$0x1E800] =	vst v63  }
.Ltmp1:
0x7c: {  	_ = 	snop;
	(pc) =	sbr.rel @p0 .LBB2_4-.Ltmp1, $4  }
0x7d: {  	s23 =	simm.s32 @p1 $0x4;
	s28 =	simm.s32 @!p1 $0x6800  }
0x7e: {  	[spmem:s2] =	stream.indirect.scatter.add.f32 @!p1 [tilespmem:s28], [sflag:$0x3], $0x80, s22, s26, $0xb8;
	[tilespmem:$0x1E800] =	vst v63  }
0x7f: {  	s21 =	sadd.s32 $0x80, s21;
	_ =	swait.ge [sflag:s23], $0x4000  }
0x80: {  	s25 =	sand.u32 $0x1, s25;
	s22 =	sadd.s32 $0x80, s22;
	[sflag:s23] =	ssyncset.done $0x0  }
0x81: {  	p0 =	seq.s32 s25, $0x0  }
0x82: {  	[sflag:s23] =	ssyncadd.s32 $0xFFFFC000;
	s23 =	simm.s32 @p0 $0x1  }
0x83: {  	_ =	swait.ge @p0 [sflag:s23], $0x4000  }
0x84: {  	[sflag:s23] =	ssyncset.done @p0 $0x0  }
0x85: {  	s24 =	simm.s32 @p0 $0x6800;
	[sflag:s23] =	ssyncadd.s32 @p0 $0xFFFFC000;
	s23 =	simm.s32 @p0 $0x80  }
0x86: {  	[tilespmem:s24], [sflag:$0x2] =	stream.indirect.gather @p0 [hbm4b:s4+s23], $0x80, s21, s23, $0xb8;
	[tilespmem:$0x1E800] =	vst v63  }
0x87: {  	s25 =	simm.s32 @!p0 $0x2;
	s24 =	simm.s32 @p0 $0x2800  }
0x88: {  	[spmem:s2] =	stream.indirect.scatter.add.f32 @p0 [tilespmem:s24], [sflag:$0x4], $0x80, s22, s23, $0xb8;
	[tilespmem:$0x1E800] =	vst v63  }
0x89: {  	_ =	swait.ge @!p0 [sflag:s25], $0x4000  }
0x8a: {  	s23 =	simm.s32 @!p0 $0x3;
	[sflag:s25] =	ssyncset.done @!p0 $0x0  }
0x8b: {  	s24 =	simm.s32 @!p0 $0x80;
	[sflag:s25] =	ssyncadd.s32 @!p0 $0xFFFFC000;
	s25 =	simm.s32 @!p0 $0x2800  }
0x8c: {  	[tilespmem:s25], [sflag:$0x1] =	stream.indirect.gather @!p0 [hbm4b:s4+s24], $0x80, s21, s24, $0xb8;
	[tilespmem:$0x1E800] =	vst v63  }
0x8d: {  	s23 =	simm.s32 @p0 $0x4;
	s21 =	simm.s32 @!p0 $0x6800  }
0x8e: {  	[spmem:s2] =	stream.indirect.scatter.add.f32 @!p0 [tilespmem:s21], [sflag:$0x3], $0x80, s22, s24, $0xb8;
	[tilespmem:$0x1E800] =	vst v63  }
0x8f: {  	_ =	swait.ge [sflag:s23], $0x4000  }
0x90: {  	[sflag:s23] =	ssyncset.done $0x0  }
0x91: {  	[sflag:s23] =	ssyncadd.s32 $0xFFFFC000  }
0x92: {  	_ =	swait.ge [sflag:s16], $0x4000  }
0x93: {  	[sflag:s16] =	ssyncset.done $0x0  }
0x94: {  	[sflag:s16] =	ssyncadd.s32 $0xFFFFC000  }
0x95: {  	[spmem:s2] =	stream.indirect.scatter.add.f32 [tilespmem:s18], [sflag:$0x3], $0x80, s17, s19, $0xb8;
	[tilespmem:$0x1E800] =	vst v63  }
0x96: {  	_ =	swait.ge [sflag:s14], $0x4000  }
0x97: {  	s20 =	sadd.s32 $0x1, s20;
	[sflag:s14] =	ssyncset.done $0x0  }
0x98: {  	p0 =	sne.s32 s20, s8;
	[sflag:s14] =	ssyncadd.s32 $0xFFFFC000  }
.Ltmp2:
0x99: {  	[bflag:$0x0] =	sbarrier.arrive $0xFFFF;
	(pc) =	sbr.rel @p0 .LBB2_1-.Ltmp2, $4  }
0x9a: {  	[hbm:s7], [sflag:s6] =	dma.local [spmem:s13], $0x2800  }
0x9b: {  	_ =	swait.ge [sflag:s14], $0x2800  }
0x9c: {  	[sflag:s14] =	ssyncset.done $0x0  }
0x9d: {  	[sflag:s14] =	ssyncadd.s32 $0xFFFFD800  }
0x9e: {  	_ =	sfence.sel $0x180000  }
0x9f: {  	[bflag:$0x0] =	sbarrier.arrive $0xFFFF  }
0xa0: {  	p0 =	sne.s32 s1, $0x0;
	_ =	strace $0x90000050  }
0xa1: {  	s0 =	sadd.s32 @!p0 $0x100000, s0;
	[bflag:$0x2] =	sbarrier.arrive $0xFFFF  }
0xa2: {  	[sflag:s0] =	ssyncadd.tile.s32 @!p0 $0x1;
	_ =	shalt  }
.Lfunc_end2:
_tile_overlayer_lowered:
.L_overlay_start_2:
0xa3: {  	(tag) =	ssettag $0x2  }
0xa4: {  	s0 =	rddreg [dreg:$0x0];
	s2 =	stileid.u32  }
0xa5: {  	s1 =	rddreg [dreg:$0x1];
	p0 =	sne.s32 s2, $0x0  }
0xa6: {  	s3 =	rddreg [dreg:$0x2];
	[bflag:$0x3] =	sbarrier.arrive $0xFFFF;
	s2 =	simm.s32 @!p0 $0x1C03  }
0xa7: {  	[timem:s3], [sflag:s2] =	dma.local @!p0 [hbm:s0], s1  }
0xa8: {  	s0 =	simm.s32 @!p0 $0x3  }
0xa9: {  	_ =	swait.ge @!p0 [sflag:s0], s1  }
0xaa: {  	s1 =	ssub.s32 @!p0 $0x0, s1;
	[sflag:s0] =	ssyncset.done @!p0 $0x0  }
0xab: {  	[sflag:s0] =	ssyncadd.s32 @!p0 s1  }
0xac: {  	[bflag:$0x3] =	sbarrier.arrive $0xFFFF  }
0xad: {  	_ =	shalt  }

</sc_bundles>
